<compile_context>
chip_gen: v7x
topology: tpu7x:2x2x1
jax: 0.10.2.dev20260603
libtpu: 0.0.44.dev20260713+nightly
codegen_flags: <defaults>
</compile_context>

<pallas_src>
import functools

import jax
import jax.numpy as jnp
from jax import lax
from jax.experimental import pallas as pl
from jax.experimental.pallas import tpu as pltpu
from jax.experimental.pallas import tpu_sc as plsc

NB = 16
NF = 80
NT = 8192
NS = 512
MAXD = 15
ROWS_PER_W = 40
RING = 10
SLOT = NT + 128

_mesh = plsc.VectorSubcoreMesh(core_axis_name="c", subcore_axis_name="s")


@functools.partial(
    pl.kernel,
    mesh=_mesh,
    compiler_params=pltpu.CompilerParams(needs_layout_passes=False),
    out_type=jax.ShapeDtypeStruct((NB, NF, NS), jnp.float32),
    scratch_types=[
        pltpu.VMEM((NS,), jnp.int32),
        pltpu.VMEM((NS,), jnp.int32),
        pltpu.VMEM((ROWS_PER_W, NS), jnp.float32),
        pltpu.VMEM((RING * SLOT,), jnp.float32),
        pltpu.VMEM((NS * MAXD,), jnp.int32),
        pltpu.SemaphoreType.DMA,
    ],
)
def _seg_avg(x_hbm, dur_hbm, out_hbm, dur_v, starts_v, out_v, ring_v, idx_tab,
             sem):
    cid = lax.axis_index("c")
    sid = lax.axis_index("s")
    wid = sid * 2 + cid
    batch = wid // 2
    f0 = (wid % 2) * ROWS_PER_W

    pltpu.sync_copy(dur_hbm.at[batch], dur_v)

    iota = jnp.arange(16, dtype=jnp.int32)
    lane15 = jnp.full((16,), 15, jnp.int32)

    def bounds_body(g, carry_v):
        base = pl.multiple_of(g * 16, 16)
        d = dur_v[pl.ds(base, 16)]
        ends = d
        for k in (1, 2, 4, 8):
            sh = ends.at[jnp.maximum(iota - k, 0)].get(mode="promise_in_bounds")
            ends = ends + jnp.where(iota >= k, sh, 0)
        ends = ends + carry_v
        starts_v[pl.ds(base, 16)] = ends - d
        return ends.at[lane15].get(mode="promise_in_bounds")

    lax.fori_loop(0, NS // 16, bounds_body, jnp.zeros((16,), jnp.int32))

    zeros = jnp.zeros((16,), jnp.float32)
    for q in range(RING):
        ring_v[pl.ds(q * SLOT + NT, 16)] = zeros

    def tab_body(g, _):
        base = pl.multiple_of(g * 16, 16)
        s = starts_v[pl.ds(base, 16)]
        l = dur_v[pl.ds(base, 16)]
        tb = pl.multiple_of(g * (16 * MAXD), 16)
        for d in range(MAXD):
            idx_tab[pl.ds(tb + d * 16, 16)] = jnp.where(l > d, s + d, NT)
        return 0

    lax.fori_loop(0, NS // 16, tab_body, 0)

    NG = 8
    NFLY = 4

    def compute_row(qbase, r):
        dead = qbase + NT

        def grp_body(g, _2):
            base = pl.multiple_of(g * (16 * NG), 16)
            tb = pl.multiple_of(g * (16 * NG * MAXD), 16)
            s = [
                starts_v[pl.ds(base + 16 * j, 16)] + qbase for j in range(NFLY)
            ]
            l = [dur_v[pl.ds(base + 16 * j, 16)] for j in range(NFLY)]
            acc = [zeros] * NG
            cnt = [zeros] * NG
            for d in range(MAXD):
                idx = [jnp.where(l[j] > d, s[j] + d, dead) for j in range(NFLY)]
                idx += [
                    idx_tab[pl.ds(tb + (j * MAXD + d) * 16, 16)] + qbase
                    for j in range(NFLY, NG)
                ]
                v = [plsc.load_gather(ring_v, [idx[j]]) for j in range(NG)]
                for j in range(NG):
                    acc[j] = acc[j] + v[j]
                    cnt[j] = cnt[j] + jnp.where(v[j] == 0.0, 0.0, 1.0)
            for j in range(NG):
                out_v[r, pl.ds(base + 16 * j, 16)] = (
                    acc[j] / jnp.maximum(cnt[j], 1.0)
                )
            return 0

        lax.fori_loop(0, NS // (16 * NG), grp_body, 0)

    for q in range(RING):
        pltpu.async_copy(
            x_hbm.at[batch, f0 + q], ring_v.at[pl.ds(q * SLOT, NT)], sem
        )

    def row_body(r, q):
        qbase = pl.multiple_of(q * SLOT, 16)
        pltpu.make_async_copy(
            x_hbm.at[batch, f0], ring_v.at[pl.ds(qbase, NT)], sem
        ).wait()
        compute_row(qbase, r)

        @pl.when(r < ROWS_PER_W - RING)
        def _refill():
            pltpu.async_copy(
                x_hbm.at[batch, f0 + r + RING],
                ring_v.at[pl.ds(qbase, NT)],
                sem,
            )

        return lax.rem(q + 1, RING)

    lax.fori_loop(0, ROWS_PER_W, row_body, 0)
    pltpu.sync_copy(out_v, out_hbm.at[batch, pl.ds(f0, ROWS_PER_W)])


def kernel(x, durations):
    return _seg_avg(x, durations.astype(jnp.int32))

# --- scband reference (transcript-rebuilt; emitter-appended) ---
"""Pipeline reference for scband-temporal-averager-55825984914004 (READ-ONLY COPY).

The authoritative reference and input builder live on the scoring server;
editing this copy changes nothing except your own understanding.
"""

import jax, jax.numpy as jnp
import numpy as np


def setup_inputs(seed: int = 0) -> dict:
    key = jax.random.key(seed)
    k1, k2 = jax.random.split(key)
    x = jax.random.normal(k1, (16, 80, 8192), dtype=jnp.float32)
    durations = jax.random.randint(k2, (16, 512), 0, 16)
    return {"x": x, "durations": durations}


def reference(x, durations):
    durs_cums_ends = jnp.cumsum(durations, axis=1)
    durs_cums_starts = jnp.pad(durs_cums_ends[:, :-1], ((0, 0), (1, 0)))
    x_nonzero_cums = jnp.pad(jnp.cumsum((x != 0.0).astype(jnp.int32), axis=2), ((0, 0), (0, 0), (1, 0)))
    x_cums = jnp.pad(jnp.cumsum(x, axis=2), ((0, 0), (0, 0), (1, 0)))
    b, n = durs_cums_ends.shape
    n_formants = x.shape[1]
    dcs = jnp.broadcast_to(durs_cums_starts[:, None, :], (b, n_formants, n))
    dce = jnp.broadcast_to(durs_cums_ends[:, None, :], (b, n_formants, n))
    x_sums = (jnp.take_along_axis(x_cums, dce, axis=2) - jnp.take_along_axis(x_cums, dcs, axis=2)).astype(jnp.float32)
    x_nelems = (jnp.take_along_axis(x_nonzero_cums, dce, axis=2) - jnp.take_along_axis(x_nonzero_cums, dcs, axis=2)).astype(jnp.float32)
    safe_nelems = jnp.where(x_nelems == 0.0, 1.0, x_nelems)
    x_avg = jnp.where(x_nelems == 0.0, x_nelems, x_sums / safe_nelems)
    return x_avg

if __name__ == "__main__":
    import jax
    _d = setup_inputs()
    print(jax.jit(kernel)(*tuple(_d.values())))

</pallas_src>

<mosaic_0001>
#map = affine_map<(d0, d1) -> (0, 0, 0)>
#map1 = affine_map<(d0, d1) -> (0, 0)>
module attributes {stable_mosaic.version = 14 : i64} {
  func.func @_seg_avg(%arg0: i32, %arg1: i32, %arg2: memref<16x80x8192xf32, #tpu.memory_space<hbm>>, %arg3: memref<16x512xi32, #tpu.memory_space<hbm>>, %arg4: memref<16x80x512xf32, #tpu.memory_space<hbm>>, %arg5: memref<512xi32, #tpu.memory_space<vmem>>, %arg6: memref<512xi32, #tpu.memory_space<vmem>>, %arg7: memref<40x512xf32, #tpu.memory_space<vmem>>, %arg8: memref<83200xf32, #tpu.memory_space<vmem>>, %arg9: memref<7680xi32, #tpu.memory_space<vmem>>, %arg10: memref<!tpu.dma_semaphore, #tpu.memory_space<semaphore_mem>>) attributes {dimension_semantics = [#tpu.dimension_semantics<core_parallel>, #tpu.dimension_semantics<subcore_parallel>], iteration_bounds = array<i64: 2, 16>, scalar_prefetch = 0 : i64, scratch_operands = 6 : i64, tpu.core_type = #tpu.core_type<sc_vector_subcore>, window_params = [{transform_indices = #map}, {transform_indices = #map1}, {transform_indices = #map}]} {
    %mul3A = arith.constant 2 : i32
    %mul3A_0 = arith.muli %arg1, %mul3A : i32
    %add3A = arith.addi %mul3A_0, %arg0 : i32
    %jit3A = arith.constant 2 : i32
    %div3A = arith.divsi %add3A, %jit3A : i32
    %sign3A = arith.constant 0 : i32
    %sign3A_1 = arith.cmpi sgt, %add3A, %sign3A : i32
    %sign3A_2 = arith.extui %sign3A_1 : i1 to i32
    %sign3A_3 = arith.constant 0 : i32
    %sign3A_4 = arith.cmpi slt, %add3A, %sign3A_3 : i32
    %sign3A_5 = arith.extui %sign3A_4 : i1 to i32
    %sign3A_6 = arith.subi %sign3A_2, %sign3A_5 : i32
    %sign3A_7 = arith.constant 0 : i32
    %sign3A_8 = arith.cmpi sgt, %jit3A, %sign3A_7 : i32
    %sign3A_9 = arith.extui %sign3A_8 : i1 to i32
    %sign3A_10 = arith.constant 0 : i32
    %sign3A_11 = arith.cmpi slt, %jit3A, %sign3A_10 : i32
    %sign3A_12 = arith.extui %sign3A_11 : i1 to i32
    %sign3A_13 = arith.subi %sign3A_9, %sign3A_12 : i32
    %ne3A = arith.cmpi ne, %sign3A_6, %sign3A_13 : i32
    %rem3A = arith.remsi %add3A, %jit3A : i32
    %ne3A_14 = arith.constant 0 : i32
    %ne3A_15 = arith.cmpi ne, %rem3A, %ne3A_14 : i32
    %and3A = arith.andi %ne3A, %ne3A_15 : i1
    %sub3A = arith.constant 1 : i32
    %sub3A_16 = arith.subi %div3A, %sub3A : i32
    %select_n3A = arith.select %and3A, %sub3A_16, %div3A : i32
    %jit3A_17 = arith.constant 2 : i32
    %eq3A = arith.constant 0 : i32
    %eq3A_18 = arith.cmpi eq, %jit3A_17, %eq3A : i32
    %jit3A_19 = arith.constant 1 : i32
    %select_n3A_20 = arith.select %eq3A_18, %jit3A_19, %jit3A_17 : i32
    %rem3A_21 = arith.remsi %add3A, %select_n3A_20 : i32
    %ne3A_22 = arith.constant 0 : i32
    %ne3A_23 = arith.cmpi ne, %rem3A_21, %ne3A_22 : i32
    %lt3A = arith.constant 0 : i32
    %lt3A_24 = arith.cmpi slt, %rem3A_21, %lt3A : i32
    %lt3A_25 = arith.constant 0 : i32
    %lt3A_26 = arith.cmpi slt, %select_n3A_20, %lt3A_25 : i32
    %ne3A_27 = arith.xori %lt3A_24, %lt3A_26 : i1
    %and3A_28 = arith.andi %ne3A_27, %ne3A_23 : i1
    %add3A_29 = arith.addi %rem3A_21, %select_n3A_20 : i32
    %select_n3A_30 = arith.select %and3A_28, %add3A_29, %rem3A_21 : i32
    %mul3A_31 = arith.constant 40 : i32
    %mul3A_32 = arith.muli %select_n3A_30, %mul3A_31 : i32
    "tpu.region"() ({
      %run_scoped3A = tpu.sem_alloc : memref<!tpu.dma_semaphore, #tpu.memory_space<semaphore_mem>>
      %dma_start3A_195 = arith.constant 0 : i32
      %dma_start3A_196 = tpu.memref_slice %arg3[%select_n3A, %dma_start3A_195] : memref<16x512xi32, #tpu.memory_space<hbm>> -> memref<1x512xi32, #tpu.memory_space<hbm>>
      %dma_start3A_197 = tpu.memref_squeeze %dma_start3A_196 : memref<1x512xi32, #tpu.memory_space<hbm>> -> memref<512xi32, #tpu.memory_space<hbm>>
      %dma_start3A_198 = arith.constant 0 : i32
      %dma_start3A_199 = tpu.memref_slice %arg3[%select_n3A, %dma_start3A_198] : memref<16x512xi32, #tpu.memory_space<hbm>> -> memref<1x512xi32, #tpu.memory_space<hbm>>
      %dma_start3A_200 = tpu.memref_squeeze %dma_start3A_199 : memref<1x512xi32, #tpu.memory_space<hbm>> -> memref<512xi32, #tpu.memory_space<hbm>>
      tpu.enqueue_dma source(%dma_start3A_200 : memref<512xi32, #tpu.memory_space<hbm>>) target(%arg5 : memref<512xi32, #tpu.memory_space<vmem>>) target_semaphore(%run_scoped3A : memref<!tpu.dma_semaphore, #tpu.memory_space<semaphore_mem>>)
      %dma_wait3A = arith.constant 0 : i32
      %dma_wait3A_201 = tpu.memref_slice %arg3[%select_n3A, %dma_wait3A] : memref<16x512xi32, #tpu.memory_space<hbm>> -> memref<1x512xi32, #tpu.memory_space<hbm>>
      %dma_wait3A_202 = tpu.memref_squeeze %dma_wait3A_201 : memref<1x512xi32, #tpu.memory_space<hbm>> -> memref<512xi32, #tpu.memory_space<hbm>>
      %dma_wait3A_203 = arith.constant 0 : i32
      %dma_wait3A_204 = tpu.memref_slice %arg3[%select_n3A, %dma_wait3A_203] : memref<16x512xi32, #tpu.memory_space<hbm>> -> memref<1x512xi32, #tpu.memory_space<hbm>>
      %dma_wait3A_205 = tpu.memref_squeeze %dma_wait3A_204 : memref<1x512xi32, #tpu.memory_space<hbm>> -> memref<512xi32, #tpu.memory_space<hbm>>
      tpu.wait_dma2 semaphore(%run_scoped3A : memref<!tpu.dma_semaphore, #tpu.memory_space<semaphore_mem>>) src(%dma_wait3A_205 : memref<512xi32, #tpu.memory_space<hbm>>) dst(%arg5 : memref<512xi32, #tpu.memory_space<vmem>>)
      tpu.yield
    }) : () -> ()
    %iota3A = tpu.iota {dimensions = array<i32: 0>} : vector<16xi32>
    %broadcast_in_dim3A = arith.constant 15 : i32
    %broadcast_in_dim3A_33 = vector.broadcast %broadcast_in_dim3A : i32 to vector<16xi32>
    %broadcast_in_dim3A_34 = arith.constant 0 : i32
    %broadcast_in_dim3A_35 = vector.broadcast %broadcast_in_dim3A_34 : i32 to vector<16xi32>
    %scan3A = arith.constant 0 : i32
    %scan3A_36 = arith.constant 32 : i32
    %scan3A_37 = arith.addi %scan3A, %scan3A_36 : i32
    %scan3A_38 = arith.constant 1 : i32
    %scan3A_39 = scf.for %scan3A_195 = %scan3A to %scan3A_37 step %scan3A_38 iter_args(%scan3A_196 = %broadcast_in_dim3A_35) -> (vector<16xi32>)  : i32 {
      %mul3A_197 = arith.constant 16 : i32
      %mul3A_198 = arith.muli %scan3A_195, %mul3A_197 : i32
      %multiple_of3A = tpu.assume_multiple %mul3A_198, 16 : i32
      %get3A = arith.index_cast %multiple_of3A : i32 to index
      %get3A_199 = tpu.vector_load %arg5[%get3A] {strides = array<i32>} : memref<512xi32, #tpu.memory_space<vmem>>, vector<16xi32>,
      %sub3A_200 = arith.constant 1 : i32
      %sub3A_201 = vector.broadcast %sub3A_200 : i32 to vector<16xi32>
      %sub3A_202 = arith.subi %iota3A, %sub3A_201 : vector<16xi32>
      %max3A = arith.constant 0 : i32
      %max3A_203 = vector.broadcast %max3A : i32 to vector<16xi32>
      %max3A_204 = arith.maxsi %sub3A_202, %max3A_203 : vector<16xi32>
      %lt3A_205 = arith.constant 0 : i32
      %lt3A_206 = vector.broadcast %lt3A_205 : i32 to vector<16xi32>
      %lt3A_207 = arith.cmpi slt, %max3A_204, %lt3A_206 : vector<16xi32>
      %add3A_208 = arith.constant 16 : i32
      %add3A_209 = vector.broadcast %add3A_208 : i32 to vector<16xi32>
      %add3A_210 = arith.addi %max3A_204, %add3A_209 : vector<16xi32>
      %select_n3A_211 = arith.select %lt3A_207, %add3A_210, %max3A_204 : vector<16xi1>, vector<16xi32>
      %broadcast_in_dim3A_212 = vector.shape_cast %select_n3A_211 : vector<16xi32> to vector<16x1xi32>
      %gather3A = vector.shape_cast %broadcast_in_dim3A_212 : vector<16x1xi32> to vector<16xi32>
      %gather3A_213 = tpu.dynamic_gather %get3A_199[%gather3A] in [0] : vector<16xi32>, vector<16xi32> -> vector<16xi32>
      %ge3A = arith.constant 1 : i32
      %ge3A_214 = vector.broadcast %ge3A : i32 to vector<16xi32>
      %ge3A_215 = arith.cmpi sge, %iota3A, %ge3A_214 : vector<16xi32>
      %jit3A_216 = arith.constant 0 : i32
      %broadcast_in_dim3A_217 = vector.broadcast %jit3A_216 : i32 to vector<16xi32>
      %select_n3A_218 = arith.select %ge3A_215, %gather3A_213, %broadcast_in_dim3A_217 : vector<16xi1>, vector<16xi32>
      %add3A_219 = arith.addi %get3A_199, %select_n3A_218 : vector<16xi32>
      %sub3A_220 = arith.constant 2 : i32
      %sub3A_221 = vector.broadcast %sub3A_220 : i32 to vector<16xi32>
      %sub3A_222 = arith.subi %iota3A, %sub3A_221 : vector<16xi32>
      %max3A_223 = arith.constant 0 : i32
      %max3A_224 = vector.broadcast %max3A_223 : i32 to vector<16xi32>
      %max3A_225 = arith.maxsi %sub3A_222, %max3A_224 : vector<16xi32>
      %lt3A_226 = arith.constant 0 : i32
      %lt3A_227 = vector.broadcast %lt3A_226 : i32 to vector<16xi32>
      %lt3A_228 = arith.cmpi slt, %max3A_225, %lt3A_227 : vector<16xi32>
      %add3A_229 = arith.constant 16 : i32
      %add3A_230 = vector.broadcast %add3A_229 : i32 to vector<16xi32>
      %add3A_231 = arith.addi %max3A_225, %add3A_230 : vector<16xi32>
      %select_n3A_232 = arith.select %lt3A_228, %add3A_231, %max3A_225 : vector<16xi1>, vector<16xi32>
      %broadcast_in_dim3A_233 = vector.shape_cast %select_n3A_232 : vector<16xi32> to vector<16x1xi32>
      %gather3A_234 = vector.shape_cast %broadcast_in_dim3A_233 : vector<16x1xi32> to vector<16xi32>
      %gather3A_235 = tpu.dynamic_gather %add3A_219[%gather3A_234] in [0] : vector<16xi32>, vector<16xi32> -> vector<16xi32>
      %ge3A_236 = arith.constant 2 : i32
      %ge3A_237 = vector.broadcast %ge3A_236 : i32 to vector<16xi32>
      %ge3A_238 = arith.cmpi sge, %iota3A, %ge3A_237 : vector<16xi32>
      %jit3A_239 = arith.constant 0 : i32
      %broadcast_in_dim3A_240 = vector.broadcast %jit3A_239 : i32 to vector<16xi32>
      %select_n3A_241 = arith.select %ge3A_238, %gather3A_235, %broadcast_in_dim3A_240 : vector<16xi1>, vector<16xi32>
      %add3A_242 = arith.addi %add3A_219, %select_n3A_241 : vector<16xi32>
      %sub3A_243 = arith.constant 4 : i32
      %sub3A_244 = vector.broadcast %sub3A_243 : i32 to vector<16xi32>
      %sub3A_245 = arith.subi %iota3A, %sub3A_244 : vector<16xi32>
      %max3A_246 = arith.constant 0 : i32
      %max3A_247 = vector.broadcast %max3A_246 : i32 to vector<16xi32>
      %max3A_248 = arith.maxsi %sub3A_245, %max3A_247 : vector<16xi32>
      %lt3A_249 = arith.constant 0 : i32
      %lt3A_250 = vector.broadcast %lt3A_249 : i32 to vector<16xi32>
      %lt3A_251 = arith.cmpi slt, %max3A_248, %lt3A_250 : vector<16xi32>
      %add3A_252 = arith.constant 16 : i32
      %add3A_253 = vector.broadcast %add3A_252 : i32 to vector<16xi32>
      %add3A_254 = arith.addi %max3A_248, %add3A_253 : vector<16xi32>
      %select_n3A_255 = arith.select %lt3A_251, %add3A_254, %max3A_248 : vector<16xi1>, vector<16xi32>
      %broadcast_in_dim3A_256 = vector.shape_cast %select_n3A_255 : vector<16xi32> to vector<16x1xi32>
      %gather3A_257 = vector.shape_cast %broadcast_in_dim3A_256 : vector<16x1xi32> to vector<16xi32>
      %gather3A_258 = tpu.dynamic_gather %add3A_242[%gather3A_257] in [0] : vector<16xi32>, vector<16xi32> -> vector<16xi32>
      %ge3A_259 = arith.constant 4 : i32
      %ge3A_260 = vector.broadcast %ge3A_259 : i32 to vector<16xi32>
      %ge3A_261 = arith.cmpi sge, %iota3A, %ge3A_260 : vector<16xi32>
      %jit3A_262 = arith.constant 0 : i32
      %broadcast_in_dim3A_263 = vector.broadcast %jit3A_262 : i32 to vector<16xi32>
      %select_n3A_264 = arith.select %ge3A_261, %gather3A_258, %broadcast_in_dim3A_263 : vector<16xi1>, vector<16xi32>
      %add3A_265 = arith.addi %add3A_242, %select_n3A_264 : vector<16xi32>
      %sub3A_266 = arith.constant 8 : i32
      %sub3A_267 = vector.broadcast %sub3A_266 : i32 to vector<16xi32>
      %sub3A_268 = arith.subi %iota3A, %sub3A_267 : vector<16xi32>
      %max3A_269 = arith.constant 0 : i32
      %max3A_270 = vector.broadcast %max3A_269 : i32 to vector<16xi32>
      %max3A_271 = arith.maxsi %sub3A_268, %max3A_270 : vector<16xi32>
      %lt3A_272 = arith.constant 0 : i32
      %lt3A_273 = vector.broadcast %lt3A_272 : i32 to vector<16xi32>
      %lt3A_274 = arith.cmpi slt, %max3A_271, %lt3A_273 : vector<16xi32>
      %add3A_275 = arith.constant 16 : i32
      %add3A_276 = vector.broadcast %add3A_275 : i32 to vector<16xi32>
      %add3A_277 = arith.addi %max3A_271, %add3A_276 : vector<16xi32>
      %select_n3A_278 = arith.select %lt3A_274, %add3A_277, %max3A_271 : vector<16xi1>, vector<16xi32>
      %broadcast_in_dim3A_279 = vector.shape_cast %select_n3A_278 : vector<16xi32> to vector<16x1xi32>
      %gather3A_280 = vector.shape_cast %broadcast_in_dim3A_279 : vector<16x1xi32> to vector<16xi32>
      %gather3A_281 = tpu.dynamic_gather %add3A_265[%gather3A_280] in [0] : vector<16xi32>, vector<16xi32> -> vector<16xi32>
      %ge3A_282 = arith.constant 8 : i32
      %ge3A_283 = vector.broadcast %ge3A_282 : i32 to vector<16xi32>
      %ge3A_284 = arith.cmpi sge, %iota3A, %ge3A_283 : vector<16xi32>
      %jit3A_285 = arith.constant 0 : i32
      %broadcast_in_dim3A_286 = vector.broadcast %jit3A_285 : i32 to vector<16xi32>
      %select_n3A_287 = arith.select %ge3A_284, %gather3A_281, %broadcast_in_dim3A_286 : vector<16xi1>, vector<16xi32>
      %add3A_288 = arith.addi %add3A_265, %select_n3A_287 : vector<16xi32>
      %add3A_289 = arith.addi %add3A_288, %scan3A_196 : vector<16xi32>
      %sub3A_290 = arith.subi %add3A_289, %get3A_199 : vector<16xi32>
      %swap3A_291 = arith.index_cast %multiple_of3A : i32 to index
      %swap3A_292 = tpu.vector_load %arg6[%swap3A_291] {strides = array<i32>} : memref<512xi32, #tpu.memory_space<vmem>>, vector<16xi32>,
      tpu.vector_store %arg6[%swap3A_291], %sub3A_290 {strides = array<i32>} : memref<512xi32, #tpu.memory_space<vmem>>, vector<16xi32>,
      %lt3A_293 = arith.constant 0 : i32
      %lt3A_294 = vector.broadcast %lt3A_293 : i32 to vector<16xi32>
      %lt3A_295 = arith.cmpi slt, %broadcast_in_dim3A_33, %lt3A_294 : vector<16xi32>
      %add3A_296 = arith.constant 16 : i32
      %add3A_297 = vector.broadcast %add3A_296 : i32 to vector<16xi32>
      %add3A_298 = arith.addi %broadcast_in_dim3A_33, %add3A_297 : vector<16xi32>
      %select_n3A_299 = arith.select %lt3A_295, %add3A_298, %broadcast_in_dim3A_33 : vector<16xi1>, vector<16xi32>
      %broadcast_in_dim3A_300 = vector.shape_cast %select_n3A_299 : vector<16xi32> to vector<16x1xi32>
      %gather3A_301 = vector.shape_cast %broadcast_in_dim3A_300 : vector<16x1xi32> to vector<16xi32>
      %gather3A_302 = tpu.dynamic_gather %add3A_289[%gather3A_301] in [0] : vector<16xi32>, vector<16xi32> -> vector<16xi32>
      scf.yield %gather3A_302 : vector<16xi32>
    }
    %scan3A_40 = arith.constant 32 : i32
    %broadcast_in_dim3A_41 = arith.constant 0.000000e+00 : f32
    %broadcast_in_dim3A_42 = vector.broadcast %broadcast_in_dim3A_41 : f32 to vector<16xf32>
    %swap3A = arith.constant 8192 : index
    %swap3A_43 = tpu.vector_load %arg8[%swap3A] {strides = array<i32>} : memref<83200xf32, #tpu.memory_space<vmem>>, vector<16xf32>,
    tpu.vector_store %arg8[%swap3A], %broadcast_in_dim3A_42 {strides = array<i32>} : memref<83200xf32, #tpu.memory_space<vmem>>, vector<16xf32>,
    %swap3A_44 = arith.constant 16512 : index
    %swap3A_45 = tpu.vector_load %arg8[%swap3A_44] {strides = array<i32>} : memref<83200xf32, #tpu.memory_space<vmem>>, vector<16xf32>,
    tpu.vector_store %arg8[%swap3A_44], %broadcast_in_dim3A_42 {strides = array<i32>} : memref<83200xf32, #tpu.memory_space<vmem>>, vector<16xf32>,
    %swap3A_46 = arith.constant 24832 : index
    %swap3A_47 = tpu.vector_load %arg8[%swap3A_46] {strides = array<i32>} : memref<83200xf32, #tpu.memory_space<vmem>>, vector<16xf32>,
    tpu.vector_store %arg8[%swap3A_46], %broadcast_in_dim3A_42 {strides = array<i32>} : memref<83200xf32, #tpu.memory_space<vmem>>, vector<16xf32>,
    %swap3A_48 = arith.constant 33152 : index
    %swap3A_49 = tpu.vector_load %arg8[%swap3A_48] {strides = array<i32>} : memref<83200xf32, #tpu.memory_space<vmem>>, vector<16xf32>,
    tpu.vector_store %arg8[%swap3A_48], %broadcast_in_dim3A_42 {strides = array<i32>} : memref<83200xf32, #tpu.memory_space<vmem>>, vector<16xf32>,
    %swap3A_50 = arith.constant 41472 : index
    %swap3A_51 = tpu.vector_load %arg8[%swap3A_50] {strides = array<i32>} : memref<83200xf32, #tpu.memory_space<vmem>>, vector<16xf32>,
    tpu.vector_store %arg8[%swap3A_50], %broadcast_in_dim3A_42 {strides = array<i32>} : memref<83200xf32, #tpu.memory_space<vmem>>, vector<16xf32>,
    %swap3A_52 = arith.constant 49792 : index
    %swap3A_53 = tpu.vector_load %arg8[%swap3A_52] {strides = array<i32>} : memref<83200xf32, #tpu.memory_space<vmem>>, vector<16xf32>,
    tpu.vector_store %arg8[%swap3A_52], %broadcast_in_dim3A_42 {strides = array<i32>} : memref<83200xf32, #tpu.memory_space<vmem>>, vector<16xf32>,
    %swap3A_54 = arith.constant 58112 : index
    %swap3A_55 = tpu.vector_load %arg8[%swap3A_54] {strides = array<i32>} : memref<83200xf32, #tpu.memory_space<vmem>>, vector<16xf32>,
    tpu.vector_store %arg8[%swap3A_54], %broadcast_in_dim3A_42 {strides = array<i32>} : memref<83200xf32, #tpu.memory_space<vmem>>, vector<16xf32>,
    %swap3A_56 = arith.constant 66432 : index
    %swap3A_57 = tpu.vector_load %arg8[%swap3A_56] {strides = array<i32>} : memref<83200xf32, #tpu.memory_space<vmem>>, vector<16xf32>,
    tpu.vector_store %arg8[%swap3A_56], %broadcast_in_dim3A_42 {strides = array<i32>} : memref<83200xf32, #tpu.memory_space<vmem>>, vector<16xf32>,
    %swap3A_58 = arith.constant 74752 : index
    %swap3A_59 = tpu.vector_load %arg8[%swap3A_58] {strides = array<i32>} : memref<83200xf32, #tpu.memory_space<vmem>>, vector<16xf32>,
    tpu.vector_store %arg8[%swap3A_58], %broadcast_in_dim3A_42 {strides = array<i32>} : memref<83200xf32, #tpu.memory_space<vmem>>, vector<16xf32>,
    %swap3A_60 = arith.constant 83072 : index
    %swap3A_61 = tpu.vector_load %arg8[%swap3A_60] {strides = array<i32>} : memref<83200xf32, #tpu.memory_space<vmem>>, vector<16xf32>,
    tpu.vector_store %arg8[%swap3A_60], %broadcast_in_dim3A_42 {strides = array<i32>} : memref<83200xf32, #tpu.memory_space<vmem>>, vector<16xf32>,
    %scan3A_62 = arith.constant 0 : i32
    %scan3A_63 = arith.constant 0 : i32
    %scan3A_64 = arith.constant 32 : i32
    %scan3A_65 = arith.addi %scan3A_63, %scan3A_64 : i32
    %scan3A_66 = arith.constant 1 : i32
    %scan3A_67 = scf.for %scan3A_195 = %scan3A_63 to %scan3A_65 step %scan3A_66 iter_args(%scan3A_196 = %scan3A_62) -> (i32)  : i32 {
      %mul3A_197 = arith.constant 16 : i32
      %mul3A_198 = arith.muli %scan3A_195, %mul3A_197 : i32
      %multiple_of3A = tpu.assume_multiple %mul3A_198, 16 : i32
      %get3A = arith.index_cast %multiple_of3A : i32 to index
      %get3A_199 = tpu.vector_load %arg6[%get3A] {strides = array<i32>} : memref<512xi32, #tpu.memory_space<vmem>>, vector<16xi32>,
      %get3A_200 = arith.index_cast %multiple_of3A : i32 to index
      %get3A_201 = tpu.vector_load %arg5[%get3A_200] {strides = array<i32>} : memref<512xi32, #tpu.memory_space<vmem>>, vector<16xi32>,
      %mul3A_202 = arith.constant 240 : i32
      %mul3A_203 = arith.muli %scan3A_195, %mul3A_202 : i32
      %multiple_of3A_204 = tpu.assume_multiple %mul3A_203, 16 : i32
      %gt3A = arith.constant 0 : i32
      %gt3A_205 = vector.broadcast %gt3A : i32 to vector<16xi32>
      %gt3A_206 = arith.cmpi sgt, %get3A_201, %gt3A_205 : vector<16xi32>
      %add3A_207 = arith.constant 0 : i32
      %add3A_208 = vector.broadcast %add3A_207 : i32 to vector<16xi32>
      %add3A_209 = arith.addi %get3A_199, %add3A_208 : vector<16xi32>
      %jit3A_210 = arith.constant 8192 : i32
      %broadcast_in_dim3A_211 = vector.broadcast %jit3A_210 : i32 to vector<16xi32>
      %select_n3A_212 = arith.select %gt3A_206, %add3A_209, %broadcast_in_dim3A_211 : vector<16xi1>, vector<16xi32>
      %add3A_213 = arith.constant 0 : i32
      %add3A_214 = arith.addi %multiple_of3A_204, %add3A_213 : i32
      %swap3A_215 = arith.index_cast %add3A_214 : i32 to index
      %swap3A_216 = tpu.vector_load %arg9[%swap3A_215] {strides = array<i32>} : memref<7680xi32, #tpu.memory_space<vmem>>, vector<16xi32>,
      tpu.vector_store %arg9[%swap3A_215], %select_n3A_212 {strides = array<i32>} : memref<7680xi32, #tpu.memory_space<vmem>>, vector<16xi32>,
      %gt3A_217 = arith.constant 1 : i32
      %gt3A_218 = vector.broadcast %gt3A_217 : i32 to vector<16xi32>
      %gt3A_219 = arith.cmpi sgt, %get3A_201, %gt3A_218 : vector<16xi32>
      %add3A_220 = arith.constant 1 : i32
      %add3A_221 = vector.broadcast %add3A_220 : i32 to vector<16xi32>
      %add3A_222 = arith.addi %get3A_199, %add3A_221 : vector<16xi32>
      %jit3A_223 = arith.constant 8192 : i32
      %broadcast_in_dim3A_224 = vector.broadcast %jit3A_223 : i32 to vector<16xi32>
      %select_n3A_225 = arith.select %gt3A_219, %add3A_222, %broadcast_in_dim3A_224 : vector<16xi1>, vector<16xi32>
      %add3A_226 = arith.constant 16 : i32
      %add3A_227 = arith.addi %multiple_of3A_204, %add3A_226 : i32
      %swap3A_228 = arith.index_cast %add3A_227 : i32 to index
      %swap3A_229 = tpu.vector_load %arg9[%swap3A_228] {strides = array<i32>} : memref<7680xi32, #tpu.memory_space<vmem>>, vector<16xi32>,
      tpu.vector_store %arg9[%swap3A_228], %select_n3A_225 {strides = array<i32>} : memref<7680xi32, #tpu.memory_space<vmem>>, vector<16xi32>,
      %gt3A_230 = arith.constant 2 : i32
      %gt3A_231 = vector.broadcast %gt3A_230 : i32 to vector<16xi32>
      %gt3A_232 = arith.cmpi sgt, %get3A_201, %gt3A_231 : vector<16xi32>
      %add3A_233 = arith.constant 2 : i32
      %add3A_234 = vector.broadcast %add3A_233 : i32 to vector<16xi32>
      %add3A_235 = arith.addi %get3A_199, %add3A_234 : vector<16xi32>
      %jit3A_236 = arith.constant 8192 : i32
      %broadcast_in_dim3A_237 = vector.broadcast %jit3A_236 : i32 to vector<16xi32>
      %select_n3A_238 = arith.select %gt3A_232, %add3A_235, %broadcast_in_dim3A_237 : vector<16xi1>, vector<16xi32>
      %add3A_239 = arith.constant 32 : i32
      %add3A_240 = arith.addi %multiple_of3A_204, %add3A_239 : i32
      %swap3A_241 = arith.index_cast %add3A_240 : i32 to index
      %swap3A_242 = tpu.vector_load %arg9[%swap3A_241] {strides = array<i32>} : memref<7680xi32, #tpu.memory_space<vmem>>, vector<16xi32>,
      tpu.vector_store %arg9[%swap3A_241], %select_n3A_238 {strides = array<i32>} : memref<7680xi32, #tpu.memory_space<vmem>>, vector<16xi32>,
      %gt3A_243 = arith.constant 3 : i32
      %gt3A_244 = vector.broadcast %gt3A_243 : i32 to vector<16xi32>
      %gt3A_245 = arith.cmpi sgt, %get3A_201, %gt3A_244 : vector<16xi32>
      %add3A_246 = arith.constant 3 : i32
      %add3A_247 = vector.broadcast %add3A_246 : i32 to vector<16xi32>
      %add3A_248 = arith.addi %get3A_199, %add3A_247 : vector<16xi32>
      %jit3A_249 = arith.constant 8192 : i32
      %broadcast_in_dim3A_250 = vector.broadcast %jit3A_249 : i32 to vector<16xi32>
      %select_n3A_251 = arith.select %gt3A_245, %add3A_248, %broadcast_in_dim3A_250 : vector<16xi1>, vector<16xi32>
      %add3A_252 = arith.constant 48 : i32
      %add3A_253 = arith.addi %multiple_of3A_204, %add3A_252 : i32
      %swap3A_254 = arith.index_cast %add3A_253 : i32 to index
      %swap3A_255 = tpu.vector_load %arg9[%swap3A_254] {strides = array<i32>} : memref<7680xi32, #tpu.memory_space<vmem>>, vector<16xi32>,
      tpu.vector_store %arg9[%swap3A_254], %select_n3A_251 {strides = array<i32>} : memref<7680xi32, #tpu.memory_space<vmem>>, vector<16xi32>,
      %gt3A_256 = arith.constant 4 : i32
      %gt3A_257 = vector.broadcast %gt3A_256 : i32 to vector<16xi32>
      %gt3A_258 = arith.cmpi sgt, %get3A_201, %gt3A_257 : vector<16xi32>
      %add3A_259 = arith.constant 4 : i32
      %add3A_260 = vector.broadcast %add3A_259 : i32 to vector<16xi32>
      %add3A_261 = arith.addi %get3A_199, %add3A_260 : vector<16xi32>
      %jit3A_262 = arith.constant 8192 : i32
      %broadcast_in_dim3A_263 = vector.broadcast %jit3A_262 : i32 to vector<16xi32>
      %select_n3A_264 = arith.select %gt3A_258, %add3A_261, %broadcast_in_dim3A_263 : vector<16xi1>, vector<16xi32>
      %add3A_265 = arith.constant 64 : i32
      %add3A_266 = arith.addi %multiple_of3A_204, %add3A_265 : i32
      %swap3A_267 = arith.index_cast %add3A_266 : i32 to index
      %swap3A_268 = tpu.vector_load %arg9[%swap3A_267] {strides = array<i32>} : memref<7680xi32, #tpu.memory_space<vmem>>, vector<16xi32>,
      tpu.vector_store %arg9[%swap3A_267], %select_n3A_264 {strides = array<i32>} : memref<7680xi32, #tpu.memory_space<vmem>>, vector<16xi32>,
      %gt3A_269 = arith.constant 5 : i32
      %gt3A_270 = vector.broadcast %gt3A_269 : i32 to vector<16xi32>
      %gt3A_271 = arith.cmpi sgt, %get3A_201, %gt3A_270 : vector<16xi32>
      %add3A_272 = arith.constant 5 : i32
      %add3A_273 = vector.broadcast %add3A_272 : i32 to vector<16xi32>
      %add3A_274 = arith.addi %get3A_199, %add3A_273 : vector<16xi32>
      %jit3A_275 = arith.constant 8192 : i32
      %broadcast_in_dim3A_276 = vector.broadcast %jit3A_275 : i32 to vector<16xi32>
      %select_n3A_277 = arith.select %gt3A_271, %add3A_274, %broadcast_in_dim3A_276 : vector<16xi1>, vector<16xi32>
      %add3A_278 = arith.constant 80 : i32
      %add3A_279 = arith.addi %multiple_of3A_204, %add3A_278 : i32
      %swap3A_280 = arith.index_cast %add3A_279 : i32 to index
      %swap3A_281 = tpu.vector_load %arg9[%swap3A_280] {strides = array<i32>} : memref<7680xi32, #tpu.memory_space<vmem>>, vector<16xi32>,
      tpu.vector_store %arg9[%swap3A_280], %select_n3A_277 {strides = array<i32>} : memref<7680xi32, #tpu.memory_space<vmem>>, vector<16xi32>,
      %gt3A_282 = arith.constant 6 : i32
      %gt3A_283 = vector.broadcast %gt3A_282 : i32 to vector<16xi32>
      %gt3A_284 = arith.cmpi sgt, %get3A_201, %gt3A_283 : vector<16xi32>
      %add3A_285 = arith.constant 6 : i32
      %add3A_286 = vector.broadcast %add3A_285 : i32 to vector<16xi32>
      %add3A_287 = arith.addi %get3A_199, %add3A_286 : vector<16xi32>
      %jit3A_288 = arith.constant 8192 : i32
      %broadcast_in_dim3A_289 = vector.broadcast %jit3A_288 : i32 to vector<16xi32>
      %select_n3A_290 = arith.select %gt3A_284, %add3A_287, %broadcast_in_dim3A_289 : vector<16xi1>, vector<16xi32>
      %add3A_291 = arith.constant 96 : i32
      %add3A_292 = arith.addi %multiple_of3A_204, %add3A_291 : i32
      %swap3A_293 = arith.index_cast %add3A_292 : i32 to index
      %swap3A_294 = tpu.vector_load %arg9[%swap3A_293] {strides = array<i32>} : memref<7680xi32, #tpu.memory_space<vmem>>, vector<16xi32>,
      tpu.vector_store %arg9[%swap3A_293], %select_n3A_290 {strides = array<i32>} : memref<7680xi32, #tpu.memory_space<vmem>>, vector<16xi32>,
      %gt3A_295 = arith.constant 7 : i32
      %gt3A_296 = vector.broadcast %gt3A_295 : i32 to vector<16xi32>
      %gt3A_297 = arith.cmpi sgt, %get3A_201, %gt3A_296 : vector<16xi32>
      %add3A_298 = arith.constant 7 : i32
      %add3A_299 = vector.broadcast %add3A_298 : i32 to vector<16xi32>
      %add3A_300 = arith.addi %get3A_199, %add3A_299 : vector<16xi32>
      %jit3A_301 = arith.constant 8192 : i32
      %broadcast_in_dim3A_302 = vector.broadcast %jit3A_301 : i32 to vector<16xi32>
      %select_n3A_303 = arith.select %gt3A_297, %add3A_300, %broadcast_in_dim3A_302 : vector<16xi1>, vector<16xi32>
      %add3A_304 = arith.constant 112 : i32
      %add3A_305 = arith.addi %multiple_of3A_204, %add3A_304 : i32
      %swap3A_306 = arith.index_cast %add3A_305 : i32 to index
      %swap3A_307 = tpu.vector_load %arg9[%swap3A_306] {strides = array<i32>} : memref<7680xi32, #tpu.memory_space<vmem>>, vector<16xi32>,
      tpu.vector_store %arg9[%swap3A_306], %select_n3A_303 {strides = array<i32>} : memref<7680xi32, #tpu.memory_space<vmem>>, vector<16xi32>,
      %gt3A_308 = arith.constant 8 : i32
      %gt3A_309 = vector.broadcast %gt3A_308 : i32 to vector<16xi32>
      %gt3A_310 = arith.cmpi sgt, %get3A_201, %gt3A_309 : vector<16xi32>
      %add3A_311 = arith.constant 8 : i32
      %add3A_312 = vector.broadcast %add3A_311 : i32 to vector<16xi32>
      %add3A_313 = arith.addi %get3A_199, %add3A_312 : vector<16xi32>
      %jit3A_314 = arith.constant 8192 : i32
      %broadcast_in_dim3A_315 = vector.broadcast %jit3A_314 : i32 to vector<16xi32>
      %select_n3A_316 = arith.select %gt3A_310, %add3A_313, %broadcast_in_dim3A_315 : vector<16xi1>, vector<16xi32>
      %add3A_317 = arith.constant 128 : i32
      %add3A_318 = arith.addi %multiple_of3A_204, %add3A_317 : i32
      %swap3A_319 = arith.index_cast %add3A_318 : i32 to index
      %swap3A_320 = tpu.vector_load %arg9[%swap3A_319] {strides = array<i32>} : memref<7680xi32, #tpu.memory_space<vmem>>, vector<16xi32>,
      tpu.vector_store %arg9[%swap3A_319], %select_n3A_316 {strides = array<i32>} : memref<7680xi32, #tpu.memory_space<vmem>>, vector<16xi32>,
      %gt3A_321 = arith.constant 9 : i32
      %gt3A_322 = vector.broadcast %gt3A_321 : i32 to vector<16xi32>
      %gt3A_323 = arith.cmpi sgt, %get3A_201, %gt3A_322 : vector<16xi32>
      %add3A_324 = arith.constant 9 : i32
      %add3A_325 = vector.broadcast %add3A_324 : i32 to vector<16xi32>
      %add3A_326 = arith.addi %get3A_199, %add3A_325 : vector<16xi32>
      %jit3A_327 = arith.constant 8192 : i32
      %broadcast_in_dim3A_328 = vector.broadcast %jit3A_327 : i32 to vector<16xi32>
      %select_n3A_329 = arith.select %gt3A_323, %add3A_326, %broadcast_in_dim3A_328 : vector<16xi1>, vector<16xi32>
      %add3A_330 = arith.constant 144 : i32
      %add3A_331 = arith.addi %multiple_of3A_204, %add3A_330 : i32
      %swap3A_332 = arith.index_cast %add3A_331 : i32 to index
      %swap3A_333 = tpu.vector_load %arg9[%swap3A_332] {strides = array<i32>} : memref<7680xi32, #tpu.memory_space<vmem>>, vector<16xi32>,
      tpu.vector_store %arg9[%swap3A_332], %select_n3A_329 {strides = array<i32>} : memref<7680xi32, #tpu.memory_space<vmem>>, vector<16xi32>,
      %gt3A_334 = arith.constant 10 : i32
      %gt3A_335 = vector.broadcast %gt3A_334 : i32 to vector<16xi32>
      %gt3A_336 = arith.cmpi sgt, %get3A_201, %gt3A_335 : vector<16xi32>
      %add3A_337 = arith.constant 10 : i32
      %add3A_338 = vector.broadcast %add3A_337 : i32 to vector<16xi32>
      %add3A_339 = arith.addi %get3A_199, %add3A_338 : vector<16xi32>
      %jit3A_340 = arith.constant 8192 : i32
      %broadcast_in_dim3A_341 = vector.broadcast %jit3A_340 : i32 to vector<16xi32>
      %select_n3A_342 = arith.select %gt3A_336, %add3A_339, %broadcast_in_dim3A_341 : vector<16xi1>, vector<16xi32>
      %add3A_343 = arith.constant 160 : i32
      %add3A_344 = arith.addi %multiple_of3A_204, %add3A_343 : i32
      %swap3A_345 = arith.index_cast %add3A_344 : i32 to index
      %swap3A_346 = tpu.vector_load %arg9[%swap3A_345] {strides = array<i32>} : memref<7680xi32, #tpu.memory_space<vmem>>, vector<16xi32>,
      tpu.vector_store %arg9[%swap3A_345], %select_n3A_342 {strides = array<i32>} : memref<7680xi32, #tpu.memory_space<vmem>>, vector<16xi32>,
      %gt3A_347 = arith.constant 11 : i32
      %gt3A_348 = vector.broadcast %gt3A_347 : i32 to vector<16xi32>
      %gt3A_349 = arith.cmpi sgt, %get3A_201, %gt3A_348 : vector<16xi32>
      %add3A_350 = arith.constant 11 : i32
      %add3A_351 = vector.broadcast %add3A_350 : i32 to vector<16xi32>
      %add3A_352 = arith.addi %get3A_199, %add3A_351 : vector<16xi32>
      %jit3A_353 = arith.constant 8192 : i32
      %broadcast_in_dim3A_354 = vector.broadcast %jit3A_353 : i32 to vector<16xi32>
      %select_n3A_355 = arith.select %gt3A_349, %add3A_352, %broadcast_in_dim3A_354 : vector<16xi1>, vector<16xi32>
      %add3A_356 = arith.constant 176 : i32
      %add3A_357 = arith.addi %multiple_of3A_204, %add3A_356 : i32
      %swap3A_358 = arith.index_cast %add3A_357 : i32 to index
      %swap3A_359 = tpu.vector_load %arg9[%swap3A_358] {strides = array<i32>} : memref<7680xi32, #tpu.memory_space<vmem>>, vector<16xi32>,
      tpu.vector_store %arg9[%swap3A_358], %select_n3A_355 {strides = array<i32>} : memref<7680xi32, #tpu.memory_space<vmem>>, vector<16xi32>,
      %gt3A_360 = arith.constant 12 : i32
      %gt3A_361 = vector.broadcast %gt3A_360 : i32 to vector<16xi32>
      %gt3A_362 = arith.cmpi sgt, %get3A_201, %gt3A_361 : vector<16xi32>
      %add3A_363 = arith.constant 12 : i32
      %add3A_364 = vector.broadcast %add3A_363 : i32 to vector<16xi32>
      %add3A_365 = arith.addi %get3A_199, %add3A_364 : vector<16xi32>
      %jit3A_366 = arith.constant 8192 : i32
      %broadcast_in_dim3A_367 = vector.broadcast %jit3A_366 : i32 to vector<16xi32>
      %select_n3A_368 = arith.select %gt3A_362, %add3A_365, %broadcast_in_dim3A_367 : vector<16xi1>, vector<16xi32>
      %add3A_369 = arith.constant 192 : i32
      %add3A_370 = arith.addi %multiple_of3A_204, %add3A_369 : i32
      %swap3A_371 = arith.index_cast %add3A_370 : i32 to index
      %swap3A_372 = tpu.vector_load %arg9[%swap3A_371] {strides = array<i32>} : memref<7680xi32, #tpu.memory_space<vmem>>, vector<16xi32>,
      tpu.vector_store %arg9[%swap3A_371], %select_n3A_368 {strides = array<i32>} : memref<7680xi32, #tpu.memory_space<vmem>>, vector<16xi32>,
      %gt3A_373 = arith.constant 13 : i32
      %gt3A_374 = vector.broadcast %gt3A_373 : i32 to vector<16xi32>
      %gt3A_375 = arith.cmpi sgt, %get3A_201, %gt3A_374 : vector<16xi32>
      %add3A_376 = arith.constant 13 : i32
      %add3A_377 = vector.broadcast %add3A_376 : i32 to vector<16xi32>
      %add3A_378 = arith.addi %get3A_199, %add3A_377 : vector<16xi32>
      %jit3A_379 = arith.constant 8192 : i32
      %broadcast_in_dim3A_380 = vector.broadcast %jit3A_379 : i32 to vector<16xi32>
      %select_n3A_381 = arith.select %gt3A_375, %add3A_378, %broadcast_in_dim3A_380 : vector<16xi1>, vector<16xi32>
      %add3A_382 = arith.constant 208 : i32
      %add3A_383 = arith.addi %multiple_of3A_204, %add3A_382 : i32
      %swap3A_384 = arith.index_cast %add3A_383 : i32 to index
      %swap3A_385 = tpu.vector_load %arg9[%swap3A_384] {strides = array<i32>} : memref<7680xi32, #tpu.memory_space<vmem>>, vector<16xi32>,
      tpu.vector_store %arg9[%swap3A_384], %select_n3A_381 {strides = array<i32>} : memref<7680xi32, #tpu.memory_space<vmem>>, vector<16xi32>,
      %gt3A_386 = arith.constant 14 : i32
      %gt3A_387 = vector.broadcast %gt3A_386 : i32 to vector<16xi32>
      %gt3A_388 = arith.cmpi sgt, %get3A_201, %gt3A_387 : vector<16xi32>
      %add3A_389 = arith.constant 14 : i32
      %add3A_390 = vector.broadcast %add3A_389 : i32 to vector<16xi32>
      %add3A_391 = arith.addi %get3A_199, %add3A_390 : vector<16xi32>
      %jit3A_392 = arith.constant 8192 : i32
      %broadcast_in_dim3A_393 = vector.broadcast %jit3A_392 : i32 to vector<16xi32>
      %select_n3A_394 = arith.select %gt3A_388, %add3A_391, %broadcast_in_dim3A_393 : vector<16xi1>, vector<16xi32>
      %add3A_395 = arith.constant 224 : i32
      %add3A_396 = arith.addi %multiple_of3A_204, %add3A_395 : i32
      %swap3A_397 = arith.index_cast %add3A_396 : i32 to index
      %swap3A_398 = tpu.vector_load %arg9[%swap3A_397] {strides = array<i32>} : memref<7680xi32, #tpu.memory_space<vmem>>, vector<16xi32>,
      tpu.vector_store %arg9[%swap3A_397], %select_n3A_394 {strides = array<i32>} : memref<7680xi32, #tpu.memory_space<vmem>>, vector<16xi32>,
      %scan3A_399 = arith.constant 0 : i32
      scf.yield %scan3A_399 : i32
    }
    %scan3A_68 = arith.constant 32 : i32
    %add3A_69 = arith.constant 0 : i32
    %add3A_70 = arith.addi %mul3A_32, %add3A_69 : i32
    %dma_start3A = arith.constant 0 : i32
    %dma_start3A_71 = tpu.memref_slice %arg8[%dma_start3A] : memref<83200xf32, #tpu.memory_space<vmem>> -> memref<8192xf32, #tpu.memory_space<vmem>>
    %dma_start3A_72 = arith.constant 0 : i32
    %dma_start3A_73 = tpu.memref_slice %arg2[%select_n3A, %add3A_70, %dma_start3A_72] : memref<16x80x8192xf32, #tpu.memory_space<hbm>> -> memref<1x1x8192xf32, #tpu.memory_space<hbm>>
    %dma_start3A_74 = tpu.memref_squeeze %dma_start3A_73 : memref<1x1x8192xf32, #tpu.memory_space<hbm>> -> memref<8192xf32, #tpu.memory_space<hbm>>
    %dma_start3A_75 = arith.constant 0 : i32
    %dma_start3A_76 = tpu.memref_slice %arg8[%dma_start3A_75] : memref<83200xf32, #tpu.memory_space<vmem>> -> memref<8192xf32, #tpu.memory_space<vmem>>
    %dma_start3A_77 = arith.constant 0 : i32
    %dma_start3A_78 = tpu.memref_slice %arg2[%select_n3A, %add3A_70, %dma_start3A_77] : memref<16x80x8192xf32, #tpu.memory_space<hbm>> -> memref<1x1x8192xf32, #tpu.memory_space<hbm>>
    %dma_start3A_79 = tpu.memref_squeeze %dma_start3A_78 : memref<1x1x8192xf32, #tpu.memory_space<hbm>> -> memref<8192xf32, #tpu.memory_space<hbm>>
    tpu.enqueue_dma source(%dma_start3A_79 : memref<8192xf32, #tpu.memory_space<hbm>>) target(%dma_start3A_76 : memref<8192xf32, #tpu.memory_space<vmem>>) target_semaphore(%arg10 : memref<!tpu.dma_semaphore, #tpu.memory_space<semaphore_mem>>)
    %add3A_80 = arith.constant 1 : i32
    %add3A_81 = arith.addi %mul3A_32, %add3A_80 : i32
    %dma_start3A_82 = arith.constant 8320 : i32
    %dma_start3A_83 = tpu.memref_slice %arg8[%dma_start3A_82] : memref<83200xf32, #tpu.memory_space<vmem>> -> memref<8192xf32, #tpu.memory_space<vmem>>
    %dma_start3A_84 = arith.constant 0 : i32
    %dma_start3A_85 = tpu.memref_slice %arg2[%select_n3A, %add3A_81, %dma_start3A_84] : memref<16x80x8192xf32, #tpu.memory_space<hbm>> -> memref<1x1x8192xf32, #tpu.memory_space<hbm>>
    %dma_start3A_86 = tpu.memref_squeeze %dma_start3A_85 : memref<1x1x8192xf32, #tpu.memory_space<hbm>> -> memref<8192xf32, #tpu.memory_space<hbm>>
    %dma_start3A_87 = arith.constant 8320 : i32
    %dma_start3A_88 = tpu.memref_slice %arg8[%dma_start3A_87] : memref<83200xf32, #tpu.memory_space<vmem>> -> memref<8192xf32, #tpu.memory_space<vmem>>
    %dma_start3A_89 = arith.constant 0 : i32
    %dma_start3A_90 = tpu.memref_slice %arg2[%select_n3A, %add3A_81, %dma_start3A_89] : memref<16x80x8192xf32, #tpu.memory_space<hbm>> -> memref<1x1x8192xf32, #tpu.memory_space<hbm>>
    %dma_start3A_91 = tpu.memref_squeeze %dma_start3A_90 : memref<1x1x8192xf32, #tpu.memory_space<hbm>> -> memref<8192xf32, #tpu.memory_space<hbm>>
    tpu.enqueue_dma source(%dma_start3A_91 : memref<8192xf32, #tpu.memory_space<hbm>>) target(%dma_start3A_88 : memref<8192xf32, #tpu.memory_space<vmem>>) target_semaphore(%arg10 : memref<!tpu.dma_semaphore, #tpu.memory_space<semaphore_mem>>)
    %add3A_92 = arith.constant 2 : i32
    %add3A_93 = arith.addi %mul3A_32, %add3A_92 : i32
    %dma_start3A_94 = arith.constant 16640 : i32
    %dma_start3A_95 = tpu.memref_slice %arg8[%dma_start3A_94] : memref<83200xf32, #tpu.memory_space<vmem>> -> memref<8192xf32, #tpu.memory_space<vmem>>
    %dma_start3A_96 = arith.constant 0 : i32
    %dma_start3A_97 = tpu.memref_slice %arg2[%select_n3A, %add3A_93, %dma_start3A_96] : memref<16x80x8192xf32, #tpu.memory_space<hbm>> -> memref<1x1x8192xf32, #tpu.memory_space<hbm>>
    %dma_start3A_98 = tpu.memref_squeeze %dma_start3A_97 : memref<1x1x8192xf32, #tpu.memory_space<hbm>> -> memref<8192xf32, #tpu.memory_space<hbm>>
    %dma_start3A_99 = arith.constant 16640 : i32
    %dma_start3A_100 = tpu.memref_slice %arg8[%dma_start3A_99] : memref<83200xf32, #tpu.memory_space<vmem>> -> memref<8192xf32, #tpu.memory_space<vmem>>
    %dma_start3A_101 = arith.constant 0 : i32
    %dma_start3A_102 = tpu.memref_slice %arg2[%select_n3A, %add3A_93, %dma_start3A_101] : memref<16x80x8192xf32, #tpu.memory_space<hbm>> -> memref<1x1x8192xf32, #tpu.memory_space<hbm>>
    %dma_start3A_103 = tpu.memref_squeeze %dma_start3A_102 : memref<1x1x8192xf32, #tpu.memory_space<hbm>> -> memref<8192xf32, #tpu.memory_space<hbm>>
    tpu.enqueue_dma source(%dma_start3A_103 : memref<8192xf32, #tpu.memory_space<hbm>>) target(%dma_start3A_100 : memref<8192xf32, #tpu.memory_space<vmem>>) target_semaphore(%arg10 : memref<!tpu.dma_semaphore, #tpu.memory_space<semaphore_mem>>)
    %add3A_104 = arith.constant 3 : i32
    %add3A_105 = arith.addi %mul3A_32, %add3A_104 : i32
    %dma_start3A_106 = arith.constant 24960 : i32
    %dma_start3A_107 = tpu.memref_slice %arg8[%dma_start3A_106] : memref<83200xf32, #tpu.memory_space<vmem>> -> memref<8192xf32, #tpu.memory_space<vmem>>
    %dma_start3A_108 = arith.constant 0 : i32
    %dma_start3A_109 = tpu.memref_slice %arg2[%select_n3A, %add3A_105, %dma_start3A_108] : memref<16x80x8192xf32, #tpu.memory_space<hbm>> -> memref<1x1x8192xf32, #tpu.memory_space<hbm>>
    %dma_start3A_110 = tpu.memref_squeeze %dma_start3A_109 : memref<1x1x8192xf32, #tpu.memory_space<hbm>> -> memref<8192xf32, #tpu.memory_space<hbm>>
    %dma_start3A_111 = arith.constant 24960 : i32
    %dma_start3A_112 = tpu.memref_slice %arg8[%dma_start3A_111] : memref<83200xf32, #tpu.memory_space<vmem>> -> memref<8192xf32, #tpu.memory_space<vmem>>
    %dma_start3A_113 = arith.constant 0 : i32
    %dma_start3A_114 = tpu.memref_slice %arg2[%select_n3A, %add3A_105, %dma_start3A_113] : memref<16x80x8192xf32, #tpu.memory_space<hbm>> -> memref<1x1x8192xf32, #tpu.memory_space<hbm>>
    %dma_start3A_115 = tpu.memref_squeeze %dma_start3A_114 : memref<1x1x8192xf32, #tpu.memory_space<hbm>> -> memref<8192xf32, #tpu.memory_space<hbm>>
    tpu.enqueue_dma source(%dma_start3A_115 : memref<8192xf32, #tpu.memory_space<hbm>>) target(%dma_start3A_112 : memref<8192xf32, #tpu.memory_space<vmem>>) target_semaphore(%arg10 : memref<!tpu.dma_semaphore, #tpu.memory_space<semaphore_mem>>)
    %add3A_116 = arith.constant 4 : i32
    %add3A_117 = arith.addi %mul3A_32, %add3A_116 : i32
    %dma_start3A_118 = arith.constant 33280 : i32
    %dma_start3A_119 = tpu.memref_slice %arg8[%dma_start3A_118] : memref<83200xf32, #tpu.memory_space<vmem>> -> memref<8192xf32, #tpu.memory_space<vmem>>
    %dma_start3A_120 = arith.constant 0 : i32
    %dma_start3A_121 = tpu.memref_slice %arg2[%select_n3A, %add3A_117, %dma_start3A_120] : memref<16x80x8192xf32, #tpu.memory_space<hbm>> -> memref<1x1x8192xf32, #tpu.memory_space<hbm>>
    %dma_start3A_122 = tpu.memref_squeeze %dma_start3A_121 : memref<1x1x8192xf32, #tpu.memory_space<hbm>> -> memref<8192xf32, #tpu.memory_space<hbm>>
    %dma_start3A_123 = arith.constant 33280 : i32
    %dma_start3A_124 = tpu.memref_slice %arg8[%dma_start3A_123] : memref<83200xf32, #tpu.memory_space<vmem>> -> memref<8192xf32, #tpu.memory_space<vmem>>
    %dma_start3A_125 = arith.constant 0 : i32
    %dma_start3A_126 = tpu.memref_slice %arg2[%select_n3A, %add3A_117, %dma_start3A_125] : memref<16x80x8192xf32, #tpu.memory_space<hbm>> -> memref<1x1x8192xf32, #tpu.memory_space<hbm>>
    %dma_start3A_127 = tpu.memref_squeeze %dma_start3A_126 : memref<1x1x8192xf32, #tpu.memory_space<hbm>> -> memref<8192xf32, #tpu.memory_space<hbm>>
    tpu.enqueue_dma source(%dma_start3A_127 : memref<8192xf32, #tpu.memory_space<hbm>>) target(%dma_start3A_124 : memref<8192xf32, #tpu.memory_space<vmem>>) target_semaphore(%arg10 : memref<!tpu.dma_semaphore, #tpu.memory_space<semaphore_mem>>)
    %add3A_128 = arith.constant 5 : i32
    %add3A_129 = arith.addi %mul3A_32, %add3A_128 : i32
    %dma_start3A_130 = arith.constant 41600 : i32
    %dma_start3A_131 = tpu.memref_slice %arg8[%dma_start3A_130] : memref<83200xf32, #tpu.memory_space<vmem>> -> memref<8192xf32, #tpu.memory_space<vmem>>
    %dma_start3A_132 = arith.constant 0 : i32
    %dma_start3A_133 = tpu.memref_slice %arg2[%select_n3A, %add3A_129, %dma_start3A_132] : memref<16x80x8192xf32, #tpu.memory_space<hbm>> -> memref<1x1x8192xf32, #tpu.memory_space<hbm>>
    %dma_start3A_134 = tpu.memref_squeeze %dma_start3A_133 : memref<1x1x8192xf32, #tpu.memory_space<hbm>> -> memref<8192xf32, #tpu.memory_space<hbm>>
    %dma_start3A_135 = arith.constant 41600 : i32
    %dma_start3A_136 = tpu.memref_slice %arg8[%dma_start3A_135] : memref<83200xf32, #tpu.memory_space<vmem>> -> memref<8192xf32, #tpu.memory_space<vmem>>
    %dma_start3A_137 = arith.constant 0 : i32
    %dma_start3A_138 = tpu.memref_slice %arg2[%select_n3A, %add3A_129, %dma_start3A_137] : memref<16x80x8192xf32, #tpu.memory_space<hbm>> -> memref<1x1x8192xf32, #tpu.memory_space<hbm>>
    %dma_start3A_139 = tpu.memref_squeeze %dma_start3A_138 : memref<1x1x8192xf32, #tpu.memory_space<hbm>> -> memref<8192xf32, #tpu.memory_space<hbm>>
    tpu.enqueue_dma source(%dma_start3A_139 : memref<8192xf32, #tpu.memory_space<hbm>>) target(%dma_start3A_136 : memref<8192xf32, #tpu.memory_space<vmem>>) target_semaphore(%arg10 : memref<!tpu.dma_semaphore, #tpu.memory_space<semaphore_mem>>)
    %add3A_140 = arith.constant 6 : i32
    %add3A_141 = arith.addi %mul3A_32, %add3A_140 : i32
    %dma_start3A_142 = arith.constant 49920 : i32
    %dma_start3A_143 = tpu.memref_slice %arg8[%dma_start3A_142] : memref<83200xf32, #tpu.memory_space<vmem>> -> memref<8192xf32, #tpu.memory_space<vmem>>
    %dma_start3A_144 = arith.constant 0 : i32
    %dma_start3A_145 = tpu.memref_slice %arg2[%select_n3A, %add3A_141, %dma_start3A_144] : memref<16x80x8192xf32, #tpu.memory_space<hbm>> -> memref<1x1x8192xf32, #tpu.memory_space<hbm>>
    %dma_start3A_146 = tpu.memref_squeeze %dma_start3A_145 : memref<1x1x8192xf32, #tpu.memory_space<hbm>> -> memref<8192xf32, #tpu.memory_space<hbm>>
    %dma_start3A_147 = arith.constant 49920 : i32
    %dma_start3A_148 = tpu.memref_slice %arg8[%dma_start3A_147] : memref<83200xf32, #tpu.memory_space<vmem>> -> memref<8192xf32, #tpu.memory_space<vmem>>
    %dma_start3A_149 = arith.constant 0 : i32
    %dma_start3A_150 = tpu.memref_slice %arg2[%select_n3A, %add3A_141, %dma_start3A_149] : memref<16x80x8192xf32, #tpu.memory_space<hbm>> -> memref<1x1x8192xf32, #tpu.memory_space<hbm>>
    %dma_start3A_151 = tpu.memref_squeeze %dma_start3A_150 : memref<1x1x8192xf32, #tpu.memory_space<hbm>> -> memref<8192xf32, #tpu.memory_space<hbm>>
    tpu.enqueue_dma source(%dma_start3A_151 : memref<8192xf32, #tpu.memory_space<hbm>>) target(%dma_start3A_148 : memref<8192xf32, #tpu.memory_space<vmem>>) target_semaphore(%arg10 : memref<!tpu.dma_semaphore, #tpu.memory_space<semaphore_mem>>)
    %add3A_152 = arith.constant 7 : i32
    %add3A_153 = arith.addi %mul3A_32, %add3A_152 : i32
    %dma_start3A_154 = arith.constant 58240 : i32
    %dma_start3A_155 = tpu.memref_slice %arg8[%dma_start3A_154] : memref<83200xf32, #tpu.memory_space<vmem>> -> memref<8192xf32, #tpu.memory_space<vmem>>
    %dma_start3A_156 = arith.constant 0 : i32
    %dma_start3A_157 = tpu.memref_slice %arg2[%select_n3A, %add3A_153, %dma_start3A_156] : memref<16x80x8192xf32, #tpu.memory_space<hbm>> -> memref<1x1x8192xf32, #tpu.memory_space<hbm>>
    %dma_start3A_158 = tpu.memref_squeeze %dma_start3A_157 : memref<1x1x8192xf32, #tpu.memory_space<hbm>> -> memref<8192xf32, #tpu.memory_space<hbm>>
    %dma_start3A_159 = arith.constant 58240 : i32
    %dma_start3A_160 = tpu.memref_slice %arg8[%dma_start3A_159] : memref<83200xf32, #tpu.memory_space<vmem>> -> memref<8192xf32, #tpu.memory_space<vmem>>
    %dma_start3A_161 = arith.constant 0 : i32
    %dma_start3A_162 = tpu.memref_slice %arg2[%select_n3A, %add3A_153, %dma_start3A_161] : memref<16x80x8192xf32, #tpu.memory_space<hbm>> -> memref<1x1x8192xf32, #tpu.memory_space<hbm>>
    %dma_start3A_163 = tpu.memref_squeeze %dma_start3A_162 : memref<1x1x8192xf32, #tpu.memory_space<hbm>> -> memref<8192xf32, #tpu.memory_space<hbm>>
    tpu.enqueue_dma source(%dma_start3A_163 : memref<8192xf32, #tpu.memory_space<hbm>>) target(%dma_start3A_160 : memref<8192xf32, #tpu.memory_space<vmem>>) target_semaphore(%arg10 : memref<!tpu.dma_semaphore, #tpu.memory_space<semaphore_mem>>)
    %add3A_164 = arith.constant 8 : i32
    %add3A_165 = arith.addi %mul3A_32, %add3A_164 : i32
    %dma_start3A_166 = arith.constant 66560 : i32
    %dma_start3A_167 = tpu.memref_slice %arg8[%dma_start3A_166] : memref<83200xf32, #tpu.memory_space<vmem>> -> memref<8192xf32, #tpu.memory_space<vmem>>
    %dma_start3A_168 = arith.constant 0 : i32
    %dma_start3A_169 = tpu.memref_slice %arg2[%select_n3A, %add3A_165, %dma_start3A_168] : memref<16x80x8192xf32, #tpu.memory_space<hbm>> -> memref<1x1x8192xf32, #tpu.memory_space<hbm>>
    %dma_start3A_170 = tpu.memref_squeeze %dma_start3A_169 : memref<1x1x8192xf32, #tpu.memory_space<hbm>> -> memref<8192xf32, #tpu.memory_space<hbm>>
    %dma_start3A_171 = arith.constant 66560 : i32
    %dma_start3A_172 = tpu.memref_slice %arg8[%dma_start3A_171] : memref<83200xf32, #tpu.memory_space<vmem>> -> memref<8192xf32, #tpu.memory_space<vmem>>
    %dma_start3A_173 = arith.constant 0 : i32
    %dma_start3A_174 = tpu.memref_slice %arg2[%select_n3A, %add3A_165, %dma_start3A_173] : memref<16x80x8192xf32, #tpu.memory_space<hbm>> -> memref<1x1x8192xf32, #tpu.memory_space<hbm>>
    %dma_start3A_175 = tpu.memref_squeeze %dma_start3A_174 : memref<1x1x8192xf32, #tpu.memory_space<hbm>> -> memref<8192xf32, #tpu.memory_space<hbm>>
    tpu.enqueue_dma source(%dma_start3A_175 : memref<8192xf32, #tpu.memory_space<hbm>>) target(%dma_start3A_172 : memref<8192xf32, #tpu.memory_space<vmem>>) target_semaphore(%arg10 : memref<!tpu.dma_semaphore, #tpu.memory_space<semaphore_mem>>)
    %add3A_176 = arith.constant 9 : i32
    %add3A_177 = arith.addi %mul3A_32, %add3A_176 : i32
    %dma_start3A_178 = arith.constant 74880 : i32
    %dma_start3A_179 = tpu.memref_slice %arg8[%dma_start3A_178] : memref<83200xf32, #tpu.memory_space<vmem>> -> memref<8192xf32, #tpu.memory_space<vmem>>
    %dma_start3A_180 = arith.constant 0 : i32
    %dma_start3A_181 = tpu.memref_slice %arg2[%select_n3A, %add3A_177, %dma_start3A_180] : memref<16x80x8192xf32, #tpu.memory_space<hbm>> -> memref<1x1x8192xf32, #tpu.memory_space<hbm>>
    %dma_start3A_182 = tpu.memref_squeeze %dma_start3A_181 : memref<1x1x8192xf32, #tpu.memory_space<hbm>> -> memref<8192xf32, #tpu.memory_space<hbm>>
    %dma_start3A_183 = arith.constant 74880 : i32
    %dma_start3A_184 = tpu.memref_slice %arg8[%dma_start3A_183] : memref<83200xf32, #tpu.memory_space<vmem>> -> memref<8192xf32, #tpu.memory_space<vmem>>
    %dma_start3A_185 = arith.constant 0 : i32
    %dma_start3A_186 = tpu.memref_slice %arg2[%select_n3A, %add3A_177, %dma_start3A_185] : memref<16x80x8192xf32, #tpu.memory_space<hbm>> -> memref<1x1x8192xf32, #tpu.memory_space<hbm>>
    %dma_start3A_187 = tpu.memref_squeeze %dma_start3A_186 : memref<1x1x8192xf32, #tpu.memory_space<hbm>> -> memref<8192xf32, #tpu.memory_space<hbm>>
    tpu.enqueue_dma source(%dma_start3A_187 : memref<8192xf32, #tpu.memory_space<hbm>>) target(%dma_start3A_184 : memref<8192xf32, #tpu.memory_space<vmem>>) target_semaphore(%arg10 : memref<!tpu.dma_semaphore, #tpu.memory_space<semaphore_mem>>)
    %scan3A_188 = arith.constant 0 : i32
    %scan3A_189 = arith.constant 0 : i32
    %scan3A_190 = arith.constant 40 : i32
    %scan3A_191 = arith.addi %scan3A_189, %scan3A_190 : i32
    %scan3A_192 = arith.constant 1 : i32
    %scan3A_193 = scf.for %scan3A_195 = %scan3A_189 to %scan3A_191 step %scan3A_192 iter_args(%scan3A_196 = %scan3A_188) -> (i32)  : i32 {
      %mul3A_197 = arith.constant 8320 : i32
      %mul3A_198 = arith.muli %scan3A_196, %mul3A_197 : i32
      %multiple_of3A = tpu.assume_multiple %mul3A_198, 16 : i32
      %dma_wait3A = tpu.memref_slice %arg8[%multiple_of3A] : memref<83200xf32, #tpu.memory_space<vmem>> -> memref<8192xf32, #tpu.memory_space<vmem>>
      %dma_wait3A_199 = arith.constant 0 : i32
      %dma_wait3A_200 = tpu.memref_slice %arg2[%select_n3A, %mul3A_32, %dma_wait3A_199] : memref<16x80x8192xf32, #tpu.memory_space<hbm>> -> memref<1x1x8192xf32, #tpu.memory_space<hbm>>
      %dma_wait3A_201 = tpu.memref_squeeze %dma_wait3A_200 : memref<1x1x8192xf32, #tpu.memory_space<hbm>> -> memref<8192xf32, #tpu.memory_space<hbm>>
      %dma_wait3A_202 = tpu.memref_slice %arg8[%multiple_of3A] : memref<83200xf32, #tpu.memory_space<vmem>> -> memref<8192xf32, #tpu.memory_space<vmem>>
      %dma_wait3A_203 = arith.constant 0 : i32
      %dma_wait3A_204 = tpu.memref_slice %arg2[%select_n3A, %mul3A_32, %dma_wait3A_203] : memref<16x80x8192xf32, #tpu.memory_space<hbm>> -> memref<1x1x8192xf32, #tpu.memory_space<hbm>>
      %dma_wait3A_205 = tpu.memref_squeeze %dma_wait3A_204 : memref<1x1x8192xf32, #tpu.memory_space<hbm>> -> memref<8192xf32, #tpu.memory_space<hbm>>
      tpu.wait_dma2 semaphore(%arg10 : memref<!tpu.dma_semaphore, #tpu.memory_space<semaphore_mem>>) src(%dma_wait3A_205 : memref<8192xf32, #tpu.memory_space<hbm>>) dst(%dma_wait3A_202 : memref<8192xf32, #tpu.memory_space<vmem>>)
      %add3A_206 = arith.constant 8192 : i32
      %add3A_207 = arith.addi %multiple_of3A, %add3A_206 : i32
      %scan3A_208 = arith.constant 0 : i32
      %scan3A_209 = arith.constant 0 : i32
      %scan3A_210 = arith.constant 4 : i32
      %scan3A_211 = arith.addi %scan3A_209, %scan3A_210 : i32
      %scan3A_212 = arith.constant 1 : i32
      %scan3A_213 = scf.for %scan3A_222 = %scan3A_209 to %scan3A_211 step %scan3A_212 iter_args(%scan3A_223 = %scan3A_208) -> (i32)  : i32 {
        %mul3A_224 = arith.constant 128 : i32
        %mul3A_225 = arith.muli %scan3A_222, %mul3A_224 : i32
        %multiple_of3A_226 = tpu.assume_multiple %mul3A_225, 16 : i32
        %mul3A_227 = arith.constant 1920 : i32
        %mul3A_228 = arith.muli %scan3A_222, %mul3A_227 : i32
        %multiple_of3A_229 = tpu.assume_multiple %mul3A_228, 16 : i32
        %add3A_230 = arith.constant 0 : i32
        %add3A_231 = arith.addi %multiple_of3A_226, %add3A_230 : i32
        %get3A = arith.index_cast %add3A_231 : i32 to index
        %get3A_232 = tpu.vector_load %arg6[%get3A] {strides = array<i32>} : memref<512xi32, #tpu.memory_space<vmem>>, vector<16xi32>,
        %add3A_233 = vector.broadcast %multiple_of3A : i32 to vector<16xi32>
        %add3A_234 = arith.addi %get3A_232, %add3A_233 : vector<16xi32>
        %add3A_235 = arith.constant 16 : i32
        %add3A_236 = arith.addi %multiple_of3A_226, %add3A_235 : i32
        %get3A_237 = arith.index_cast %add3A_236 : i32 to index
        %get3A_238 = tpu.vector_load %arg6[%get3A_237] {strides = array<i32>} : memref<512xi32, #tpu.memory_space<vmem>>, vector<16xi32>,
        %add3A_239 = vector.broadcast %multiple_of3A : i32 to vector<16xi32>
        %add3A_240 = arith.addi %get3A_238, %add3A_239 : vector<16xi32>
        %add3A_241 = arith.constant 32 : i32
        %add3A_242 = arith.addi %multiple_of3A_226, %add3A_241 : i32
        %get3A_243 = arith.index_cast %add3A_242 : i32 to index
        %get3A_244 = tpu.vector_load %arg6[%get3A_243] {strides = array<i32>} : memref<512xi32, #tpu.memory_space<vmem>>, vector<16xi32>,
        %add3A_245 = vector.broadcast %multiple_of3A : i32 to vector<16xi32>
        %add3A_246 = arith.addi %get3A_244, %add3A_245 : vector<16xi32>
        %add3A_247 = arith.constant 48 : i32
        %add3A_248 = arith.addi %multiple_of3A_226, %add3A_247 : i32
        %get3A_249 = arith.index_cast %add3A_248 : i32 to index
        %get3A_250 = tpu.vector_load %arg6[%get3A_249] {strides = array<i32>} : memref<512xi32, #tpu.memory_space<vmem>>, vector<16xi32>,
        %add3A_251 = vector.broadcast %multiple_of3A : i32 to vector<16xi32>
        %add3A_252 = arith.addi %get3A_250, %add3A_251 : vector<16xi32>
        %add3A_253 = arith.constant 0 : i32
        %add3A_254 = arith.addi %multiple_of3A_226, %add3A_253 : i32
        %get3A_255 = arith.index_cast %add3A_254 : i32 to index
        %get3A_256 = tpu.vector_load %arg5[%get3A_255] {strides = array<i32>} : memref<512xi32, #tpu.memory_space<vmem>>, vector<16xi32>,
        %add3A_257 = arith.constant 16 : i32
        %add3A_258 = arith.addi %multiple_of3A_226, %add3A_257 : i32
        %get3A_259 = arith.index_cast %add3A_258 : i32 to index
        %get3A_260 = tpu.vector_load %arg5[%get3A_259] {strides = array<i32>} : memref<512xi32, #tpu.memory_space<vmem>>, vector<16xi32>,
        %add3A_261 = arith.constant 32 : i32
        %add3A_262 = arith.addi %multiple_of3A_226, %add3A_261 : i32
        %get3A_263 = arith.index_cast %add3A_262 : i32 to index
        %get3A_264 = tpu.vector_load %arg5[%get3A_263] {strides = array<i32>} : memref<512xi32, #tpu.memory_space<vmem>>, vector<16xi32>,
        %add3A_265 = arith.constant 48 : i32
        %add3A_266 = arith.addi %multiple_of3A_226, %add3A_265 : i32
        %get3A_267 = arith.index_cast %add3A_266 : i32 to index
        %get3A_268 = tpu.vector_load %arg5[%get3A_267] {strides = array<i32>} : memref<512xi32, #tpu.memory_space<vmem>>, vector<16xi32>,
        %gt3A = arith.constant 0 : i32
        %gt3A_269 = vector.broadcast %gt3A : i32 to vector<16xi32>
        %gt3A_270 = arith.cmpi sgt, %get3A_256, %gt3A_269 : vector<16xi32>
        %add3A_271 = arith.constant 0 : i32
        %add3A_272 = vector.broadcast %add3A_271 : i32 to vector<16xi32>
        %add3A_273 = arith.addi %add3A_234, %add3A_272 : vector<16xi32>
        %broadcast_in_dim3A_274 = vector.broadcast %add3A_207 : i32 to vector<16xi32>
        %select_n3A_275 = arith.select %gt3A_270, %add3A_273, %broadcast_in_dim3A_274 : vector<16xi1>, vector<16xi32>
        %gt3A_276 = arith.constant 0 : i32
        %gt3A_277 = vector.broadcast %gt3A_276 : i32 to vector<16xi32>
        %gt3A_278 = arith.cmpi sgt, %get3A_260, %gt3A_277 : vector<16xi32>
        %add3A_279 = arith.constant 0 : i32
        %add3A_280 = vector.broadcast %add3A_279 : i32 to vector<16xi32>
        %add3A_281 = arith.addi %add3A_240, %add3A_280 : vector<16xi32>
        %broadcast_in_dim3A_282 = vector.broadcast %add3A_207 : i32 to vector<16xi32>
        %select_n3A_283 = arith.select %gt3A_278, %add3A_281, %broadcast_in_dim3A_282 : vector<16xi1>, vector<16xi32>
        %gt3A_284 = arith.constant 0 : i32
        %gt3A_285 = vector.broadcast %gt3A_284 : i32 to vector<16xi32>
        %gt3A_286 = arith.cmpi sgt, %get3A_264, %gt3A_285 : vector<16xi32>
        %add3A_287 = arith.constant 0 : i32
        %add3A_288 = vector.broadcast %add3A_287 : i32 to vector<16xi32>
        %add3A_289 = arith.addi %add3A_246, %add3A_288 : vector<16xi32>
        %broadcast_in_dim3A_290 = vector.broadcast %add3A_207 : i32 to vector<16xi32>
        %select_n3A_291 = arith.select %gt3A_286, %add3A_289, %broadcast_in_dim3A_290 : vector<16xi1>, vector<16xi32>
        %gt3A_292 = arith.constant 0 : i32
        %gt3A_293 = vector.broadcast %gt3A_292 : i32 to vector<16xi32>
        %gt3A_294 = arith.cmpi sgt, %get3A_268, %gt3A_293 : vector<16xi32>
        %add3A_295 = arith.constant 0 : i32
        %add3A_296 = vector.broadcast %add3A_295 : i32 to vector<16xi32>
        %add3A_297 = arith.addi %add3A_252, %add3A_296 : vector<16xi32>
        %broadcast_in_dim3A_298 = vector.broadcast %add3A_207 : i32 to vector<16xi32>
        %select_n3A_299 = arith.select %gt3A_294, %add3A_297, %broadcast_in_dim3A_298 : vector<16xi1>, vector<16xi32>
        %add3A_300 = arith.constant 960 : i32
        %add3A_301 = arith.addi %multiple_of3A_229, %add3A_300 : i32
        %get3A_302 = arith.index_cast %add3A_301 : i32 to index
        %get3A_303 = tpu.vector_load %arg9[%get3A_302] {strides = array<i32>} : memref<7680xi32, #tpu.memory_space<vmem>>, vector<16xi32>,
        %add3A_304 = vector.broadcast %multiple_of3A : i32 to vector<16xi32>
        %add3A_305 = arith.addi %get3A_303, %add3A_304 : vector<16xi32>
        %add3A_306 = arith.constant 1200 : i32
        %add3A_307 = arith.addi %multiple_of3A_229, %add3A_306 : i32
        %get3A_308 = arith.index_cast %add3A_307 : i32 to index
        %get3A_309 = tpu.vector_load %arg9[%get3A_308] {strides = array<i32>} : memref<7680xi32, #tpu.memory_space<vmem>>, vector<16xi32>,
        %add3A_310 = vector.broadcast %multiple_of3A : i32 to vector<16xi32>
        %add3A_311 = arith.addi %get3A_309, %add3A_310 : vector<16xi32>
        %add3A_312 = arith.constant 1440 : i32
        %add3A_313 = arith.addi %multiple_of3A_229, %add3A_312 : i32
        %get3A_314 = arith.index_cast %add3A_313 : i32 to index
        %get3A_315 = tpu.vector_load %arg9[%get3A_314] {strides = array<i32>} : memref<7680xi32, #tpu.memory_space<vmem>>, vector<16xi32>,
        %add3A_316 = vector.broadcast %multiple_of3A : i32 to vector<16xi32>
        %add3A_317 = arith.addi %get3A_315, %add3A_316 : vector<16xi32>
        %add3A_318 = arith.constant 1680 : i32
        %add3A_319 = arith.addi %multiple_of3A_229, %add3A_318 : i32
        %get3A_320 = arith.index_cast %add3A_319 : i32 to index
        %get3A_321 = tpu.vector_load %arg9[%get3A_320] {strides = array<i32>} : memref<7680xi32, #tpu.memory_space<vmem>>, vector<16xi32>,
        %add3A_322 = vector.broadcast %multiple_of3A : i32 to vector<16xi32>
        %add3A_323 = arith.addi %get3A_321, %add3A_322 : vector<16xi32>
        %gather3A = tpu.vector_load_idx %arg8[%select_n3A_275] : memref<83200xf32, #tpu.memory_space<vmem>>[vector<16xi32>], vector<16xf32>,
        %gather3A_324 = tpu.vector_load_idx %arg8[%select_n3A_283] : memref<83200xf32, #tpu.memory_space<vmem>>[vector<16xi32>], vector<16xf32>,
        %gather3A_325 = tpu.vector_load_idx %arg8[%select_n3A_291] : memref<83200xf32, #tpu.memory_space<vmem>>[vector<16xi32>], vector<16xf32>,
        %gather3A_326 = tpu.vector_load_idx %arg8[%select_n3A_299] : memref<83200xf32, #tpu.memory_space<vmem>>[vector<16xi32>], vector<16xf32>,
        %gather3A_327 = tpu.vector_load_idx %arg8[%add3A_305] : memref<83200xf32, #tpu.memory_space<vmem>>[vector<16xi32>], vector<16xf32>,
        %gather3A_328 = tpu.vector_load_idx %arg8[%add3A_311] : memref<83200xf32, #tpu.memory_space<vmem>>[vector<16xi32>], vector<16xf32>,
        %gather3A_329 = tpu.vector_load_idx %arg8[%add3A_317] : memref<83200xf32, #tpu.memory_space<vmem>>[vector<16xi32>], vector<16xf32>,
        %gather3A_330 = tpu.vector_load_idx %arg8[%add3A_323] : memref<83200xf32, #tpu.memory_space<vmem>>[vector<16xi32>], vector<16xf32>,
        %add3A_331 = arith.addf %broadcast_in_dim3A_42, %gather3A : vector<16xf32>
        %eq3A_332 = arith.constant 0.000000e+00 : f32
        %eq3A_333 = vector.broadcast %eq3A_332 : f32 to vector<16xf32>
        %eq3A_334 = arith.cmpf oeq, %gather3A, %eq3A_333 : vector<16xf32>
        %jit3A_335 = arith.constant 0.000000e+00 : f32
        %jit3A_336 = arith.constant 1.000000e+00 : f32
        %broadcast_in_dim3A_337 = vector.broadcast %jit3A_335 : f32 to vector<16xf32>
        %broadcast_in_dim3A_338 = vector.broadcast %jit3A_336 : f32 to vector<16xf32>
        %select_n3A_339 = arith.select %eq3A_334, %broadcast_in_dim3A_337, %broadcast_in_dim3A_338 : vector<16xi1>, vector<16xf32>
        %add3A_340 = arith.addf %broadcast_in_dim3A_42, %select_n3A_339 : vector<16xf32>
        %add3A_341 = arith.addf %broadcast_in_dim3A_42, %gather3A_324 : vector<16xf32>
        %eq3A_342 = arith.constant 0.000000e+00 : f32
        %eq3A_343 = vector.broadcast %eq3A_342 : f32 to vector<16xf32>
        %eq3A_344 = arith.cmpf oeq, %gather3A_324, %eq3A_343 : vector<16xf32>
        %jit3A_345 = arith.constant 0.000000e+00 : f32
        %jit3A_346 = arith.constant 1.000000e+00 : f32
        %broadcast_in_dim3A_347 = vector.broadcast %jit3A_345 : f32 to vector<16xf32>
        %broadcast_in_dim3A_348 = vector.broadcast %jit3A_346 : f32 to vector<16xf32>
        %select_n3A_349 = arith.select %eq3A_344, %broadcast_in_dim3A_347, %broadcast_in_dim3A_348 : vector<16xi1>, vector<16xf32>
        %add3A_350 = arith.addf %broadcast_in_dim3A_42, %select_n3A_349 : vector<16xf32>
        %add3A_351 = arith.addf %broadcast_in_dim3A_42, %gather3A_325 : vector<16xf32>
        %eq3A_352 = arith.constant 0.000000e+00 : f32
        %eq3A_353 = vector.broadcast %eq3A_352 : f32 to vector<16xf32>
        %eq3A_354 = arith.cmpf oeq, %gather3A_325, %eq3A_353 : vector<16xf32>
        %jit3A_355 = arith.constant 0.000000e+00 : f32
        %jit3A_356 = arith.constant 1.000000e+00 : f32
        %broadcast_in_dim3A_357 = vector.broadcast %jit3A_355 : f32 to vector<16xf32>
        %broadcast_in_dim3A_358 = vector.broadcast %jit3A_356 : f32 to vector<16xf32>
        %select_n3A_359 = arith.select %eq3A_354, %broadcast_in_dim3A_357, %broadcast_in_dim3A_358 : vector<16xi1>, vector<16xf32>
        %add3A_360 = arith.addf %broadcast_in_dim3A_42, %select_n3A_359 : vector<16xf32>
        %add3A_361 = arith.addf %broadcast_in_dim3A_42, %gather3A_326 : vector<16xf32>
        %eq3A_362 = arith.constant 0.000000e+00 : f32
        %eq3A_363 = vector.broadcast %eq3A_362 : f32 to vector<16xf32>
        %eq3A_364 = arith.cmpf oeq, %gather3A_326, %eq3A_363 : vector<16xf32>
        %jit3A_365 = arith.constant 0.000000e+00 : f32
        %jit3A_366 = arith.constant 1.000000e+00 : f32
        %broadcast_in_dim3A_367 = vector.broadcast %jit3A_365 : f32 to vector<16xf32>
        %broadcast_in_dim3A_368 = vector.broadcast %jit3A_366 : f32 to vector<16xf32>
        %select_n3A_369 = arith.select %eq3A_364, %broadcast_in_dim3A_367, %broadcast_in_dim3A_368 : vector<16xi1>, vector<16xf32>
        %add3A_370 = arith.addf %broadcast_in_dim3A_42, %select_n3A_369 : vector<16xf32>
        %add3A_371 = arith.addf %broadcast_in_dim3A_42, %gather3A_327 : vector<16xf32>
        %eq3A_372 = arith.constant 0.000000e+00 : f32
        %eq3A_373 = vector.broadcast %eq3A_372 : f32 to vector<16xf32>
        %eq3A_374 = arith.cmpf oeq, %gather3A_327, %eq3A_373 : vector<16xf32>
        %jit3A_375 = arith.constant 0.000000e+00 : f32
        %jit3A_376 = arith.constant 1.000000e+00 : f32
        %broadcast_in_dim3A_377 = vector.broadcast %jit3A_375 : f32 to vector<16xf32>
        %broadcast_in_dim3A_378 = vector.broadcast %jit3A_376 : f32 to vector<16xf32>
        %select_n3A_379 = arith.select %eq3A_374, %broadcast_in_dim3A_377, %broadcast_in_dim3A_378 : vector<16xi1>, vector<16xf32>
        %add3A_380 = arith.addf %broadcast_in_dim3A_42, %select_n3A_379 : vector<16xf32>
        %add3A_381 = arith.addf %broadcast_in_dim3A_42, %gather3A_328 : vector<16xf32>
        %eq3A_382 = arith.constant 0.000000e+00 : f32
        %eq3A_383 = vector.broadcast %eq3A_382 : f32 to vector<16xf32>
        %eq3A_384 = arith.cmpf oeq, %gather3A_328, %eq3A_383 : vector<16xf32>
        %jit3A_385 = arith.constant 0.000000e+00 : f32
        %jit3A_386 = arith.constant 1.000000e+00 : f32
        %broadcast_in_dim3A_387 = vector.broadcast %jit3A_385 : f32 to vector<16xf32>
        %broadcast_in_dim3A_388 = vector.broadcast %jit3A_386 : f32 to vector<16xf32>
        %select_n3A_389 = arith.select %eq3A_384, %broadcast_in_dim3A_387, %broadcast_in_dim3A_388 : vector<16xi1>, vector<16xf32>
        %add3A_390 = arith.addf %broadcast_in_dim3A_42, %select_n3A_389 : vector<16xf32>
        %add3A_391 = arith.addf %broadcast_in_dim3A_42, %gather3A_329 : vector<16xf32>
        %eq3A_392 = arith.constant 0.000000e+00 : f32
        %eq3A_393 = vector.broadcast %eq3A_392 : f32 to vector<16xf32>
        %eq3A_394 = arith.cmpf oeq, %gather3A_329, %eq3A_393 : vector<16xf32>
        %jit3A_395 = arith.constant 0.000000e+00 : f32
        %jit3A_396 = arith.constant 1.000000e+00 : f32
        %broadcast_in_dim3A_397 = vector.broadcast %jit3A_395 : f32 to vector<16xf32>
        %broadcast_in_dim3A_398 = vector.broadcast %jit3A_396 : f32 to vector<16xf32>
        %select_n3A_399 = arith.select %eq3A_394, %broadcast_in_dim3A_397, %broadcast_in_dim3A_398 : vector<16xi1>, vector<16xf32>
        %add3A_400 = arith.addf %broadcast_in_dim3A_42, %select_n3A_399 : vector<16xf32>
        %add3A_401 = arith.addf %broadcast_in_dim3A_42, %gather3A_330 : vector<16xf32>
        %eq3A_402 = arith.constant 0.000000e+00 : f32
        %eq3A_403 = vector.broadcast %eq3A_402 : f32 to vector<16xf32>
        %eq3A_404 = arith.cmpf oeq, %gather3A_330, %eq3A_403 : vector<16xf32>
        %jit3A_405 = arith.constant 0.000000e+00 : f32
        %jit3A_406 = arith.constant 1.000000e+00 : f32
        %broadcast_in_dim3A_407 = vector.broadcast %jit3A_405 : f32 to vector<16xf32>
        %broadcast_in_dim3A_408 = vector.broadcast %jit3A_406 : f32 to vector<16xf32>
        %select_n3A_409 = arith.select %eq3A_404, %broadcast_in_dim3A_407, %broadcast_in_dim3A_408 : vector<16xi1>, vector<16xf32>
        %add3A_410 = arith.addf %broadcast_in_dim3A_42, %select_n3A_409 : vector<16xf32>
        %gt3A_411 = arith.constant 1 : i32
        %gt3A_412 = vector.broadcast %gt3A_411 : i32 to vector<16xi32>
        %gt3A_413 = arith.cmpi sgt, %get3A_256, %gt3A_412 : vector<16xi32>
        %add3A_414 = arith.constant 1 : i32
        %add3A_415 = vector.broadcast %add3A_414 : i32 to vector<16xi32>
        %add3A_416 = arith.addi %add3A_234, %add3A_415 : vector<16xi32>
        %broadcast_in_dim3A_417 = vector.broadcast %add3A_207 : i32 to vector<16xi32>
        %select_n3A_418 = arith.select %gt3A_413, %add3A_416, %broadcast_in_dim3A_417 : vector<16xi1>, vector<16xi32>
        %gt3A_419 = arith.constant 1 : i32
        %gt3A_420 = vector.broadcast %gt3A_419 : i32 to vector<16xi32>
        %gt3A_421 = arith.cmpi sgt, %get3A_260, %gt3A_420 : vector<16xi32>
        %add3A_422 = arith.constant 1 : i32
        %add3A_423 = vector.broadcast %add3A_422 : i32 to vector<16xi32>
        %add3A_424 = arith.addi %add3A_240, %add3A_423 : vector<16xi32>
        %broadcast_in_dim3A_425 = vector.broadcast %add3A_207 : i32 to vector<16xi32>
        %select_n3A_426 = arith.select %gt3A_421, %add3A_424, %broadcast_in_dim3A_425 : vector<16xi1>, vector<16xi32>
        %gt3A_427 = arith.constant 1 : i32
        %gt3A_428 = vector.broadcast %gt3A_427 : i32 to vector<16xi32>
        %gt3A_429 = arith.cmpi sgt, %get3A_264, %gt3A_428 : vector<16xi32>
        %add3A_430 = arith.constant 1 : i32
        %add3A_431 = vector.broadcast %add3A_430 : i32 to vector<16xi32>
        %add3A_432 = arith.addi %add3A_246, %add3A_431 : vector<16xi32>
        %broadcast_in_dim3A_433 = vector.broadcast %add3A_207 : i32 to vector<16xi32>
        %select_n3A_434 = arith.select %gt3A_429, %add3A_432, %broadcast_in_dim3A_433 : vector<16xi1>, vector<16xi32>
        %gt3A_435 = arith.constant 1 : i32
        %gt3A_436 = vector.broadcast %gt3A_435 : i32 to vector<16xi32>
        %gt3A_437 = arith.cmpi sgt, %get3A_268, %gt3A_436 : vector<16xi32>
        %add3A_438 = arith.constant 1 : i32
        %add3A_439 = vector.broadcast %add3A_438 : i32 to vector<16xi32>
        %add3A_440 = arith.addi %add3A_252, %add3A_439 : vector<16xi32>
        %broadcast_in_dim3A_441 = vector.broadcast %add3A_207 : i32 to vector<16xi32>
        %select_n3A_442 = arith.select %gt3A_437, %add3A_440, %broadcast_in_dim3A_441 : vector<16xi1>, vector<16xi32>
        %add3A_443 = arith.constant 976 : i32
        %add3A_444 = arith.addi %multiple_of3A_229, %add3A_443 : i32
        %get3A_445 = arith.index_cast %add3A_444 : i32 to index
        %get3A_446 = tpu.vector_load %arg9[%get3A_445] {strides = array<i32>} : memref<7680xi32, #tpu.memory_space<vmem>>, vector<16xi32>,
        %add3A_447 = vector.broadcast %multiple_of3A : i32 to vector<16xi32>
        %add3A_448 = arith.addi %get3A_446, %add3A_447 : vector<16xi32>
        %add3A_449 = arith.constant 1216 : i32
        %add3A_450 = arith.addi %multiple_of3A_229, %add3A_449 : i32
        %get3A_451 = arith.index_cast %add3A_450 : i32 to index
        %get3A_452 = tpu.vector_load %arg9[%get3A_451] {strides = array<i32>} : memref<7680xi32, #tpu.memory_space<vmem>>, vector<16xi32>,
        %add3A_453 = vector.broadcast %multiple_of3A : i32 to vector<16xi32>
        %add3A_454 = arith.addi %get3A_452, %add3A_453 : vector<16xi32>
        %add3A_455 = arith.constant 1456 : i32
        %add3A_456 = arith.addi %multiple_of3A_229, %add3A_455 : i32
        %get3A_457 = arith.index_cast %add3A_456 : i32 to index
        %get3A_458 = tpu.vector_load %arg9[%get3A_457] {strides = array<i32>} : memref<7680xi32, #tpu.memory_space<vmem>>, vector<16xi32>,
        %add3A_459 = vector.broadcast %multiple_of3A : i32 to vector<16xi32>
        %add3A_460 = arith.addi %get3A_458, %add3A_459 : vector<16xi32>
        %add3A_461 = arith.constant 1696 : i32
        %add3A_462 = arith.addi %multiple_of3A_229, %add3A_461 : i32
        %get3A_463 = arith.index_cast %add3A_462 : i32 to index
        %get3A_464 = tpu.vector_load %arg9[%get3A_463] {strides = array<i32>} : memref<7680xi32, #tpu.memory_space<vmem>>, vector<16xi32>,
        %add3A_465 = vector.broadcast %multiple_of3A : i32 to vector<16xi32>
        %add3A_466 = arith.addi %get3A_464, %add3A_465 : vector<16xi32>
        %gather3A_467 = tpu.vector_load_idx %arg8[%select_n3A_418] : memref<83200xf32, #tpu.memory_space<vmem>>[vector<16xi32>], vector<16xf32>,
        %gather3A_468 = tpu.vector_load_idx %arg8[%select_n3A_426] : memref<83200xf32, #tpu.memory_space<vmem>>[vector<16xi32>], vector<16xf32>,
        %gather3A_469 = tpu.vector_load_idx %arg8[%select_n3A_434] : memref<83200xf32, #tpu.memory_space<vmem>>[vector<16xi32>], vector<16xf32>,
        %gather3A_470 = tpu.vector_load_idx %arg8[%select_n3A_442] : memref<83200xf32, #tpu.memory_space<vmem>>[vector<16xi32>], vector<16xf32>,
        %gather3A_471 = tpu.vector_load_idx %arg8[%add3A_448] : memref<83200xf32, #tpu.memory_space<vmem>>[vector<16xi32>], vector<16xf32>,
        %gather3A_472 = tpu.vector_load_idx %arg8[%add3A_454] : memref<83200xf32, #tpu.memory_space<vmem>>[vector<16xi32>], vector<16xf32>,
        %gather3A_473 = tpu.vector_load_idx %arg8[%add3A_460] : memref<83200xf32, #tpu.memory_space<vmem>>[vector<16xi32>], vector<16xf32>,
        %gather3A_474 = tpu.vector_load_idx %arg8[%add3A_466] : memref<83200xf32, #tpu.memory_space<vmem>>[vector<16xi32>], vector<16xf32>,
        %add3A_475 = arith.addf %add3A_331, %gather3A_467 : vector<16xf32>
        %eq3A_476 = arith.constant 0.000000e+00 : f32
        %eq3A_477 = vector.broadcast %eq3A_476 : f32 to vector<16xf32>
        %eq3A_478 = arith.cmpf oeq, %gather3A_467, %eq3A_477 : vector<16xf32>
        %jit3A_479 = arith.constant 0.000000e+00 : f32
        %jit3A_480 = arith.constant 1.000000e+00 : f32
        %broadcast_in_dim3A_481 = vector.broadcast %jit3A_479 : f32 to vector<16xf32>
        %broadcast_in_dim3A_482 = vector.broadcast %jit3A_480 : f32 to vector<16xf32>
        %select_n3A_483 = arith.select %eq3A_478, %broadcast_in_dim3A_481, %broadcast_in_dim3A_482 : vector<16xi1>, vector<16xf32>
        %add3A_484 = arith.addf %add3A_340, %select_n3A_483 : vector<16xf32>
        %add3A_485 = arith.addf %add3A_341, %gather3A_468 : vector<16xf32>
        %eq3A_486 = arith.constant 0.000000e+00 : f32
        %eq3A_487 = vector.broadcast %eq3A_486 : f32 to vector<16xf32>
        %eq3A_488 = arith.cmpf oeq, %gather3A_468, %eq3A_487 : vector<16xf32>
        %jit3A_489 = arith.constant 0.000000e+00 : f32
        %jit3A_490 = arith.constant 1.000000e+00 : f32
        %broadcast_in_dim3A_491 = vector.broadcast %jit3A_489 : f32 to vector<16xf32>
        %broadcast_in_dim3A_492 = vector.broadcast %jit3A_490 : f32 to vector<16xf32>
        %select_n3A_493 = arith.select %eq3A_488, %broadcast_in_dim3A_491, %broadcast_in_dim3A_492 : vector<16xi1>, vector<16xf32>
        %add3A_494 = arith.addf %add3A_350, %select_n3A_493 : vector<16xf32>
        %add3A_495 = arith.addf %add3A_351, %gather3A_469 : vector<16xf32>
        %eq3A_496 = arith.constant 0.000000e+00 : f32
        %eq3A_497 = vector.broadcast %eq3A_496 : f32 to vector<16xf32>
        %eq3A_498 = arith.cmpf oeq, %gather3A_469, %eq3A_497 : vector<16xf32>
        %jit3A_499 = arith.constant 0.000000e+00 : f32
        %jit3A_500 = arith.constant 1.000000e+00 : f32
        %broadcast_in_dim3A_501 = vector.broadcast %jit3A_499 : f32 to vector<16xf32>
        %broadcast_in_dim3A_502 = vector.broadcast %jit3A_500 : f32 to vector<16xf32>
        %select_n3A_503 = arith.select %eq3A_498, %broadcast_in_dim3A_501, %broadcast_in_dim3A_502 : vector<16xi1>, vector<16xf32>
        %add3A_504 = arith.addf %add3A_360, %select_n3A_503 : vector<16xf32>
        %add3A_505 = arith.addf %add3A_361, %gather3A_470 : vector<16xf32>
        %eq3A_506 = arith.constant 0.000000e+00 : f32
        %eq3A_507 = vector.broadcast %eq3A_506 : f32 to vector<16xf32>
        %eq3A_508 = arith.cmpf oeq, %gather3A_470, %eq3A_507 : vector<16xf32>
        %jit3A_509 = arith.constant 0.000000e+00 : f32
        %jit3A_510 = arith.constant 1.000000e+00 : f32
        %broadcast_in_dim3A_511 = vector.broadcast %jit3A_509 : f32 to vector<16xf32>
        %broadcast_in_dim3A_512 = vector.broadcast %jit3A_510 : f32 to vector<16xf32>
        %select_n3A_513 = arith.select %eq3A_508, %broadcast_in_dim3A_511, %broadcast_in_dim3A_512 : vector<16xi1>, vector<16xf32>
        %add3A_514 = arith.addf %add3A_370, %select_n3A_513 : vector<16xf32>
        %add3A_515 = arith.addf %add3A_371, %gather3A_471 : vector<16xf32>
        %eq3A_516 = arith.constant 0.000000e+00 : f32
        %eq3A_517 = vector.broadcast %eq3A_516 : f32 to vector<16xf32>
        %eq3A_518 = arith.cmpf oeq, %gather3A_471, %eq3A_517 : vector<16xf32>
        %jit3A_519 = arith.constant 0.000000e+00 : f32
        %jit3A_520 = arith.constant 1.000000e+00 : f32
        %broadcast_in_dim3A_521 = vector.broadcast %jit3A_519 : f32 to vector<16xf32>
        %broadcast_in_dim3A_522 = vector.broadcast %jit3A_520 : f32 to vector<16xf32>
        %select_n3A_523 = arith.select %eq3A_518, %broadcast_in_dim3A_521, %broadcast_in_dim3A_522 : vector<16xi1>, vector<16xf32>
        %add3A_524 = arith.addf %add3A_380, %select_n3A_523 : vector<16xf32>
        %add3A_525 = arith.addf %add3A_381, %gather3A_472 : vector<16xf32>
        %eq3A_526 = arith.constant 0.000000e+00 : f32
        %eq3A_527 = vector.broadcast %eq3A_526 : f32 to vector<16xf32>
        %eq3A_528 = arith.cmpf oeq, %gather3A_472, %eq3A_527 : vector<16xf32>
        %jit3A_529 = arith.constant 0.000000e+00 : f32
        %jit3A_530 = arith.constant 1.000000e+00 : f32
        %broadcast_in_dim3A_531 = vector.broadcast %jit3A_529 : f32 to vector<16xf32>
        %broadcast_in_dim3A_532 = vector.broadcast %jit3A_530 : f32 to vector<16xf32>
        %select_n3A_533 = arith.select %eq3A_528, %broadcast_in_dim3A_531, %broadcast_in_dim3A_532 : vector<16xi1>, vector<16xf32>
        %add3A_534 = arith.addf %add3A_390, %select_n3A_533 : vector<16xf32>
        %add3A_535 = arith.addf %add3A_391, %gather3A_473 : vector<16xf32>
        %eq3A_536 = arith.constant 0.000000e+00 : f32
        %eq3A_537 = vector.broadcast %eq3A_536 : f32 to vector<16xf32>
        %eq3A_538 = arith.cmpf oeq, %gather3A_473, %eq3A_537 : vector<16xf32>
        %jit3A_539 = arith.constant 0.000000e+00 : f32
        %jit3A_540 = arith.constant 1.000000e+00 : f32
        %broadcast_in_dim3A_541 = vector.broadcast %jit3A_539 : f32 to vector<16xf32>
        %broadcast_in_dim3A_542 = vector.broadcast %jit3A_540 : f32 to vector<16xf32>
        %select_n3A_543 = arith.select %eq3A_538, %broadcast_in_dim3A_541, %broadcast_in_dim3A_542 : vector<16xi1>, vector<16xf32>
        %add3A_544 = arith.addf %add3A_400, %select_n3A_543 : vector<16xf32>
        %add3A_545 = arith.addf %add3A_401, %gather3A_474 : vector<16xf32>
        %eq3A_546 = arith.constant 0.000000e+00 : f32
        %eq3A_547 = vector.broadcast %eq3A_546 : f32 to vector<16xf32>
        %eq3A_548 = arith.cmpf oeq, %gather3A_474, %eq3A_547 : vector<16xf32>
        %jit3A_549 = arith.constant 0.000000e+00 : f32
        %jit3A_550 = arith.constant 1.000000e+00 : f32
        %broadcast_in_dim3A_551 = vector.broadcast %jit3A_549 : f32 to vector<16xf32>
        %broadcast_in_dim3A_552 = vector.broadcast %jit3A_550 : f32 to vector<16xf32>
        %select_n3A_553 = arith.select %eq3A_548, %broadcast_in_dim3A_551, %broadcast_in_dim3A_552 : vector<16xi1>, vector<16xf32>
        %add3A_554 = arith.addf %add3A_410, %select_n3A_553 : vector<16xf32>
        %gt3A_555 = arith.constant 2 : i32
        %gt3A_556 = vector.broadcast %gt3A_555 : i32 to vector<16xi32>
        %gt3A_557 = arith.cmpi sgt, %get3A_256, %gt3A_556 : vector<16xi32>
        %add3A_558 = arith.constant 2 : i32
        %add3A_559 = vector.broadcast %add3A_558 : i32 to vector<16xi32>
        %add3A_560 = arith.addi %add3A_234, %add3A_559 : vector<16xi32>
        %broadcast_in_dim3A_561 = vector.broadcast %add3A_207 : i32 to vector<16xi32>
        %select_n3A_562 = arith.select %gt3A_557, %add3A_560, %broadcast_in_dim3A_561 : vector<16xi1>, vector<16xi32>
        %gt3A_563 = arith.constant 2 : i32
        %gt3A_564 = vector.broadcast %gt3A_563 : i32 to vector<16xi32>
        %gt3A_565 = arith.cmpi sgt, %get3A_260, %gt3A_564 : vector<16xi32>
        %add3A_566 = arith.constant 2 : i32
        %add3A_567 = vector.broadcast %add3A_566 : i32 to vector<16xi32>
        %add3A_568 = arith.addi %add3A_240, %add3A_567 : vector<16xi32>
        %broadcast_in_dim3A_569 = vector.broadcast %add3A_207 : i32 to vector<16xi32>
        %select_n3A_570 = arith.select %gt3A_565, %add3A_568, %broadcast_in_dim3A_569 : vector<16xi1>, vector<16xi32>
        %gt3A_571 = arith.constant 2 : i32
        %gt3A_572 = vector.broadcast %gt3A_571 : i32 to vector<16xi32>
        %gt3A_573 = arith.cmpi sgt, %get3A_264, %gt3A_572 : vector<16xi32>
        %add3A_574 = arith.constant 2 : i32
        %add3A_575 = vector.broadcast %add3A_574 : i32 to vector<16xi32>
        %add3A_576 = arith.addi %add3A_246, %add3A_575 : vector<16xi32>
        %broadcast_in_dim3A_577 = vector.broadcast %add3A_207 : i32 to vector<16xi32>
        %select_n3A_578 = arith.select %gt3A_573, %add3A_576, %broadcast_in_dim3A_577 : vector<16xi1>, vector<16xi32>
        %gt3A_579 = arith.constant 2 : i32
        %gt3A_580 = vector.broadcast %gt3A_579 : i32 to vector<16xi32>
        %gt3A_581 = arith.cmpi sgt, %get3A_268, %gt3A_580 : vector<16xi32>
        %add3A_582 = arith.constant 2 : i32
        %add3A_583 = vector.broadcast %add3A_582 : i32 to vector<16xi32>
        %add3A_584 = arith.addi %add3A_252, %add3A_583 : vector<16xi32>
        %broadcast_in_dim3A_585 = vector.broadcast %add3A_207 : i32 to vector<16xi32>
        %select_n3A_586 = arith.select %gt3A_581, %add3A_584, %broadcast_in_dim3A_585 : vector<16xi1>, vector<16xi32>
        %add3A_587 = arith.constant 992 : i32
        %add3A_588 = arith.addi %multiple_of3A_229, %add3A_587 : i32
        %get3A_589 = arith.index_cast %add3A_588 : i32 to index
        %get3A_590 = tpu.vector_load %arg9[%get3A_589] {strides = array<i32>} : memref<7680xi32, #tpu.memory_space<vmem>>, vector<16xi32>,
        %add3A_591 = vector.broadcast %multiple_of3A : i32 to vector<16xi32>
        %add3A_592 = arith.addi %get3A_590, %add3A_591 : vector<16xi32>
        %add3A_593 = arith.constant 1232 : i32
        %add3A_594 = arith.addi %multiple_of3A_229, %add3A_593 : i32
        %get3A_595 = arith.index_cast %add3A_594 : i32 to index
        %get3A_596 = tpu.vector_load %arg9[%get3A_595] {strides = array<i32>} : memref<7680xi32, #tpu.memory_space<vmem>>, vector<16xi32>,
        %add3A_597 = vector.broadcast %multiple_of3A : i32 to vector<16xi32>
        %add3A_598 = arith.addi %get3A_596, %add3A_597 : vector<16xi32>
        %add3A_599 = arith.constant 1472 : i32
        %add3A_600 = arith.addi %multiple_of3A_229, %add3A_599 : i32
        %get3A_601 = arith.index_cast %add3A_600 : i32 to index
        %get3A_602 = tpu.vector_load %arg9[%get3A_601] {strides = array<i32>} : memref<7680xi32, #tpu.memory_space<vmem>>, vector<16xi32>,
        %add3A_603 = vector.broadcast %multiple_of3A : i32 to vector<16xi32>
        %add3A_604 = arith.addi %get3A_602, %add3A_603 : vector<16xi32>
        %add3A_605 = arith.constant 1712 : i32
        %add3A_606 = arith.addi %multiple_of3A_229, %add3A_605 : i32
        %get3A_607 = arith.index_cast %add3A_606 : i32 to index
        %get3A_608 = tpu.vector_load %arg9[%get3A_607] {strides = array<i32>} : memref<7680xi32, #tpu.memory_space<vmem>>, vector<16xi32>,
        %add3A_609 = vector.broadcast %multiple_of3A : i32 to vector<16xi32>
        %add3A_610 = arith.addi %get3A_608, %add3A_609 : vector<16xi32>
        %gather3A_611 = tpu.vector_load_idx %arg8[%select_n3A_562] : memref<83200xf32, #tpu.memory_space<vmem>>[vector<16xi32>], vector<16xf32>,
        %gather3A_612 = tpu.vector_load_idx %arg8[%select_n3A_570] : memref<83200xf32, #tpu.memory_space<vmem>>[vector<16xi32>], vector<16xf32>,
        %gather3A_613 = tpu.vector_load_idx %arg8[%select_n3A_578] : memref<83200xf32, #tpu.memory_space<vmem>>[vector<16xi32>], vector<16xf32>,
        %gather3A_614 = tpu.vector_load_idx %arg8[%select_n3A_586] : memref<83200xf32, #tpu.memory_space<vmem>>[vector<16xi32>], vector<16xf32>,
        %gather3A_615 = tpu.vector_load_idx %arg8[%add3A_592] : memref<83200xf32, #tpu.memory_space<vmem>>[vector<16xi32>], vector<16xf32>,
        %gather3A_616 = tpu.vector_load_idx %arg8[%add3A_598] : memref<83200xf32, #tpu.memory_space<vmem>>[vector<16xi32>], vector<16xf32>,
        %gather3A_617 = tpu.vector_load_idx %arg8[%add3A_604] : memref<83200xf32, #tpu.memory_space<vmem>>[vector<16xi32>], vector<16xf32>,
        %gather3A_618 = tpu.vector_load_idx %arg8[%add3A_610] : memref<83200xf32, #tpu.memory_space<vmem>>[vector<16xi32>], vector<16xf32>,
        %add3A_619 = arith.addf %add3A_475, %gather3A_611 : vector<16xf32>
        %eq3A_620 = arith.constant 0.000000e+00 : f32
        %eq3A_621 = vector.broadcast %eq3A_620 : f32 to vector<16xf32>
        %eq3A_622 = arith.cmpf oeq, %gather3A_611, %eq3A_621 : vector<16xf32>
        %jit3A_623 = arith.constant 0.000000e+00 : f32
        %jit3A_624 = arith.constant 1.000000e+00 : f32
        %broadcast_in_dim3A_625 = vector.broadcast %jit3A_623 : f32 to vector<16xf32>
        %broadcast_in_dim3A_626 = vector.broadcast %jit3A_624 : f32 to vector<16xf32>
        %select_n3A_627 = arith.select %eq3A_622, %broadcast_in_dim3A_625, %broadcast_in_dim3A_626 : vector<16xi1>, vector<16xf32>
        %add3A_628 = arith.addf %add3A_484, %select_n3A_627 : vector<16xf32>
        %add3A_629 = arith.addf %add3A_485, %gather3A_612 : vector<16xf32>
        %eq3A_630 = arith.constant 0.000000e+00 : f32
        %eq3A_631 = vector.broadcast %eq3A_630 : f32 to vector<16xf32>
        %eq3A_632 = arith.cmpf oeq, %gather3A_612, %eq3A_631 : vector<16xf32>
        %jit3A_633 = arith.constant 0.000000e+00 : f32
        %jit3A_634 = arith.constant 1.000000e+00 : f32
        %broadcast_in_dim3A_635 = vector.broadcast %jit3A_633 : f32 to vector<16xf32>
        %broadcast_in_dim3A_636 = vector.broadcast %jit3A_634 : f32 to vector<16xf32>
        %select_n3A_637 = arith.select %eq3A_632, %broadcast_in_dim3A_635, %broadcast_in_dim3A_636 : vector<16xi1>, vector<16xf32>
        %add3A_638 = arith.addf %add3A_494, %select_n3A_637 : vector<16xf32>
        %add3A_639 = arith.addf %add3A_495, %gather3A_613 : vector<16xf32>
        %eq3A_640 = arith.constant 0.000000e+00 : f32
        %eq3A_641 = vector.broadcast %eq3A_640 : f32 to vector<16xf32>
        %eq3A_642 = arith.cmpf oeq, %gather3A_613, %eq3A_641 : vector<16xf32>
        %jit3A_643 = arith.constant 0.000000e+00 : f32
        %jit3A_644 = arith.constant 1.000000e+00 : f32
        %broadcast_in_dim3A_645 = vector.broadcast %jit3A_643 : f32 to vector<16xf32>
        %broadcast_in_dim3A_646 = vector.broadcast %jit3A_644 : f32 to vector<16xf32>
        %select_n3A_647 = arith.select %eq3A_642, %broadcast_in_dim3A_645, %broadcast_in_dim3A_646 : vector<16xi1>, vector<16xf32>
        %add3A_648 = arith.addf %add3A_504, %select_n3A_647 : vector<16xf32>
        %add3A_649 = arith.addf %add3A_505, %gather3A_614 : vector<16xf32>
        %eq3A_650 = arith.constant 0.000000e+00 : f32
        %eq3A_651 = vector.broadcast %eq3A_650 : f32 to vector<16xf32>
        %eq3A_652 = arith.cmpf oeq, %gather3A_614, %eq3A_651 : vector<16xf32>
        %jit3A_653 = arith.constant 0.000000e+00 : f32
        %jit3A_654 = arith.constant 1.000000e+00 : f32
        %broadcast_in_dim3A_655 = vector.broadcast %jit3A_653 : f32 to vector<16xf32>
        %broadcast_in_dim3A_656 = vector.broadcast %jit3A_654 : f32 to vector<16xf32>
        %select_n3A_657 = arith.select %eq3A_652, %broadcast_in_dim3A_655, %broadcast_in_dim3A_656 : vector<16xi1>, vector<16xf32>
        %add3A_658 = arith.addf %add3A_514, %select_n3A_657 : vector<16xf32>
        %add3A_659 = arith.addf %add3A_515, %gather3A_615 : vector<16xf32>
        %eq3A_660 = arith.constant 0.000000e+00 : f32
        %eq3A_661 = vector.broadcast %eq3A_660 : f32 to vector<16xf32>
        %eq3A_662 = arith.cmpf oeq, %gather3A_615, %eq3A_661 : vector<16xf32>
        %jit3A_663 = arith.constant 0.000000e+00 : f32
        %jit3A_664 = arith.constant 1.000000e+00 : f32
        %broadcast_in_dim3A_665 = vector.broadcast %jit3A_663 : f32 to vector<16xf32>
        %broadcast_in_dim3A_666 = vector.broadcast %jit3A_664 : f32 to vector<16xf32>
        %select_n3A_667 = arith.select %eq3A_662, %broadcast_in_dim3A_665, %broadcast_in_dim3A_666 : vector<16xi1>, vector<16xf32>
        %add3A_668 = arith.addf %add3A_524, %select_n3A_667 : vector<16xf32>
        %add3A_669 = arith.addf %add3A_525, %gather3A_616 : vector<16xf32>
        %eq3A_670 = arith.constant 0.000000e+00 : f32
        %eq3A_671 = vector.broadcast %eq3A_670 : f32 to vector<16xf32>
        %eq3A_672 = arith.cmpf oeq, %gather3A_616, %eq3A_671 : vector<16xf32>
        %jit3A_673 = arith.constant 0.000000e+00 : f32
        %jit3A_674 = arith.constant 1.000000e+00 : f32
        %broadcast_in_dim3A_675 = vector.broadcast %jit3A_673 : f32 to vector<16xf32>
        %broadcast_in_dim3A_676 = vector.broadcast %jit3A_674 : f32 to vector<16xf32>
        %select_n3A_677 = arith.select %eq3A_672, %broadcast_in_dim3A_675, %broadcast_in_dim3A_676 : vector<16xi1>, vector<16xf32>
        %add3A_678 = arith.addf %add3A_534, %select_n3A_677 : vector<16xf32>
        %add3A_679 = arith.addf %add3A_535, %gather3A_617 : vector<16xf32>
        %eq3A_680 = arith.constant 0.000000e+00 : f32
        %eq3A_681 = vector.broadcast %eq3A_680 : f32 to vector<16xf32>
        %eq3A_682 = arith.cmpf oeq, %gather3A_617, %eq3A_681 : vector<16xf32>
        %jit3A_683 = arith.constant 0.000000e+00 : f32
        %jit3A_684 = arith.constant 1.000000e+00 : f32
        %broadcast_in_dim3A_685 = vector.broadcast %jit3A_683 : f32 to vector<16xf32>
        %broadcast_in_dim3A_686 = vector.broadcast %jit3A_684 : f32 to vector<16xf32>
        %select_n3A_687 = arith.select %eq3A_682, %broadcast_in_dim3A_685, %broadcast_in_dim3A_686 : vector<16xi1>, vector<16xf32>
        %add3A_688 = arith.addf %add3A_544, %select_n3A_687 : vector<16xf32>
        %add3A_689 = arith.addf %add3A_545, %gather3A_618 : vector<16xf32>
        %eq3A_690 = arith.constant 0.000000e+00 : f32
        %eq3A_691 = vector.broadcast %eq3A_690 : f32 to vector<16xf32>
        %eq3A_692 = arith.cmpf oeq, %gather3A_618, %eq3A_691 : vector<16xf32>
        %jit3A_693 = arith.constant 0.000000e+00 : f32
        %jit3A_694 = arith.constant 1.000000e+00 : f32
        %broadcast_in_dim3A_695 = vector.broadcast %jit3A_693 : f32 to vector<16xf32>
        %broadcast_in_dim3A_696 = vector.broadcast %jit3A_694 : f32 to vector<16xf32>
        %select_n3A_697 = arith.select %eq3A_692, %broadcast_in_dim3A_695, %broadcast_in_dim3A_696 : vector<16xi1>, vector<16xf32>
        %add3A_698 = arith.addf %add3A_554, %select_n3A_697 : vector<16xf32>
        %gt3A_699 = arith.constant 3 : i32
        %gt3A_700 = vector.broadcast %gt3A_699 : i32 to vector<16xi32>
        %gt3A_701 = arith.cmpi sgt, %get3A_256, %gt3A_700 : vector<16xi32>
        %add3A_702 = arith.constant 3 : i32
        %add3A_703 = vector.broadcast %add3A_702 : i32 to vector<16xi32>
        %add3A_704 = arith.addi %add3A_234, %add3A_703 : vector<16xi32>
        %broadcast_in_dim3A_705 = vector.broadcast %add3A_207 : i32 to vector<16xi32>
        %select_n3A_706 = arith.select %gt3A_701, %add3A_704, %broadcast_in_dim3A_705 : vector<16xi1>, vector<16xi32>
        %gt3A_707 = arith.constant 3 : i32
        %gt3A_708 = vector.broadcast %gt3A_707 : i32 to vector<16xi32>
        %gt3A_709 = arith.cmpi sgt, %get3A_260, %gt3A_708 : vector<16xi32>
        %add3A_710 = arith.constant 3 : i32
        %add3A_711 = vector.broadcast %add3A_710 : i32 to vector<16xi32>
        %add3A_712 = arith.addi %add3A_240, %add3A_711 : vector<16xi32>
        %broadcast_in_dim3A_713 = vector.broadcast %add3A_207 : i32 to vector<16xi32>
        %select_n3A_714 = arith.select %gt3A_709, %add3A_712, %broadcast_in_dim3A_713 : vector<16xi1>, vector<16xi32>
        %gt3A_715 = arith.constant 3 : i32
        %gt3A_716 = vector.broadcast %gt3A_715 : i32 to vector<16xi32>
        %gt3A_717 = arith.cmpi sgt, %get3A_264, %gt3A_716 : vector<16xi32>
        %add3A_718 = arith.constant 3 : i32
        %add3A_719 = vector.broadcast %add3A_718 : i32 to vector<16xi32>
        %add3A_720 = arith.addi %add3A_246, %add3A_719 : vector<16xi32>
        %broadcast_in_dim3A_721 = vector.broadcast %add3A_207 : i32 to vector<16xi32>
        %select_n3A_722 = arith.select %gt3A_717, %add3A_720, %broadcast_in_dim3A_721 : vector<16xi1>, vector<16xi32>
        %gt3A_723 = arith.constant 3 : i32
        %gt3A_724 = vector.broadcast %gt3A_723 : i32 to vector<16xi32>
        %gt3A_725 = arith.cmpi sgt, %get3A_268, %gt3A_724 : vector<16xi32>
        %add3A_726 = arith.constant 3 : i32
        %add3A_727 = vector.broadcast %add3A_726 : i32 to vector<16xi32>
        %add3A_728 = arith.addi %add3A_252, %add3A_727 : vector<16xi32>
        %broadcast_in_dim3A_729 = vector.broadcast %add3A_207 : i32 to vector<16xi32>
        %select_n3A_730 = arith.select %gt3A_725, %add3A_728, %broadcast_in_dim3A_729 : vector<16xi1>, vector<16xi32>
        %add3A_731 = arith.constant 1008 : i32
        %add3A_732 = arith.addi %multiple_of3A_229, %add3A_731 : i32
        %get3A_733 = arith.index_cast %add3A_732 : i32 to index
        %get3A_734 = tpu.vector_load %arg9[%get3A_733] {strides = array<i32>} : memref<7680xi32, #tpu.memory_space<vmem>>, vector<16xi32>,
        %add3A_735 = vector.broadcast %multiple_of3A : i32 to vector<16xi32>
        %add3A_736 = arith.addi %get3A_734, %add3A_735 : vector<16xi32>
        %add3A_737 = arith.constant 1248 : i32
        %add3A_738 = arith.addi %multiple_of3A_229, %add3A_737 : i32
        %get3A_739 = arith.index_cast %add3A_738 : i32 to index
        %get3A_740 = tpu.vector_load %arg9[%get3A_739] {strides = array<i32>} : memref<7680xi32, #tpu.memory_space<vmem>>, vector<16xi32>,
        %add3A_741 = vector.broadcast %multiple_of3A : i32 to vector<16xi32>
        %add3A_742 = arith.addi %get3A_740, %add3A_741 : vector<16xi32>
        %add3A_743 = arith.constant 1488 : i32
        %add3A_744 = arith.addi %multiple_of3A_229, %add3A_743 : i32
        %get3A_745 = arith.index_cast %add3A_744 : i32 to index
        %get3A_746 = tpu.vector_load %arg9[%get3A_745] {strides = array<i32>} : memref<7680xi32, #tpu.memory_space<vmem>>, vector<16xi32>,
        %add3A_747 = vector.broadcast %multiple_of3A : i32 to vector<16xi32>
        %add3A_748 = arith.addi %get3A_746, %add3A_747 : vector<16xi32>
        %add3A_749 = arith.constant 1728 : i32
        %add3A_750 = arith.addi %multiple_of3A_229, %add3A_749 : i32
        %get3A_751 = arith.index_cast %add3A_750 : i32 to index
        %get3A_752 = tpu.vector_load %arg9[%get3A_751] {strides = array<i32>} : memref<7680xi32, #tpu.memory_space<vmem>>, vector<16xi32>,
        %add3A_753 = vector.broadcast %multiple_of3A : i32 to vector<16xi32>
        %add3A_754 = arith.addi %get3A_752, %add3A_753 : vector<16xi32>
        %gather3A_755 = tpu.vector_load_idx %arg8[%select_n3A_706] : memref<83200xf32, #tpu.memory_space<vmem>>[vector<16xi32>], vector<16xf32>,
        %gather3A_756 = tpu.vector_load_idx %arg8[%select_n3A_714] : memref<83200xf32, #tpu.memory_space<vmem>>[vector<16xi32>], vector<16xf32>,
        %gather3A_757 = tpu.vector_load_idx %arg8[%select_n3A_722] : memref<83200xf32, #tpu.memory_space<vmem>>[vector<16xi32>], vector<16xf32>,
        %gather3A_758 = tpu.vector_load_idx %arg8[%select_n3A_730] : memref<83200xf32, #tpu.memory_space<vmem>>[vector<16xi32>], vector<16xf32>,
        %gather3A_759 = tpu.vector_load_idx %arg8[%add3A_736] : memref<83200xf32, #tpu.memory_space<vmem>>[vector<16xi32>], vector<16xf32>,
        %gather3A_760 = tpu.vector_load_idx %arg8[%add3A_742] : memref<83200xf32, #tpu.memory_space<vmem>>[vector<16xi32>], vector<16xf32>,
        %gather3A_761 = tpu.vector_load_idx %arg8[%add3A_748] : memref<83200xf32, #tpu.memory_space<vmem>>[vector<16xi32>], vector<16xf32>,
        %gather3A_762 = tpu.vector_load_idx %arg8[%add3A_754] : memref<83200xf32, #tpu.memory_space<vmem>>[vector<16xi32>], vector<16xf32>,
        %add3A_763 = arith.addf %add3A_619, %gather3A_755 : vector<16xf32>
        %eq3A_764 = arith.constant 0.000000e+00 : f32
        %eq3A_765 = vector.broadcast %eq3A_764 : f32 to vector<16xf32>
        %eq3A_766 = arith.cmpf oeq, %gather3A_755, %eq3A_765 : vector<16xf32>
        %jit3A_767 = arith.constant 0.000000e+00 : f32
        %jit3A_768 = arith.constant 1.000000e+00 : f32
        %broadcast_in_dim3A_769 = vector.broadcast %jit3A_767 : f32 to vector<16xf32>
        %broadcast_in_dim3A_770 = vector.broadcast %jit3A_768 : f32 to vector<16xf32>
        %select_n3A_771 = arith.select %eq3A_766, %broadcast_in_dim3A_769, %broadcast_in_dim3A_770 : vector<16xi1>, vector<16xf32>
        %add3A_772 = arith.addf %add3A_628, %select_n3A_771 : vector<16xf32>
        %add3A_773 = arith.addf %add3A_629, %gather3A_756 : vector<16xf32>
        %eq3A_774 = arith.constant 0.000000e+00 : f32
        %eq3A_775 = vector.broadcast %eq3A_774 : f32 to vector<16xf32>
        %eq3A_776 = arith.cmpf oeq, %gather3A_756, %eq3A_775 : vector<16xf32>
        %jit3A_777 = arith.constant 0.000000e+00 : f32
        %jit3A_778 = arith.constant 1.000000e+00 : f32
        %broadcast_in_dim3A_779 = vector.broadcast %jit3A_777 : f32 to vector<16xf32>
        %broadcast_in_dim3A_780 = vector.broadcast %jit3A_778 : f32 to vector<16xf32>
        %select_n3A_781 = arith.select %eq3A_776, %broadcast_in_dim3A_779, %broadcast_in_dim3A_780 : vector<16xi1>, vector<16xf32>
        %add3A_782 = arith.addf %add3A_638, %select_n3A_781 : vector<16xf32>
        %add3A_783 = arith.addf %add3A_639, %gather3A_757 : vector<16xf32>
        %eq3A_784 = arith.constant 0.000000e+00 : f32
        %eq3A_785 = vector.broadcast %eq3A_784 : f32 to vector<16xf32>
        %eq3A_786 = arith.cmpf oeq, %gather3A_757, %eq3A_785 : vector<16xf32>
        %jit3A_787 = arith.constant 0.000000e+00 : f32
        %jit3A_788 = arith.constant 1.000000e+00 : f32
        %broadcast_in_dim3A_789 = vector.broadcast %jit3A_787 : f32 to vector<16xf32>
        %broadcast_in_dim3A_790 = vector.broadcast %jit3A_788 : f32 to vector<16xf32>
        %select_n3A_791 = arith.select %eq3A_786, %broadcast_in_dim3A_789, %broadcast_in_dim3A_790 : vector<16xi1>, vector<16xf32>
        %add3A_792 = arith.addf %add3A_648, %select_n3A_791 : vector<16xf32>
        %add3A_793 = arith.addf %add3A_649, %gather3A_758 : vector<16xf32>
        %eq3A_794 = arith.constant 0.000000e+00 : f32
        %eq3A_795 = vector.broadcast %eq3A_794 : f32 to vector<16xf32>
        %eq3A_796 = arith.cmpf oeq, %gather3A_758, %eq3A_795 : vector<16xf32>
        %jit3A_797 = arith.constant 0.000000e+00 : f32
        %jit3A_798 = arith.constant 1.000000e+00 : f32
        %broadcast_in_dim3A_799 = vector.broadcast %jit3A_797 : f32 to vector<16xf32>
        %broadcast_in_dim3A_800 = vector.broadcast %jit3A_798 : f32 to vector<16xf32>
        %select_n3A_801 = arith.select %eq3A_796, %broadcast_in_dim3A_799, %broadcast_in_dim3A_800 : vector<16xi1>, vector<16xf32>
        %add3A_802 = arith.addf %add3A_658, %select_n3A_801 : vector<16xf32>
        %add3A_803 = arith.addf %add3A_659, %gather3A_759 : vector<16xf32>
        %eq3A_804 = arith.constant 0.000000e+00 : f32
        %eq3A_805 = vector.broadcast %eq3A_804 : f32 to vector<16xf32>
        %eq3A_806 = arith.cmpf oeq, %gather3A_759, %eq3A_805 : vector<16xf32>
        %jit3A_807 = arith.constant 0.000000e+00 : f32
        %jit3A_808 = arith.constant 1.000000e+00 : f32
        %broadcast_in_dim3A_809 = vector.broadcast %jit3A_807 : f32 to vector<16xf32>
        %broadcast_in_dim3A_810 = vector.broadcast %jit3A_808 : f32 to vector<16xf32>
        %select_n3A_811 = arith.select %eq3A_806, %broadcast_in_dim3A_809, %broadcast_in_dim3A_810 : vector<16xi1>, vector<16xf32>
        %add3A_812 = arith.addf %add3A_668, %select_n3A_811 : vector<16xf32>
        %add3A_813 = arith.addf %add3A_669, %gather3A_760 : vector<16xf32>
        %eq3A_814 = arith.constant 0.000000e+00 : f32
        %eq3A_815 = vector.broadcast %eq3A_814 : f32 to vector<16xf32>
        %eq3A_816 = arith.cmpf oeq, %gather3A_760, %eq3A_815 : vector<16xf32>
        %jit3A_817 = arith.constant 0.000000e+00 : f32
        %jit3A_818 = arith.constant 1.000000e+00 : f32
        %broadcast_in_dim3A_819 = vector.broadcast %jit3A_817 : f32 to vector<16xf32>
        %broadcast_in_dim3A_820 = vector.broadcast %jit3A_818 : f32 to vector<16xf32>
        %select_n3A_821 = arith.select %eq3A_816, %broadcast_in_dim3A_819, %broadcast_in_dim3A_820 : vector<16xi1>, vector<16xf32>
        %add3A_822 = arith.addf %add3A_678, %select_n3A_821 : vector<16xf32>
        %add3A_823 = arith.addf %add3A_679, %gather3A_761 : vector<16xf32>
        %eq3A_824 = arith.constant 0.000000e+00 : f32
        %eq3A_825 = vector.broadcast %eq3A_824 : f32 to vector<16xf32>
        %eq3A_826 = arith.cmpf oeq, %gather3A_761, %eq3A_825 : vector<16xf32>
        %jit3A_827 = arith.constant 0.000000e+00 : f32
        %jit3A_828 = arith.constant 1.000000e+00 : f32
        %broadcast_in_dim3A_829 = vector.broadcast %jit3A_827 : f32 to vector<16xf32>
        %broadcast_in_dim3A_830 = vector.broadcast %jit3A_828 : f32 to vector<16xf32>
        %select_n3A_831 = arith.select %eq3A_826, %broadcast_in_dim3A_829, %broadcast_in_dim3A_830 : vector<16xi1>, vector<16xf32>
        %add3A_832 = arith.addf %add3A_688, %select_n3A_831 : vector<16xf32>
        %add3A_833 = arith.addf %add3A_689, %gather3A_762 : vector<16xf32>
        %eq3A_834 = arith.constant 0.000000e+00 : f32
        %eq3A_835 = vector.broadcast %eq3A_834 : f32 to vector<16xf32>
        %eq3A_836 = arith.cmpf oeq, %gather3A_762, %eq3A_835 : vector<16xf32>
        %jit3A_837 = arith.constant 0.000000e+00 : f32
        %jit3A_838 = arith.constant 1.000000e+00 : f32
        %broadcast_in_dim3A_839 = vector.broadcast %jit3A_837 : f32 to vector<16xf32>
        %broadcast_in_dim3A_840 = vector.broadcast %jit3A_838 : f32 to vector<16xf32>
        %select_n3A_841 = arith.select %eq3A_836, %broadcast_in_dim3A_839, %broadcast_in_dim3A_840 : vector<16xi1>, vector<16xf32>
        %add3A_842 = arith.addf %add3A_698, %select_n3A_841 : vector<16xf32>
        %gt3A_843 = arith.constant 4 : i32
        %gt3A_844 = vector.broadcast %gt3A_843 : i32 to vector<16xi32>
        %gt3A_845 = arith.cmpi sgt, %get3A_256, %gt3A_844 : vector<16xi32>
        %add3A_846 = arith.constant 4 : i32
        %add3A_847 = vector.broadcast %add3A_846 : i32 to vector<16xi32>
        %add3A_848 = arith.addi %add3A_234, %add3A_847 : vector<16xi32>
        %broadcast_in_dim3A_849 = vector.broadcast %add3A_207 : i32 to vector<16xi32>
        %select_n3A_850 = arith.select %gt3A_845, %add3A_848, %broadcast_in_dim3A_849 : vector<16xi1>, vector<16xi32>
        %gt3A_851 = arith.constant 4 : i32
        %gt3A_852 = vector.broadcast %gt3A_851 : i32 to vector<16xi32>
        %gt3A_853 = arith.cmpi sgt, %get3A_260, %gt3A_852 : vector<16xi32>
        %add3A_854 = arith.constant 4 : i32
        %add3A_855 = vector.broadcast %add3A_854 : i32 to vector<16xi32>
        %add3A_856 = arith.addi %add3A_240, %add3A_855 : vector<16xi32>
        %broadcast_in_dim3A_857 = vector.broadcast %add3A_207 : i32 to vector<16xi32>
        %select_n3A_858 = arith.select %gt3A_853, %add3A_856, %broadcast_in_dim3A_857 : vector<16xi1>, vector<16xi32>
        %gt3A_859 = arith.constant 4 : i32
        %gt3A_860 = vector.broadcast %gt3A_859 : i32 to vector<16xi32>
        %gt3A_861 = arith.cmpi sgt, %get3A_264, %gt3A_860 : vector<16xi32>
        %add3A_862 = arith.constant 4 : i32
        %add3A_863 = vector.broadcast %add3A_862 : i32 to vector<16xi32>
        %add3A_864 = arith.addi %add3A_246, %add3A_863 : vector<16xi32>
        %broadcast_in_dim3A_865 = vector.broadcast %add3A_207 : i32 to vector<16xi32>
        %select_n3A_866 = arith.select %gt3A_861, %add3A_864, %broadcast_in_dim3A_865 : vector<16xi1>, vector<16xi32>
        %gt3A_867 = arith.constant 4 : i32
        %gt3A_868 = vector.broadcast %gt3A_867 : i32 to vector<16xi32>
        %gt3A_869 = arith.cmpi sgt, %get3A_268, %gt3A_868 : vector<16xi32>
        %add3A_870 = arith.constant 4 : i32
        %add3A_871 = vector.broadcast %add3A_870 : i32 to vector<16xi32>
        %add3A_872 = arith.addi %add3A_252, %add3A_871 : vector<16xi32>
        %broadcast_in_dim3A_873 = vector.broadcast %add3A_207 : i32 to vector<16xi32>
        %select_n3A_874 = arith.select %gt3A_869, %add3A_872, %broadcast_in_dim3A_873 : vector<16xi1>, vector<16xi32>
        %add3A_875 = arith.constant 1024 : i32
        %add3A_876 = arith.addi %multiple_of3A_229, %add3A_875 : i32
        %get3A_877 = arith.index_cast %add3A_876 : i32 to index
        %get3A_878 = tpu.vector_load %arg9[%get3A_877] {strides = array<i32>} : memref<7680xi32, #tpu.memory_space<vmem>>, vector<16xi32>,
        %add3A_879 = vector.broadcast %multiple_of3A : i32 to vector<16xi32>
        %add3A_880 = arith.addi %get3A_878, %add3A_879 : vector<16xi32>
        %add3A_881 = arith.constant 1264 : i32
        %add3A_882 = arith.addi %multiple_of3A_229, %add3A_881 : i32
        %get3A_883 = arith.index_cast %add3A_882 : i32 to index
        %get3A_884 = tpu.vector_load %arg9[%get3A_883] {strides = array<i32>} : memref<7680xi32, #tpu.memory_space<vmem>>, vector<16xi32>,
        %add3A_885 = vector.broadcast %multiple_of3A : i32 to vector<16xi32>
        %add3A_886 = arith.addi %get3A_884, %add3A_885 : vector<16xi32>
        %add3A_887 = arith.constant 1504 : i32
        %add3A_888 = arith.addi %multiple_of3A_229, %add3A_887 : i32
        %get3A_889 = arith.index_cast %add3A_888 : i32 to index
        %get3A_890 = tpu.vector_load %arg9[%get3A_889] {strides = array<i32>} : memref<7680xi32, #tpu.memory_space<vmem>>, vector<16xi32>,
        %add3A_891 = vector.broadcast %multiple_of3A : i32 to vector<16xi32>
        %add3A_892 = arith.addi %get3A_890, %add3A_891 : vector<16xi32>
        %add3A_893 = arith.constant 1744 : i32
        %add3A_894 = arith.addi %multiple_of3A_229, %add3A_893 : i32
        %get3A_895 = arith.index_cast %add3A_894 : i32 to index
        %get3A_896 = tpu.vector_load %arg9[%get3A_895] {strides = array<i32>} : memref<7680xi32, #tpu.memory_space<vmem>>, vector<16xi32>,
        %add3A_897 = vector.broadcast %multiple_of3A : i32 to vector<16xi32>
        %add3A_898 = arith.addi %get3A_896, %add3A_897 : vector<16xi32>
        %gather3A_899 = tpu.vector_load_idx %arg8[%select_n3A_850] : memref<83200xf32, #tpu.memory_space<vmem>>[vector<16xi32>], vector<16xf32>,
        %gather3A_900 = tpu.vector_load_idx %arg8[%select_n3A_858] : memref<83200xf32, #tpu.memory_space<vmem>>[vector<16xi32>], vector<16xf32>,
        %gather3A_901 = tpu.vector_load_idx %arg8[%select_n3A_866] : memref<83200xf32, #tpu.memory_space<vmem>>[vector<16xi32>], vector<16xf32>,
        %gather3A_902 = tpu.vector_load_idx %arg8[%select_n3A_874] : memref<83200xf32, #tpu.memory_space<vmem>>[vector<16xi32>], vector<16xf32>,
        %gather3A_903 = tpu.vector_load_idx %arg8[%add3A_880] : memref<83200xf32, #tpu.memory_space<vmem>>[vector<16xi32>], vector<16xf32>,
        %gather3A_904 = tpu.vector_load_idx %arg8[%add3A_886] : memref<83200xf32, #tpu.memory_space<vmem>>[vector<16xi32>], vector<16xf32>,
        %gather3A_905 = tpu.vector_load_idx %arg8[%add3A_892] : memref<83200xf32, #tpu.memory_space<vmem>>[vector<16xi32>], vector<16xf32>,
        %gather3A_906 = tpu.vector_load_idx %arg8[%add3A_898] : memref<83200xf32, #tpu.memory_space<vmem>>[vector<16xi32>], vector<16xf32>,
        %add3A_907 = arith.addf %add3A_763, %gather3A_899 : vector<16xf32>
        %eq3A_908 = arith.constant 0.000000e+00 : f32
        %eq3A_909 = vector.broadcast %eq3A_908 : f32 to vector<16xf32>
        %eq3A_910 = arith.cmpf oeq, %gather3A_899, %eq3A_909 : vector<16xf32>
        %jit3A_911 = arith.constant 0.000000e+00 : f32
        %jit3A_912 = arith.constant 1.000000e+00 : f32
        %broadcast_in_dim3A_913 = vector.broadcast %jit3A_911 : f32 to vector<16xf32>
        %broadcast_in_dim3A_914 = vector.broadcast %jit3A_912 : f32 to vector<16xf32>
        %select_n3A_915 = arith.select %eq3A_910, %broadcast_in_dim3A_913, %broadcast_in_dim3A_914 : vector<16xi1>, vector<16xf32>
        %add3A_916 = arith.addf %add3A_772, %select_n3A_915 : vector<16xf32>
        %add3A_917 = arith.addf %add3A_773, %gather3A_900 : vector<16xf32>
        %eq3A_918 = arith.constant 0.000000e+00 : f32
        %eq3A_919 = vector.broadcast %eq3A_918 : f32 to vector<16xf32>
        %eq3A_920 = arith.cmpf oeq, %gather3A_900, %eq3A_919 : vector<16xf32>
        %jit3A_921 = arith.constant 0.000000e+00 : f32
        %jit3A_922 = arith.constant 1.000000e+00 : f32
        %broadcast_in_dim3A_923 = vector.broadcast %jit3A_921 : f32 to vector<16xf32>
        %broadcast_in_dim3A_924 = vector.broadcast %jit3A_922 : f32 to vector<16xf32>
        %select_n3A_925 = arith.select %eq3A_920, %broadcast_in_dim3A_923, %broadcast_in_dim3A_924 : vector<16xi1>, vector<16xf32>
        %add3A_926 = arith.addf %add3A_782, %select_n3A_925 : vector<16xf32>
        %add3A_927 = arith.addf %add3A_783, %gather3A_901 : vector<16xf32>
        %eq3A_928 = arith.constant 0.000000e+00 : f32
        %eq3A_929 = vector.broadcast %eq3A_928 : f32 to vector<16xf32>
        %eq3A_930 = arith.cmpf oeq, %gather3A_901, %eq3A_929 : vector<16xf32>
        %jit3A_931 = arith.constant 0.000000e+00 : f32
        %jit3A_932 = arith.constant 1.000000e+00 : f32
        %broadcast_in_dim3A_933 = vector.broadcast %jit3A_931 : f32 to vector<16xf32>
        %broadcast_in_dim3A_934 = vector.broadcast %jit3A_932 : f32 to vector<16xf32>
        %select_n3A_935 = arith.select %eq3A_930, %broadcast_in_dim3A_933, %broadcast_in_dim3A_934 : vector<16xi1>, vector<16xf32>
        %add3A_936 = arith.addf %add3A_792, %select_n3A_935 : vector<16xf32>
        %add3A_937 = arith.addf %add3A_793, %gather3A_902 : vector<16xf32>
        %eq3A_938 = arith.constant 0.000000e+00 : f32
        %eq3A_939 = vector.broadcast %eq3A_938 : f32 to vector<16xf32>
        %eq3A_940 = arith.cmpf oeq, %gather3A_902, %eq3A_939 : vector<16xf32>
        %jit3A_941 = arith.constant 0.000000e+00 : f32
        %jit3A_942 = arith.constant 1.000000e+00 : f32
        %broadcast_in_dim3A_943 = vector.broadcast %jit3A_941 : f32 to vector<16xf32>
        %broadcast_in_dim3A_944 = vector.broadcast %jit3A_942 : f32 to vector<16xf32>
        %select_n3A_945 = arith.select %eq3A_940, %broadcast_in_dim3A_943, %broadcast_in_dim3A_944 : vector<16xi1>, vector<16xf32>
        %add3A_946 = arith.addf %add3A_802, %select_n3A_945 : vector<16xf32>
        %add3A_947 = arith.addf %add3A_803, %gather3A_903 : vector<16xf32>
        %eq3A_948 = arith.constant 0.000000e+00 : f32
        %eq3A_949 = vector.broadcast %eq3A_948 : f32 to vector<16xf32>
        %eq3A_950 = arith.cmpf oeq, %gather3A_903, %eq3A_949 : vector<16xf32>
        %jit3A_951 = arith.constant 0.000000e+00 : f32
        %jit3A_952 = arith.constant 1.000000e+00 : f32
        %broadcast_in_dim3A_953 = vector.broadcast %jit3A_951 : f32 to vector<16xf32>
        %broadcast_in_dim3A_954 = vector.broadcast %jit3A_952 : f32 to vector<16xf32>
        %select_n3A_955 = arith.select %eq3A_950, %broadcast_in_dim3A_953, %broadcast_in_dim3A_954 : vector<16xi1>, vector<16xf32>
        %add3A_956 = arith.addf %add3A_812, %select_n3A_955 : vector<16xf32>
        %add3A_957 = arith.addf %add3A_813, %gather3A_904 : vector<16xf32>
        %eq3A_958 = arith.constant 0.000000e+00 : f32
        %eq3A_959 = vector.broadcast %eq3A_958 : f32 to vector<16xf32>
        %eq3A_960 = arith.cmpf oeq, %gather3A_904, %eq3A_959 : vector<16xf32>
        %jit3A_961 = arith.constant 0.000000e+00 : f32
        %jit3A_962 = arith.constant 1.000000e+00 : f32
        %broadcast_in_dim3A_963 = vector.broadcast %jit3A_961 : f32 to vector<16xf32>
        %broadcast_in_dim3A_964 = vector.broadcast %jit3A_962 : f32 to vector<16xf32>
        %select_n3A_965 = arith.select %eq3A_960, %broadcast_in_dim3A_963, %broadcast_in_dim3A_964 : vector<16xi1>, vector<16xf32>
        %add3A_966 = arith.addf %add3A_822, %select_n3A_965 : vector<16xf32>
        %add3A_967 = arith.addf %add3A_823, %gather3A_905 : vector<16xf32>
        %eq3A_968 = arith.constant 0.000000e+00 : f32
        %eq3A_969 = vector.broadcast %eq3A_968 : f32 to vector<16xf32>
        %eq3A_970 = arith.cmpf oeq, %gather3A_905, %eq3A_969 : vector<16xf32>
        %jit3A_971 = arith.constant 0.000000e+00 : f32
        %jit3A_972 = arith.constant 1.000000e+00 : f32
        %broadcast_in_dim3A_973 = vector.broadcast %jit3A_971 : f32 to vector<16xf32>
        %broadcast_in_dim3A_974 = vector.broadcast %jit3A_972 : f32 to vector<16xf32>
        %select_n3A_975 = arith.select %eq3A_970, %broadcast_in_dim3A_973, %broadcast_in_dim3A_974 : vector<16xi1>, vector<16xf32>
        %add3A_976 = arith.addf %add3A_832, %select_n3A_975 : vector<16xf32>
        %add3A_977 = arith.addf %add3A_833, %gather3A_906 : vector<16xf32>
        %eq3A_978 = arith.constant 0.000000e+00 : f32
        %eq3A_979 = vector.broadcast %eq3A_978 : f32 to vector<16xf32>
        %eq3A_980 = arith.cmpf oeq, %gather3A_906, %eq3A_979 : vector<16xf32>
        %jit3A_981 = arith.constant 0.000000e+00 : f32
        %jit3A_982 = arith.constant 1.000000e+00 : f32
        %broadcast_in_dim3A_983 = vector.broadcast %jit3A_981 : f32 to vector<16xf32>
        %broadcast_in_dim3A_984 = vector.broadcast %jit3A_982 : f32 to vector<16xf32>
        %select_n3A_985 = arith.select %eq3A_980, %broadcast_in_dim3A_983, %broadcast_in_dim3A_984 : vector<16xi1>, vector<16xf32>
        %add3A_986 = arith.addf %add3A_842, %select_n3A_985 : vector<16xf32>
        %gt3A_987 = arith.constant 5 : i32
        %gt3A_988 = vector.broadcast %gt3A_987 : i32 to vector<16xi32>
        %gt3A_989 = arith.cmpi sgt, %get3A_256, %gt3A_988 : vector<16xi32>
        %add3A_990 = arith.constant 5 : i32
        %add3A_991 = vector.broadcast %add3A_990 : i32 to vector<16xi32>
        %add3A_992 = arith.addi %add3A_234, %add3A_991 : vector<16xi32>
        %broadcast_in_dim3A_993 = vector.broadcast %add3A_207 : i32 to vector<16xi32>
        %select_n3A_994 = arith.select %gt3A_989, %add3A_992, %broadcast_in_dim3A_993 : vector<16xi1>, vector<16xi32>
        %gt3A_995 = arith.constant 5 : i32
        %gt3A_996 = vector.broadcast %gt3A_995 : i32 to vector<16xi32>
        %gt3A_997 = arith.cmpi sgt, %get3A_260, %gt3A_996 : vector<16xi32>
        %add3A_998 = arith.constant 5 : i32
        %add3A_999 = vector.broadcast %add3A_998 : i32 to vector<16xi32>
        %add3A_1000 = arith.addi %add3A_240, %add3A_999 : vector<16xi32>
        %broadcast_in_dim3A_1001 = vector.broadcast %add3A_207 : i32 to vector<16xi32>
        %select_n3A_1002 = arith.select %gt3A_997, %add3A_1000, %broadcast_in_dim3A_1001 : vector<16xi1>, vector<16xi32>
        %gt3A_1003 = arith.constant 5 : i32
        %gt3A_1004 = vector.broadcast %gt3A_1003 : i32 to vector<16xi32>
        %gt3A_1005 = arith.cmpi sgt, %get3A_264, %gt3A_1004 : vector<16xi32>
        %add3A_1006 = arith.constant 5 : i32
        %add3A_1007 = vector.broadcast %add3A_1006 : i32 to vector<16xi32>
        %add3A_1008 = arith.addi %add3A_246, %add3A_1007 : vector<16xi32>
        %broadcast_in_dim3A_1009 = vector.broadcast %add3A_207 : i32 to vector<16xi32>
        %select_n3A_1010 = arith.select %gt3A_1005, %add3A_1008, %broadcast_in_dim3A_1009 : vector<16xi1>, vector<16xi32>
        %gt3A_1011 = arith.constant 5 : i32
        %gt3A_1012 = vector.broadcast %gt3A_1011 : i32 to vector<16xi32>
        %gt3A_1013 = arith.cmpi sgt, %get3A_268, %gt3A_1012 : vector<16xi32>
        %add3A_1014 = arith.constant 5 : i32
        %add3A_1015 = vector.broadcast %add3A_1014 : i32 to vector<16xi32>
        %add3A_1016 = arith.addi %add3A_252, %add3A_1015 : vector<16xi32>
        %broadcast_in_dim3A_1017 = vector.broadcast %add3A_207 : i32 to vector<16xi32>
        %select_n3A_1018 = arith.select %gt3A_1013, %add3A_1016, %broadcast_in_dim3A_1017 : vector<16xi1>, vector<16xi32>
        %add3A_1019 = arith.constant 1040 : i32
        %add3A_1020 = arith.addi %multiple_of3A_229, %add3A_1019 : i32
        %get3A_1021 = arith.index_cast %add3A_1020 : i32 to index
        %get3A_1022 = tpu.vector_load %arg9[%get3A_1021] {strides = array<i32>} : memref<7680xi32, #tpu.memory_space<vmem>>, vector<16xi32>,
        %add3A_1023 = vector.broadcast %multiple_of3A : i32 to vector<16xi32>
        %add3A_1024 = arith.addi %get3A_1022, %add3A_1023 : vector<16xi32>
        %add3A_1025 = arith.constant 1280 : i32
        %add3A_1026 = arith.addi %multiple_of3A_229, %add3A_1025 : i32
        %get3A_1027 = arith.index_cast %add3A_1026 : i32 to index
        %get3A_1028 = tpu.vector_load %arg9[%get3A_1027] {strides = array<i32>} : memref<7680xi32, #tpu.memory_space<vmem>>, vector<16xi32>,
        %add3A_1029 = vector.broadcast %multiple_of3A : i32 to vector<16xi32>
        %add3A_1030 = arith.addi %get3A_1028, %add3A_1029 : vector<16xi32>
        %add3A_1031 = arith.constant 1520 : i32
        %add3A_1032 = arith.addi %multiple_of3A_229, %add3A_1031 : i32
        %get3A_1033 = arith.index_cast %add3A_1032 : i32 to index
        %get3A_1034 = tpu.vector_load %arg9[%get3A_1033] {strides = array<i32>} : memref<7680xi32, #tpu.memory_space<vmem>>, vector<16xi32>,
        %add3A_1035 = vector.broadcast %multiple_of3A : i32 to vector<16xi32>
        %add3A_1036 = arith.addi %get3A_1034, %add3A_1035 : vector<16xi32>
        %add3A_1037 = arith.constant 1760 : i32
        %add3A_1038 = arith.addi %multiple_of3A_229, %add3A_1037 : i32
        %get3A_1039 = arith.index_cast %add3A_1038 : i32 to index
        %get3A_1040 = tpu.vector_load %arg9[%get3A_1039] {strides = array<i32>} : memref<7680xi32, #tpu.memory_space<vmem>>, vector<16xi32>,
        %add3A_1041 = vector.broadcast %multiple_of3A : i32 to vector<16xi32>
        %add3A_1042 = arith.addi %get3A_1040, %add3A_1041 : vector<16xi32>
        %gather3A_1043 = tpu.vector_load_idx %arg8[%select_n3A_994] : memref<83200xf32, #tpu.memory_space<vmem>>[vector<16xi32>], vector<16xf32>,
        %gather3A_1044 = tpu.vector_load_idx %arg8[%select_n3A_1002] : memref<83200xf32, #tpu.memory_space<vmem>>[vector<16xi32>], vector<16xf32>,
        %gather3A_1045 = tpu.vector_load_idx %arg8[%select_n3A_1010] : memref<83200xf32, #tpu.memory_space<vmem>>[vector<16xi32>], vector<16xf32>,
        %gather3A_1046 = tpu.vector_load_idx %arg8[%select_n3A_1018] : memref<83200xf32, #tpu.memory_space<vmem>>[vector<16xi32>], vector<16xf32>,
        %gather3A_1047 = tpu.vector_load_idx %arg8[%add3A_1024] : memref<83200xf32, #tpu.memory_space<vmem>>[vector<16xi32>], vector<16xf32>,
        %gather3A_1048 = tpu.vector_load_idx %arg8[%add3A_1030] : memref<83200xf32, #tpu.memory_space<vmem>>[vector<16xi32>], vector<16xf32>,
        %gather3A_1049 = tpu.vector_load_idx %arg8[%add3A_1036] : memref<83200xf32, #tpu.memory_space<vmem>>[vector<16xi32>], vector<16xf32>,
        %gather3A_1050 = tpu.vector_load_idx %arg8[%add3A_1042] : memref<83200xf32, #tpu.memory_space<vmem>>[vector<16xi32>], vector<16xf32>,
        %add3A_1051 = arith.addf %add3A_907, %gather3A_1043 : vector<16xf32>
        %eq3A_1052 = arith.constant 0.000000e+00 : f32
        %eq3A_1053 = vector.broadcast %eq3A_1052 : f32 to vector<16xf32>
        %eq3A_1054 = arith.cmpf oeq, %gather3A_1043, %eq3A_1053 : vector<16xf32>
        %jit3A_1055 = arith.constant 0.000000e+00 : f32
        %jit3A_1056 = arith.constant 1.000000e+00 : f32
        %broadcast_in_dim3A_1057 = vector.broadcast %jit3A_1055 : f32 to vector<16xf32>
        %broadcast_in_dim3A_1058 = vector.broadcast %jit3A_1056 : f32 to vector<16xf32>
        %select_n3A_1059 = arith.select %eq3A_1054, %broadcast_in_dim3A_1057, %broadcast_in_dim3A_1058 : vector<16xi1>, vector<16xf32>
        %add3A_1060 = arith.addf %add3A_916, %select_n3A_1059 : vector<16xf32>
        %add3A_1061 = arith.addf %add3A_917, %gather3A_1044 : vector<16xf32>
        %eq3A_1062 = arith.constant 0.000000e+00 : f32
        %eq3A_1063 = vector.broadcast %eq3A_1062 : f32 to vector<16xf32>
        %eq3A_1064 = arith.cmpf oeq, %gather3A_1044, %eq3A_1063 : vector<16xf32>
        %jit3A_1065 = arith.constant 0.000000e+00 : f32
        %jit3A_1066 = arith.constant 1.000000e+00 : f32
        %broadcast_in_dim3A_1067 = vector.broadcast %jit3A_1065 : f32 to vector<16xf32>
        %broadcast_in_dim3A_1068 = vector.broadcast %jit3A_1066 : f32 to vector<16xf32>
        %select_n3A_1069 = arith.select %eq3A_1064, %broadcast_in_dim3A_1067, %broadcast_in_dim3A_1068 : vector<16xi1>, vector<16xf32>
        %add3A_1070 = arith.addf %add3A_926, %select_n3A_1069 : vector<16xf32>
        %add3A_1071 = arith.addf %add3A_927, %gather3A_1045 : vector<16xf32>
        %eq3A_1072 = arith.constant 0.000000e+00 : f32
        %eq3A_1073 = vector.broadcast %eq3A_1072 : f32 to vector<16xf32>
        %eq3A_1074 = arith.cmpf oeq, %gather3A_1045, %eq3A_1073 : vector<16xf32>
        %jit3A_1075 = arith.constant 0.000000e+00 : f32
        %jit3A_1076 = arith.constant 1.000000e+00 : f32
        %broadcast_in_dim3A_1077 = vector.broadcast %jit3A_1075 : f32 to vector<16xf32>
        %broadcast_in_dim3A_1078 = vector.broadcast %jit3A_1076 : f32 to vector<16xf32>
        %select_n3A_1079 = arith.select %eq3A_1074, %broadcast_in_dim3A_1077, %broadcast_in_dim3A_1078 : vector<16xi1>, vector<16xf32>
        %add3A_1080 = arith.addf %add3A_936, %select_n3A_1079 : vector<16xf32>
        %add3A_1081 = arith.addf %add3A_937, %gather3A_1046 : vector<16xf32>
        %eq3A_1082 = arith.constant 0.000000e+00 : f32
        %eq3A_1083 = vector.broadcast %eq3A_1082 : f32 to vector<16xf32>
        %eq3A_1084 = arith.cmpf oeq, %gather3A_1046, %eq3A_1083 : vector<16xf32>
        %jit3A_1085 = arith.constant 0.000000e+00 : f32
        %jit3A_1086 = arith.constant 1.000000e+00 : f32
        %broadcast_in_dim3A_1087 = vector.broadcast %jit3A_1085 : f32 to vector<16xf32>
        %broadcast_in_dim3A_1088 = vector.broadcast %jit3A_1086 : f32 to vector<16xf32>
        %select_n3A_1089 = arith.select %eq3A_1084, %broadcast_in_dim3A_1087, %broadcast_in_dim3A_1088 : vector<16xi1>, vector<16xf32>
        %add3A_1090 = arith.addf %add3A_946, %select_n3A_1089 : vector<16xf32>
        %add3A_1091 = arith.addf %add3A_947, %gather3A_1047 : vector<16xf32>
        %eq3A_1092 = arith.constant 0.000000e+00 : f32
        %eq3A_1093 = vector.broadcast %eq3A_1092 : f32 to vector<16xf32>
        %eq3A_1094 = arith.cmpf oeq, %gather3A_1047, %eq3A_1093 : vector<16xf32>
        %jit3A_1095 = arith.constant 0.000000e+00 : f32
        %jit3A_1096 = arith.constant 1.000000e+00 : f32
        %broadcast_in_dim3A_1097 = vector.broadcast %jit3A_1095 : f32 to vector<16xf32>
        %broadcast_in_dim3A_1098 = vector.broadcast %jit3A_1096 : f32 to vector<16xf32>
        %select_n3A_1099 = arith.select %eq3A_1094, %broadcast_in_dim3A_1097, %broadcast_in_dim3A_1098 : vector<16xi1>, vector<16xf32>
        %add3A_1100 = arith.addf %add3A_956, %select_n3A_1099 : vector<16xf32>
        %add3A_1101 = arith.addf %add3A_957, %gather3A_1048 : vector<16xf32>
        %eq3A_1102 = arith.constant 0.000000e+00 : f32
        %eq3A_1103 = vector.broadcast %eq3A_1102 : f32 to vector<16xf32>
        %eq3A_1104 = arith.cmpf oeq, %gather3A_1048, %eq3A_1103 : vector<16xf32>
        %jit3A_1105 = arith.constant 0.000000e+00 : f32
        %jit3A_1106 = arith.constant 1.000000e+00 : f32
        %broadcast_in_dim3A_1107 = vector.broadcast %jit3A_1105 : f32 to vector<16xf32>
        %broadcast_in_dim3A_1108 = vector.broadcast %jit3A_1106 : f32 to vector<16xf32>
        %select_n3A_1109 = arith.select %eq3A_1104, %broadcast_in_dim3A_1107, %broadcast_in_dim3A_1108 : vector<16xi1>, vector<16xf32>
        %add3A_1110 = arith.addf %add3A_966, %select_n3A_1109 : vector<16xf32>
        %add3A_1111 = arith.addf %add3A_967, %gather3A_1049 : vector<16xf32>
        %eq3A_1112 = arith.constant 0.000000e+00 : f32
        %eq3A_1113 = vector.broadcast %eq3A_1112 : f32 to vector<16xf32>
        %eq3A_1114 = arith.cmpf oeq, %gather3A_1049, %eq3A_1113 : vector<16xf32>
        %jit3A_1115 = arith.constant 0.000000e+00 : f32
        %jit3A_1116 = arith.constant 1.000000e+00 : f32
        %broadcast_in_dim3A_1117 = vector.broadcast %jit3A_1115 : f32 to vector<16xf32>
        %broadcast_in_dim3A_1118 = vector.broadcast %jit3A_1116 : f32 to vector<16xf32>
        %select_n3A_1119 = arith.select %eq3A_1114, %broadcast_in_dim3A_1117, %broadcast_in_dim3A_1118 : vector<16xi1>, vector<16xf32>
        %add3A_1120 = arith.addf %add3A_976, %select_n3A_1119 : vector<16xf32>
        %add3A_1121 = arith.addf %add3A_977, %gather3A_1050 : vector<16xf32>
        %eq3A_1122 = arith.constant 0.000000e+00 : f32
        %eq3A_1123 = vector.broadcast %eq3A_1122 : f32 to vector<16xf32>
        %eq3A_1124 = arith.cmpf oeq, %gather3A_1050, %eq3A_1123 : vector<16xf32>
        %jit3A_1125 = arith.constant 0.000000e+00 : f32
        %jit3A_1126 = arith.constant 1.000000e+00 : f32
        %broadcast_in_dim3A_1127 = vector.broadcast %jit3A_1125 : f32 to vector<16xf32>
        %broadcast_in_dim3A_1128 = vector.broadcast %jit3A_1126 : f32 to vector<16xf32>
        %select_n3A_1129 = arith.select %eq3A_1124, %broadcast_in_dim3A_1127, %broadcast_in_dim3A_1128 : vector<16xi1>, vector<16xf32>
        %add3A_1130 = arith.addf %add3A_986, %select_n3A_1129 : vector<16xf32>
        %gt3A_1131 = arith.constant 6 : i32
        %gt3A_1132 = vector.broadcast %gt3A_1131 : i32 to vector<16xi32>
        %gt3A_1133 = arith.cmpi sgt, %get3A_256, %gt3A_1132 : vector<16xi32>
        %add3A_1134 = arith.constant 6 : i32
        %add3A_1135 = vector.broadcast %add3A_1134 : i32 to vector<16xi32>
        %add3A_1136 = arith.addi %add3A_234, %add3A_1135 : vector<16xi32>
        %broadcast_in_dim3A_1137 = vector.broadcast %add3A_207 : i32 to vector<16xi32>
        %select_n3A_1138 = arith.select %gt3A_1133, %add3A_1136, %broadcast_in_dim3A_1137 : vector<16xi1>, vector<16xi32>
        %gt3A_1139 = arith.constant 6 : i32
        %gt3A_1140 = vector.broadcast %gt3A_1139 : i32 to vector<16xi32>
        %gt3A_1141 = arith.cmpi sgt, %get3A_260, %gt3A_1140 : vector<16xi32>
        %add3A_1142 = arith.constant 6 : i32
        %add3A_1143 = vector.broadcast %add3A_1142 : i32 to vector<16xi32>
        %add3A_1144 = arith.addi %add3A_240, %add3A_1143 : vector<16xi32>
        %broadcast_in_dim3A_1145 = vector.broadcast %add3A_207 : i32 to vector<16xi32>
        %select_n3A_1146 = arith.select %gt3A_1141, %add3A_1144, %broadcast_in_dim3A_1145 : vector<16xi1>, vector<16xi32>
        %gt3A_1147 = arith.constant 6 : i32
        %gt3A_1148 = vector.broadcast %gt3A_1147 : i32 to vector<16xi32>
        %gt3A_1149 = arith.cmpi sgt, %get3A_264, %gt3A_1148 : vector<16xi32>
        %add3A_1150 = arith.constant 6 : i32
        %add3A_1151 = vector.broadcast %add3A_1150 : i32 to vector<16xi32>
        %add3A_1152 = arith.addi %add3A_246, %add3A_1151 : vector<16xi32>
        %broadcast_in_dim3A_1153 = vector.broadcast %add3A_207 : i32 to vector<16xi32>
        %select_n3A_1154 = arith.select %gt3A_1149, %add3A_1152, %broadcast_in_dim3A_1153 : vector<16xi1>, vector<16xi32>
        %gt3A_1155 = arith.constant 6 : i32
        %gt3A_1156 = vector.broadcast %gt3A_1155 : i32 to vector<16xi32>
        %gt3A_1157 = arith.cmpi sgt, %get3A_268, %gt3A_1156 : vector<16xi32>
        %add3A_1158 = arith.constant 6 : i32
        %add3A_1159 = vector.broadcast %add3A_1158 : i32 to vector<16xi32>
        %add3A_1160 = arith.addi %add3A_252, %add3A_1159 : vector<16xi32>
        %broadcast_in_dim3A_1161 = vector.broadcast %add3A_207 : i32 to vector<16xi32>
        %select_n3A_1162 = arith.select %gt3A_1157, %add3A_1160, %broadcast_in_dim3A_1161 : vector<16xi1>, vector<16xi32>
        %add3A_1163 = arith.constant 1056 : i32
        %add3A_1164 = arith.addi %multiple_of3A_229, %add3A_1163 : i32
        %get3A_1165 = arith.index_cast %add3A_1164 : i32 to index
        %get3A_1166 = tpu.vector_load %arg9[%get3A_1165] {strides = array<i32>} : memref<7680xi32, #tpu.memory_space<vmem>>, vector<16xi32>,
        %add3A_1167 = vector.broadcast %multiple_of3A : i32 to vector<16xi32>
        %add3A_1168 = arith.addi %get3A_1166, %add3A_1167 : vector<16xi32>
        %add3A_1169 = arith.constant 1296 : i32
        %add3A_1170 = arith.addi %multiple_of3A_229, %add3A_1169 : i32
        %get3A_1171 = arith.index_cast %add3A_1170 : i32 to index
        %get3A_1172 = tpu.vector_load %arg9[%get3A_1171] {strides = array<i32>} : memref<7680xi32, #tpu.memory_space<vmem>>, vector<16xi32>,
        %add3A_1173 = vector.broadcast %multiple_of3A : i32 to vector<16xi32>
        %add3A_1174 = arith.addi %get3A_1172, %add3A_1173 : vector<16xi32>
        %add3A_1175 = arith.constant 1536 : i32
        %add3A_1176 = arith.addi %multiple_of3A_229, %add3A_1175 : i32
        %get3A_1177 = arith.index_cast %add3A_1176 : i32 to index
        %get3A_1178 = tpu.vector_load %arg9[%get3A_1177] {strides = array<i32>} : memref<7680xi32, #tpu.memory_space<vmem>>, vector<16xi32>,
        %add3A_1179 = vector.broadcast %multiple_of3A : i32 to vector<16xi32>
        %add3A_1180 = arith.addi %get3A_1178, %add3A_1179 : vector<16xi32>
        %add3A_1181 = arith.constant 1776 : i32
        %add3A_1182 = arith.addi %multiple_of3A_229, %add3A_1181 : i32
        %get3A_1183 = arith.index_cast %add3A_1182 : i32 to index
        %get3A_1184 = tpu.vector_load %arg9[%get3A_1183] {strides = array<i32>} : memref<7680xi32, #tpu.memory_space<vmem>>, vector<16xi32>,
        %add3A_1185 = vector.broadcast %multiple_of3A : i32 to vector<16xi32>
        %add3A_1186 = arith.addi %get3A_1184, %add3A_1185 : vector<16xi32>
        %gather3A_1187 = tpu.vector_load_idx %arg8[%select_n3A_1138] : memref<83200xf32, #tpu.memory_space<vmem>>[vector<16xi32>], vector<16xf32>,
        %gather3A_1188 = tpu.vector_load_idx %arg8[%select_n3A_1146] : memref<83200xf32, #tpu.memory_space<vmem>>[vector<16xi32>], vector<16xf32>,
        %gather3A_1189 = tpu.vector_load_idx %arg8[%select_n3A_1154] : memref<83200xf32, #tpu.memory_space<vmem>>[vector<16xi32>], vector<16xf32>,
        %gather3A_1190 = tpu.vector_load_idx %arg8[%select_n3A_1162] : memref<83200xf32, #tpu.memory_space<vmem>>[vector<16xi32>], vector<16xf32>,
        %gather3A_1191 = tpu.vector_load_idx %arg8[%add3A_1168] : memref<83200xf32, #tpu.memory_space<vmem>>[vector<16xi32>], vector<16xf32>,
        %gather3A_1192 = tpu.vector_load_idx %arg8[%add3A_1174] : memref<83200xf32, #tpu.memory_space<vmem>>[vector<16xi32>], vector<16xf32>,
        %gather3A_1193 = tpu.vector_load_idx %arg8[%add3A_1180] : memref<83200xf32, #tpu.memory_space<vmem>>[vector<16xi32>], vector<16xf32>,
        %gather3A_1194 = tpu.vector_load_idx %arg8[%add3A_1186] : memref<83200xf32, #tpu.memory_space<vmem>>[vector<16xi32>], vector<16xf32>,
        %add3A_1195 = arith.addf %add3A_1051, %gather3A_1187 : vector<16xf32>
        %eq3A_1196 = arith.constant 0.000000e+00 : f32
        %eq3A_1197 = vector.broadcast %eq3A_1196 : f32 to vector<16xf32>
        %eq3A_1198 = arith.cmpf oeq, %gather3A_1187, %eq3A_1197 : vector<16xf32>
        %jit3A_1199 = arith.constant 0.000000e+00 : f32
        %jit3A_1200 = arith.constant 1.000000e+00 : f32
        %broadcast_in_dim3A_1201 = vector.broadcast %jit3A_1199 : f32 to vector<16xf32>
        %broadcast_in_dim3A_1202 = vector.broadcast %jit3A_1200 : f32 to vector<16xf32>
        %select_n3A_1203 = arith.select %eq3A_1198, %broadcast_in_dim3A_1201, %broadcast_in_dim3A_1202 : vector<16xi1>, vector<16xf32>
        %add3A_1204 = arith.addf %add3A_1060, %select_n3A_1203 : vector<16xf32>
        %add3A_1205 = arith.addf %add3A_1061, %gather3A_1188 : vector<16xf32>
        %eq3A_1206 = arith.constant 0.000000e+00 : f32
        %eq3A_1207 = vector.broadcast %eq3A_1206 : f32 to vector<16xf32>
        %eq3A_1208 = arith.cmpf oeq, %gather3A_1188, %eq3A_1207 : vector<16xf32>
        %jit3A_1209 = arith.constant 0.000000e+00 : f32
        %jit3A_1210 = arith.constant 1.000000e+00 : f32
        %broadcast_in_dim3A_1211 = vector.broadcast %jit3A_1209 : f32 to vector<16xf32>
        %broadcast_in_dim3A_1212 = vector.broadcast %jit3A_1210 : f32 to vector<16xf32>
        %select_n3A_1213 = arith.select %eq3A_1208, %broadcast_in_dim3A_1211, %broadcast_in_dim3A_1212 : vector<16xi1>, vector<16xf32>
        %add3A_1214 = arith.addf %add3A_1070, %select_n3A_1213 : vector<16xf32>
        %add3A_1215 = arith.addf %add3A_1071, %gather3A_1189 : vector<16xf32>
        %eq3A_1216 = arith.constant 0.000000e+00 : f32
        %eq3A_1217 = vector.broadcast %eq3A_1216 : f32 to vector<16xf32>
        %eq3A_1218 = arith.cmpf oeq, %gather3A_1189, %eq3A_1217 : vector<16xf32>
        %jit3A_1219 = arith.constant 0.000000e+00 : f32
        %jit3A_1220 = arith.constant 1.000000e+00 : f32
        %broadcast_in_dim3A_1221 = vector.broadcast %jit3A_1219 : f32 to vector<16xf32>
        %broadcast_in_dim3A_1222 = vector.broadcast %jit3A_1220 : f32 to vector<16xf32>
        %select_n3A_1223 = arith.select %eq3A_1218, %broadcast_in_dim3A_1221, %broadcast_in_dim3A_1222 : vector<16xi1>, vector<16xf32>
        %add3A_1224 = arith.addf %add3A_1080, %select_n3A_1223 : vector<16xf32>
        %add3A_1225 = arith.addf %add3A_1081, %gather3A_1190 : vector<16xf32>
        %eq3A_1226 = arith.constant 0.000000e+00 : f32
        %eq3A_1227 = vector.broadcast %eq3A_1226 : f32 to vector<16xf32>
        %eq3A_1228 = arith.cmpf oeq, %gather3A_1190, %eq3A_1227 : vector<16xf32>
        %jit3A_1229 = arith.constant 0.000000e+00 : f32
        %jit3A_1230 = arith.constant 1.000000e+00 : f32
        %broadcast_in_dim3A_1231 = vector.broadcast %jit3A_1229 : f32 to vector<16xf32>
        %broadcast_in_dim3A_1232 = vector.broadcast %jit3A_1230 : f32 to vector<16xf32>
        %select_n3A_1233 = arith.select %eq3A_1228, %broadcast_in_dim3A_1231, %broadcast_in_dim3A_1232 : vector<16xi1>, vector<16xf32>
        %add3A_1234 = arith.addf %add3A_1090, %select_n3A_1233 : vector<16xf32>
        %add3A_1235 = arith.addf %add3A_1091, %gather3A_1191 : vector<16xf32>
        %eq3A_1236 = arith.constant 0.000000e+00 : f32
        %eq3A_1237 = vector.broadcast %eq3A_1236 : f32 to vector<16xf32>
        %eq3A_1238 = arith.cmpf oeq, %gather3A_1191, %eq3A_1237 : vector<16xf32>
        %jit3A_1239 = arith.constant 0.000000e+00 : f32
        %jit3A_1240 = arith.constant 1.000000e+00 : f32
        %broadcast_in_dim3A_1241 = vector.broadcast %jit3A_1239 : f32 to vector<16xf32>
        %broadcast_in_dim3A_1242 = vector.broadcast %jit3A_1240 : f32 to vector<16xf32>
        %select_n3A_1243 = arith.select %eq3A_1238, %broadcast_in_dim3A_1241, %broadcast_in_dim3A_1242 : vector<16xi1>, vector<16xf32>
        %add3A_1244 = arith.addf %add3A_1100, %select_n3A_1243 : vector<16xf32>
        %add3A_1245 = arith.addf %add3A_1101, %gather3A_1192 : vector<16xf32>
        %eq3A_1246 = arith.constant 0.000000e+00 : f32
        %eq3A_1247 = vector.broadcast %eq3A_1246 : f32 to vector<16xf32>
        %eq3A_1248 = arith.cmpf oeq, %gather3A_1192, %eq3A_1247 : vector<16xf32>
        %jit3A_1249 = arith.constant 0.000000e+00 : f32
        %jit3A_1250 = arith.constant 1.000000e+00 : f32
        %broadcast_in_dim3A_1251 = vector.broadcast %jit3A_1249 : f32 to vector<16xf32>
        %broadcast_in_dim3A_1252 = vector.broadcast %jit3A_1250 : f32 to vector<16xf32>
        %select_n3A_1253 = arith.select %eq3A_1248, %broadcast_in_dim3A_1251, %broadcast_in_dim3A_1252 : vector<16xi1>, vector<16xf32>
        %add3A_1254 = arith.addf %add3A_1110, %select_n3A_1253 : vector<16xf32>
        %add3A_1255 = arith.addf %add3A_1111, %gather3A_1193 : vector<16xf32>
        %eq3A_1256 = arith.constant 0.000000e+00 : f32
        %eq3A_1257 = vector.broadcast %eq3A_1256 : f32 to vector<16xf32>
        %eq3A_1258 = arith.cmpf oeq, %gather3A_1193, %eq3A_1257 : vector<16xf32>
        %jit3A_1259 = arith.constant 0.000000e+00 : f32
        %jit3A_1260 = arith.constant 1.000000e+00 : f32
        %broadcast_in_dim3A_1261 = vector.broadcast %jit3A_1259 : f32 to vector<16xf32>
        %broadcast_in_dim3A_1262 = vector.broadcast %jit3A_1260 : f32 to vector<16xf32>
        %select_n3A_1263 = arith.select %eq3A_1258, %broadcast_in_dim3A_1261, %broadcast_in_dim3A_1262 : vector<16xi1>, vector<16xf32>
        %add3A_1264 = arith.addf %add3A_1120, %select_n3A_1263 : vector<16xf32>
        %add3A_1265 = arith.addf %add3A_1121, %gather3A_1194 : vector<16xf32>
        %eq3A_1266 = arith.constant 0.000000e+00 : f32
        %eq3A_1267 = vector.broadcast %eq3A_1266 : f32 to vector<16xf32>
        %eq3A_1268 = arith.cmpf oeq, %gather3A_1194, %eq3A_1267 : vector<16xf32>
        %jit3A_1269 = arith.constant 0.000000e+00 : f32
        %jit3A_1270 = arith.constant 1.000000e+00 : f32
        %broadcast_in_dim3A_1271 = vector.broadcast %jit3A_1269 : f32 to vector<16xf32>
        %broadcast_in_dim3A_1272 = vector.broadcast %jit3A_1270 : f32 to vector<16xf32>
        %select_n3A_1273 = arith.select %eq3A_1268, %broadcast_in_dim3A_1271, %broadcast_in_dim3A_1272 : vector<16xi1>, vector<16xf32>
        %add3A_1274 = arith.addf %add3A_1130, %select_n3A_1273 : vector<16xf32>
        %gt3A_1275 = arith.constant 7 : i32
        %gt3A_1276 = vector.broadcast %gt3A_1275 : i32 to vector<16xi32>
        %gt3A_1277 = arith.cmpi sgt, %get3A_256, %gt3A_1276 : vector<16xi32>
        %add3A_1278 = arith.constant 7 : i32
        %add3A_1279 = vector.broadcast %add3A_1278 : i32 to vector<16xi32>
        %add3A_1280 = arith.addi %add3A_234, %add3A_1279 : vector<16xi32>
        %broadcast_in_dim3A_1281 = vector.broadcast %add3A_207 : i32 to vector<16xi32>
        %select_n3A_1282 = arith.select %gt3A_1277, %add3A_1280, %broadcast_in_dim3A_1281 : vector<16xi1>, vector<16xi32>
        %gt3A_1283 = arith.constant 7 : i32
        %gt3A_1284 = vector.broadcast %gt3A_1283 : i32 to vector<16xi32>
        %gt3A_1285 = arith.cmpi sgt, %get3A_260, %gt3A_1284 : vector<16xi32>
        %add3A_1286 = arith.constant 7 : i32
        %add3A_1287 = vector.broadcast %add3A_1286 : i32 to vector<16xi32>
        %add3A_1288 = arith.addi %add3A_240, %add3A_1287 : vector<16xi32>
        %broadcast_in_dim3A_1289 = vector.broadcast %add3A_207 : i32 to vector<16xi32>
        %select_n3A_1290 = arith.select %gt3A_1285, %add3A_1288, %broadcast_in_dim3A_1289 : vector<16xi1>, vector<16xi32>
        %gt3A_1291 = arith.constant 7 : i32
        %gt3A_1292 = vector.broadcast %gt3A_1291 : i32 to vector<16xi32>
        %gt3A_1293 = arith.cmpi sgt, %get3A_264, %gt3A_1292 : vector<16xi32>
        %add3A_1294 = arith.constant 7 : i32
        %add3A_1295 = vector.broadcast %add3A_1294 : i32 to vector<16xi32>
        %add3A_1296 = arith.addi %add3A_246, %add3A_1295 : vector<16xi32>
        %broadcast_in_dim3A_1297 = vector.broadcast %add3A_207 : i32 to vector<16xi32>
        %select_n3A_1298 = arith.select %gt3A_1293, %add3A_1296, %broadcast_in_dim3A_1297 : vector<16xi1>, vector<16xi32>
        %gt3A_1299 = arith.constant 7 : i32
        %gt3A_1300 = vector.broadcast %gt3A_1299 : i32 to vector<16xi32>
        %gt3A_1301 = arith.cmpi sgt, %get3A_268, %gt3A_1300 : vector<16xi32>
        %add3A_1302 = arith.constant 7 : i32
        %add3A_1303 = vector.broadcast %add3A_1302 : i32 to vector<16xi32>
        %add3A_1304 = arith.addi %add3A_252, %add3A_1303 : vector<16xi32>
        %broadcast_in_dim3A_1305 = vector.broadcast %add3A_207 : i32 to vector<16xi32>
        %select_n3A_1306 = arith.select %gt3A_1301, %add3A_1304, %broadcast_in_dim3A_1305 : vector<16xi1>, vector<16xi32>
        %add3A_1307 = arith.constant 1072 : i32
        %add3A_1308 = arith.addi %multiple_of3A_229, %add3A_1307 : i32
        %get3A_1309 = arith.index_cast %add3A_1308 : i32 to index
        %get3A_1310 = tpu.vector_load %arg9[%get3A_1309] {strides = array<i32>} : memref<7680xi32, #tpu.memory_space<vmem>>, vector<16xi32>,
        %add3A_1311 = vector.broadcast %multiple_of3A : i32 to vector<16xi32>
        %add3A_1312 = arith.addi %get3A_1310, %add3A_1311 : vector<16xi32>
        %add3A_1313 = arith.constant 1312 : i32
        %add3A_1314 = arith.addi %multiple_of3A_229, %add3A_1313 : i32
        %get3A_1315 = arith.index_cast %add3A_1314 : i32 to index
        %get3A_1316 = tpu.vector_load %arg9[%get3A_1315] {strides = array<i32>} : memref<7680xi32, #tpu.memory_space<vmem>>, vector<16xi32>,
        %add3A_1317 = vector.broadcast %multiple_of3A : i32 to vector<16xi32>
        %add3A_1318 = arith.addi %get3A_1316, %add3A_1317 : vector<16xi32>
        %add3A_1319 = arith.constant 1552 : i32
        %add3A_1320 = arith.addi %multiple_of3A_229, %add3A_1319 : i32
        %get3A_1321 = arith.index_cast %add3A_1320 : i32 to index
        %get3A_1322 = tpu.vector_load %arg9[%get3A_1321] {strides = array<i32>} : memref<7680xi32, #tpu.memory_space<vmem>>, vector<16xi32>,
        %add3A_1323 = vector.broadcast %multiple_of3A : i32 to vector<16xi32>
        %add3A_1324 = arith.addi %get3A_1322, %add3A_1323 : vector<16xi32>
        %add3A_1325 = arith.constant 1792 : i32
        %add3A_1326 = arith.addi %multiple_of3A_229, %add3A_1325 : i32
        %get3A_1327 = arith.index_cast %add3A_1326 : i32 to index
        %get3A_1328 = tpu.vector_load %arg9[%get3A_1327] {strides = array<i32>} : memref<7680xi32, #tpu.memory_space<vmem>>, vector<16xi32>,
        %add3A_1329 = vector.broadcast %multiple_of3A : i32 to vector<16xi32>
        %add3A_1330 = arith.addi %get3A_1328, %add3A_1329 : vector<16xi32>
        %gather3A_1331 = tpu.vector_load_idx %arg8[%select_n3A_1282] : memref<83200xf32, #tpu.memory_space<vmem>>[vector<16xi32>], vector<16xf32>,
        %gather3A_1332 = tpu.vector_load_idx %arg8[%select_n3A_1290] : memref<83200xf32, #tpu.memory_space<vmem>>[vector<16xi32>], vector<16xf32>,
        %gather3A_1333 = tpu.vector_load_idx %arg8[%select_n3A_1298] : memref<83200xf32, #tpu.memory_space<vmem>>[vector<16xi32>], vector<16xf32>,
        %gather3A_1334 = tpu.vector_load_idx %arg8[%select_n3A_1306] : memref<83200xf32, #tpu.memory_space<vmem>>[vector<16xi32>], vector<16xf32>,
        %gather3A_1335 = tpu.vector_load_idx %arg8[%add3A_1312] : memref<83200xf32, #tpu.memory_space<vmem>>[vector<16xi32>], vector<16xf32>,
        %gather3A_1336 = tpu.vector_load_idx %arg8[%add3A_1318] : memref<83200xf32, #tpu.memory_space<vmem>>[vector<16xi32>], vector<16xf32>,
        %gather3A_1337 = tpu.vector_load_idx %arg8[%add3A_1324] : memref<83200xf32, #tpu.memory_space<vmem>>[vector<16xi32>], vector<16xf32>,
        %gather3A_1338 = tpu.vector_load_idx %arg8[%add3A_1330] : memref<83200xf32, #tpu.memory_space<vmem>>[vector<16xi32>], vector<16xf32>,
        %add3A_1339 = arith.addf %add3A_1195, %gather3A_1331 : vector<16xf32>
        %eq3A_1340 = arith.constant 0.000000e+00 : f32
        %eq3A_1341 = vector.broadcast %eq3A_1340 : f32 to vector<16xf32>
        %eq3A_1342 = arith.cmpf oeq, %gather3A_1331, %eq3A_1341 : vector<16xf32>
        %jit3A_1343 = arith.constant 0.000000e+00 : f32
        %jit3A_1344 = arith.constant 1.000000e+00 : f32
        %broadcast_in_dim3A_1345 = vector.broadcast %jit3A_1343 : f32 to vector<16xf32>
        %broadcast_in_dim3A_1346 = vector.broadcast %jit3A_1344 : f32 to vector<16xf32>
        %select_n3A_1347 = arith.select %eq3A_1342, %broadcast_in_dim3A_1345, %broadcast_in_dim3A_1346 : vector<16xi1>, vector<16xf32>
        %add3A_1348 = arith.addf %add3A_1204, %select_n3A_1347 : vector<16xf32>
        %add3A_1349 = arith.addf %add3A_1205, %gather3A_1332 : vector<16xf32>
        %eq3A_1350 = arith.constant 0.000000e+00 : f32
        %eq3A_1351 = vector.broadcast %eq3A_1350 : f32 to vector<16xf32>
        %eq3A_1352 = arith.cmpf oeq, %gather3A_1332, %eq3A_1351 : vector<16xf32>
        %jit3A_1353 = arith.constant 0.000000e+00 : f32
        %jit3A_1354 = arith.constant 1.000000e+00 : f32
        %broadcast_in_dim3A_1355 = vector.broadcast %jit3A_1353 : f32 to vector<16xf32>
        %broadcast_in_dim3A_1356 = vector.broadcast %jit3A_1354 : f32 to vector<16xf32>
        %select_n3A_1357 = arith.select %eq3A_1352, %broadcast_in_dim3A_1355, %broadcast_in_dim3A_1356 : vector<16xi1>, vector<16xf32>
        %add3A_1358 = arith.addf %add3A_1214, %select_n3A_1357 : vector<16xf32>
        %add3A_1359 = arith.addf %add3A_1215, %gather3A_1333 : vector<16xf32>
        %eq3A_1360 = arith.constant 0.000000e+00 : f32
        %eq3A_1361 = vector.broadcast %eq3A_1360 : f32 to vector<16xf32>
        %eq3A_1362 = arith.cmpf oeq, %gather3A_1333, %eq3A_1361 : vector<16xf32>
        %jit3A_1363 = arith.constant 0.000000e+00 : f32
        %jit3A_1364 = arith.constant 1.000000e+00 : f32
        %broadcast_in_dim3A_1365 = vector.broadcast %jit3A_1363 : f32 to vector<16xf32>
        %broadcast_in_dim3A_1366 = vector.broadcast %jit3A_1364 : f32 to vector<16xf32>
        %select_n3A_1367 = arith.select %eq3A_1362, %broadcast_in_dim3A_1365, %broadcast_in_dim3A_1366 : vector<16xi1>, vector<16xf32>
        %add3A_1368 = arith.addf %add3A_1224, %select_n3A_1367 : vector<16xf32>
        %add3A_1369 = arith.addf %add3A_1225, %gather3A_1334 : vector<16xf32>
        %eq3A_1370 = arith.constant 0.000000e+00 : f32
        %eq3A_1371 = vector.broadcast %eq3A_1370 : f32 to vector<16xf32>
        %eq3A_1372 = arith.cmpf oeq, %gather3A_1334, %eq3A_1371 : vector<16xf32>
        %jit3A_1373 = arith.constant 0.000000e+00 : f32
        %jit3A_1374 = arith.constant 1.000000e+00 : f32
        %broadcast_in_dim3A_1375 = vector.broadcast %jit3A_1373 : f32 to vector<16xf32>
        %broadcast_in_dim3A_1376 = vector.broadcast %jit3A_1374 : f32 to vector<16xf32>
        %select_n3A_1377 = arith.select %eq3A_1372, %broadcast_in_dim3A_1375, %broadcast_in_dim3A_1376 : vector<16xi1>, vector<16xf32>
        %add3A_1378 = arith.addf %add3A_1234, %select_n3A_1377 : vector<16xf32>
        %add3A_1379 = arith.addf %add3A_1235, %gather3A_1335 : vector<16xf32>
        %eq3A_1380 = arith.constant 0.000000e+00 : f32
        %eq3A_1381 = vector.broadcast %eq3A_1380 : f32 to vector<16xf32>
        %eq3A_1382 = arith.cmpf oeq, %gather3A_1335, %eq3A_1381 : vector<16xf32>
        %jit3A_1383 = arith.constant 0.000000e+00 : f32
        %jit3A_1384 = arith.constant 1.000000e+00 : f32
        %broadcast_in_dim3A_1385 = vector.broadcast %jit3A_1383 : f32 to vector<16xf32>
        %broadcast_in_dim3A_1386 = vector.broadcast %jit3A_1384 : f32 to vector<16xf32>
        %select_n3A_1387 = arith.select %eq3A_1382, %broadcast_in_dim3A_1385, %broadcast_in_dim3A_1386 : vector<16xi1>, vector<16xf32>
        %add3A_1388 = arith.addf %add3A_1244, %select_n3A_1387 : vector<16xf32>
        %add3A_1389 = arith.addf %add3A_1245, %gather3A_1336 : vector<16xf32>
        %eq3A_1390 = arith.constant 0.000000e+00 : f32
        %eq3A_1391 = vector.broadcast %eq3A_1390 : f32 to vector<16xf32>
        %eq3A_1392 = arith.cmpf oeq, %gather3A_1336, %eq3A_1391 : vector<16xf32>
        %jit3A_1393 = arith.constant 0.000000e+00 : f32
        %jit3A_1394 = arith.constant 1.000000e+00 : f32
        %broadcast_in_dim3A_1395 = vector.broadcast %jit3A_1393 : f32 to vector<16xf32>
        %broadcast_in_dim3A_1396 = vector.broadcast %jit3A_1394 : f32 to vector<16xf32>
        %select_n3A_1397 = arith.select %eq3A_1392, %broadcast_in_dim3A_1395, %broadcast_in_dim3A_1396 : vector<16xi1>, vector<16xf32>
        %add3A_1398 = arith.addf %add3A_1254, %select_n3A_1397 : vector<16xf32>
        %add3A_1399 = arith.addf %add3A_1255, %gather3A_1337 : vector<16xf32>
        %eq3A_1400 = arith.constant 0.000000e+00 : f32
        %eq3A_1401 = vector.broadcast %eq3A_1400 : f32 to vector<16xf32>
        %eq3A_1402 = arith.cmpf oeq, %gather3A_1337, %eq3A_1401 : vector<16xf32>
        %jit3A_1403 = arith.constant 0.000000e+00 : f32
        %jit3A_1404 = arith.constant 1.000000e+00 : f32
        %broadcast_in_dim3A_1405 = vector.broadcast %jit3A_1403 : f32 to vector<16xf32>
        %broadcast_in_dim3A_1406 = vector.broadcast %jit3A_1404 : f32 to vector<16xf32>
        %select_n3A_1407 = arith.select %eq3A_1402, %broadcast_in_dim3A_1405, %broadcast_in_dim3A_1406 : vector<16xi1>, vector<16xf32>
        %add3A_1408 = arith.addf %add3A_1264, %select_n3A_1407 : vector<16xf32>
        %add3A_1409 = arith.addf %add3A_1265, %gather3A_1338 : vector<16xf32>
        %eq3A_1410 = arith.constant 0.000000e+00 : f32
        %eq3A_1411 = vector.broadcast %eq3A_1410 : f32 to vector<16xf32>
        %eq3A_1412 = arith.cmpf oeq, %gather3A_1338, %eq3A_1411 : vector<16xf32>
        %jit3A_1413 = arith.constant 0.000000e+00 : f32
        %jit3A_1414 = arith.constant 1.000000e+00 : f32
        %broadcast_in_dim3A_1415 = vector.broadcast %jit3A_1413 : f32 to vector<16xf32>
        %broadcast_in_dim3A_1416 = vector.broadcast %jit3A_1414 : f32 to vector<16xf32>
        %select_n3A_1417 = arith.select %eq3A_1412, %broadcast_in_dim3A_1415, %broadcast_in_dim3A_1416 : vector<16xi1>, vector<16xf32>
        %add3A_1418 = arith.addf %add3A_1274, %select_n3A_1417 : vector<16xf32>
        %gt3A_1419 = arith.constant 8 : i32
        %gt3A_1420 = vector.broadcast %gt3A_1419 : i32 to vector<16xi32>
        %gt3A_1421 = arith.cmpi sgt, %get3A_256, %gt3A_1420 : vector<16xi32>
        %add3A_1422 = arith.constant 8 : i32
        %add3A_1423 = vector.broadcast %add3A_1422 : i32 to vector<16xi32>
        %add3A_1424 = arith.addi %add3A_234, %add3A_1423 : vector<16xi32>
        %broadcast_in_dim3A_1425 = vector.broadcast %add3A_207 : i32 to vector<16xi32>
        %select_n3A_1426 = arith.select %gt3A_1421, %add3A_1424, %broadcast_in_dim3A_1425 : vector<16xi1>, vector<16xi32>
        %gt3A_1427 = arith.constant 8 : i32
        %gt3A_1428 = vector.broadcast %gt3A_1427 : i32 to vector<16xi32>
        %gt3A_1429 = arith.cmpi sgt, %get3A_260, %gt3A_1428 : vector<16xi32>
        %add3A_1430 = arith.constant 8 : i32
        %add3A_1431 = vector.broadcast %add3A_1430 : i32 to vector<16xi32>
        %add3A_1432 = arith.addi %add3A_240, %add3A_1431 : vector<16xi32>
        %broadcast_in_dim3A_1433 = vector.broadcast %add3A_207 : i32 to vector<16xi32>
        %select_n3A_1434 = arith.select %gt3A_1429, %add3A_1432, %broadcast_in_dim3A_1433 : vector<16xi1>, vector<16xi32>
        %gt3A_1435 = arith.constant 8 : i32
        %gt3A_1436 = vector.broadcast %gt3A_1435 : i32 to vector<16xi32>
        %gt3A_1437 = arith.cmpi sgt, %get3A_264, %gt3A_1436 : vector<16xi32>
        %add3A_1438 = arith.constant 8 : i32
        %add3A_1439 = vector.broadcast %add3A_1438 : i32 to vector<16xi32>
        %add3A_1440 = arith.addi %add3A_246, %add3A_1439 : vector<16xi32>
        %broadcast_in_dim3A_1441 = vector.broadcast %add3A_207 : i32 to vector<16xi32>
        %select_n3A_1442 = arith.select %gt3A_1437, %add3A_1440, %broadcast_in_dim3A_1441 : vector<16xi1>, vector<16xi32>
        %gt3A_1443 = arith.constant 8 : i32
        %gt3A_1444 = vector.broadcast %gt3A_1443 : i32 to vector<16xi32>
        %gt3A_1445 = arith.cmpi sgt, %get3A_268, %gt3A_1444 : vector<16xi32>
        %add3A_1446 = arith.constant 8 : i32
        %add3A_1447 = vector.broadcast %add3A_1446 : i32 to vector<16xi32>
        %add3A_1448 = arith.addi %add3A_252, %add3A_1447 : vector<16xi32>
        %broadcast_in_dim3A_1449 = vector.broadcast %add3A_207 : i32 to vector<16xi32>
        %select_n3A_1450 = arith.select %gt3A_1445, %add3A_1448, %broadcast_in_dim3A_1449 : vector<16xi1>, vector<16xi32>
        %add3A_1451 = arith.constant 1088 : i32
        %add3A_1452 = arith.addi %multiple_of3A_229, %add3A_1451 : i32
        %get3A_1453 = arith.index_cast %add3A_1452 : i32 to index
        %get3A_1454 = tpu.vector_load %arg9[%get3A_1453] {strides = array<i32>} : memref<7680xi32, #tpu.memory_space<vmem>>, vector<16xi32>,
        %add3A_1455 = vector.broadcast %multiple_of3A : i32 to vector<16xi32>
        %add3A_1456 = arith.addi %get3A_1454, %add3A_1455 : vector<16xi32>
        %add3A_1457 = arith.constant 1328 : i32
        %add3A_1458 = arith.addi %multiple_of3A_229, %add3A_1457 : i32
        %get3A_1459 = arith.index_cast %add3A_1458 : i32 to index
        %get3A_1460 = tpu.vector_load %arg9[%get3A_1459] {strides = array<i32>} : memref<7680xi32, #tpu.memory_space<vmem>>, vector<16xi32>,
        %add3A_1461 = vector.broadcast %multiple_of3A : i32 to vector<16xi32>
        %add3A_1462 = arith.addi %get3A_1460, %add3A_1461 : vector<16xi32>
        %add3A_1463 = arith.constant 1568 : i32
        %add3A_1464 = arith.addi %multiple_of3A_229, %add3A_1463 : i32
        %get3A_1465 = arith.index_cast %add3A_1464 : i32 to index
        %get3A_1466 = tpu.vector_load %arg9[%get3A_1465] {strides = array<i32>} : memref<7680xi32, #tpu.memory_space<vmem>>, vector<16xi32>,
        %add3A_1467 = vector.broadcast %multiple_of3A : i32 to vector<16xi32>
        %add3A_1468 = arith.addi %get3A_1466, %add3A_1467 : vector<16xi32>
        %add3A_1469 = arith.constant 1808 : i32
        %add3A_1470 = arith.addi %multiple_of3A_229, %add3A_1469 : i32
        %get3A_1471 = arith.index_cast %add3A_1470 : i32 to index
        %get3A_1472 = tpu.vector_load %arg9[%get3A_1471] {strides = array<i32>} : memref<7680xi32, #tpu.memory_space<vmem>>, vector<16xi32>,
        %add3A_1473 = vector.broadcast %multiple_of3A : i32 to vector<16xi32>
        %add3A_1474 = arith.addi %get3A_1472, %add3A_1473 : vector<16xi32>
        %gather3A_1475 = tpu.vector_load_idx %arg8[%select_n3A_1426] : memref<83200xf32, #tpu.memory_space<vmem>>[vector<16xi32>], vector<16xf32>,
        %gather3A_1476 = tpu.vector_load_idx %arg8[%select_n3A_1434] : memref<83200xf32, #tpu.memory_space<vmem>>[vector<16xi32>], vector<16xf32>,
        %gather3A_1477 = tpu.vector_load_idx %arg8[%select_n3A_1442] : memref<83200xf32, #tpu.memory_space<vmem>>[vector<16xi32>], vector<16xf32>,
        %gather3A_1478 = tpu.vector_load_idx %arg8[%select_n3A_1450] : memref<83200xf32, #tpu.memory_space<vmem>>[vector<16xi32>], vector<16xf32>,
        %gather3A_1479 = tpu.vector_load_idx %arg8[%add3A_1456] : memref<83200xf32, #tpu.memory_space<vmem>>[vector<16xi32>], vector<16xf32>,
        %gather3A_1480 = tpu.vector_load_idx %arg8[%add3A_1462] : memref<83200xf32, #tpu.memory_space<vmem>>[vector<16xi32>], vector<16xf32>,
        %gather3A_1481 = tpu.vector_load_idx %arg8[%add3A_1468] : memref<83200xf32, #tpu.memory_space<vmem>>[vector<16xi32>], vector<16xf32>,
        %gather3A_1482 = tpu.vector_load_idx %arg8[%add3A_1474] : memref<83200xf32, #tpu.memory_space<vmem>>[vector<16xi32>], vector<16xf32>,
        %add3A_1483 = arith.addf %add3A_1339, %gather3A_1475 : vector<16xf32>
        %eq3A_1484 = arith.constant 0.000000e+00 : f32
        %eq3A_1485 = vector.broadcast %eq3A_1484 : f32 to vector<16xf32>
        %eq3A_1486 = arith.cmpf oeq, %gather3A_1475, %eq3A_1485 : vector<16xf32>
        %jit3A_1487 = arith.constant 0.000000e+00 : f32
        %jit3A_1488 = arith.constant 1.000000e+00 : f32
        %broadcast_in_dim3A_1489 = vector.broadcast %jit3A_1487 : f32 to vector<16xf32>
        %broadcast_in_dim3A_1490 = vector.broadcast %jit3A_1488 : f32 to vector<16xf32>
        %select_n3A_1491 = arith.select %eq3A_1486, %broadcast_in_dim3A_1489, %broadcast_in_dim3A_1490 : vector<16xi1>, vector<16xf32>
        %add3A_1492 = arith.addf %add3A_1348, %select_n3A_1491 : vector<16xf32>
        %add3A_1493 = arith.addf %add3A_1349, %gather3A_1476 : vector<16xf32>
        %eq3A_1494 = arith.constant 0.000000e+00 : f32
        %eq3A_1495 = vector.broadcast %eq3A_1494 : f32 to vector<16xf32>
        %eq3A_1496 = arith.cmpf oeq, %gather3A_1476, %eq3A_1495 : vector<16xf32>
        %jit3A_1497 = arith.constant 0.000000e+00 : f32
        %jit3A_1498 = arith.constant 1.000000e+00 : f32
        %broadcast_in_dim3A_1499 = vector.broadcast %jit3A_1497 : f32 to vector<16xf32>
        %broadcast_in_dim3A_1500 = vector.broadcast %jit3A_1498 : f32 to vector<16xf32>
        %select_n3A_1501 = arith.select %eq3A_1496, %broadcast_in_dim3A_1499, %broadcast_in_dim3A_1500 : vector<16xi1>, vector<16xf32>
        %add3A_1502 = arith.addf %add3A_1358, %select_n3A_1501 : vector<16xf32>
        %add3A_1503 = arith.addf %add3A_1359, %gather3A_1477 : vector<16xf32>
        %eq3A_1504 = arith.constant 0.000000e+00 : f32
        %eq3A_1505 = vector.broadcast %eq3A_1504 : f32 to vector<16xf32>
        %eq3A_1506 = arith.cmpf oeq, %gather3A_1477, %eq3A_1505 : vector<16xf32>
        %jit3A_1507 = arith.constant 0.000000e+00 : f32
        %jit3A_1508 = arith.constant 1.000000e+00 : f32
        %broadcast_in_dim3A_1509 = vector.broadcast %jit3A_1507 : f32 to vector<16xf32>
        %broadcast_in_dim3A_1510 = vector.broadcast %jit3A_1508 : f32 to vector<16xf32>
        %select_n3A_1511 = arith.select %eq3A_1506, %broadcast_in_dim3A_1509, %broadcast_in_dim3A_1510 : vector<16xi1>, vector<16xf32>
        %add3A_1512 = arith.addf %add3A_1368, %select_n3A_1511 : vector<16xf32>
        %add3A_1513 = arith.addf %add3A_1369, %gather3A_1478 : vector<16xf32>
        %eq3A_1514 = arith.constant 0.000000e+00 : f32
        %eq3A_1515 = vector.broadcast %eq3A_1514 : f32 to vector<16xf32>
        %eq3A_1516 = arith.cmpf oeq, %gather3A_1478, %eq3A_1515 : vector<16xf32>
        %jit3A_1517 = arith.constant 0.000000e+00 : f32
        %jit3A_1518 = arith.constant 1.000000e+00 : f32
        %broadcast_in_dim3A_1519 = vector.broadcast %jit3A_1517 : f32 to vector<16xf32>
        %broadcast_in_dim3A_1520 = vector.broadcast %jit3A_1518 : f32 to vector<16xf32>
        %select_n3A_1521 = arith.select %eq3A_1516, %broadcast_in_dim3A_1519, %broadcast_in_dim3A_1520 : vector<16xi1>, vector<16xf32>
        %add3A_1522 = arith.addf %add3A_1378, %select_n3A_1521 : vector<16xf32>
        %add3A_1523 = arith.addf %add3A_1379, %gather3A_1479 : vector<16xf32>
        %eq3A_1524 = arith.constant 0.000000e+00 : f32
        %eq3A_1525 = vector.broadcast %eq3A_1524 : f32 to vector<16xf32>
        %eq3A_1526 = arith.cmpf oeq, %gather3A_1479, %eq3A_1525 : vector<16xf32>
        %jit3A_1527 = arith.constant 0.000000e+00 : f32
        %jit3A_1528 = arith.constant 1.000000e+00 : f32
        %broadcast_in_dim3A_1529 = vector.broadcast %jit3A_1527 : f32 to vector<16xf32>
        %broadcast_in_dim3A_1530 = vector.broadcast %jit3A_1528 : f32 to vector<16xf32>
        %select_n3A_1531 = arith.select %eq3A_1526, %broadcast_in_dim3A_1529, %broadcast_in_dim3A_1530 : vector<16xi1>, vector<16xf32>
        %add3A_1532 = arith.addf %add3A_1388, %select_n3A_1531 : vector<16xf32>
        %add3A_1533 = arith.addf %add3A_1389, %gather3A_1480 : vector<16xf32>
        %eq3A_1534 = arith.constant 0.000000e+00 : f32
        %eq3A_1535 = vector.broadcast %eq3A_1534 : f32 to vector<16xf32>
        %eq3A_1536 = arith.cmpf oeq, %gather3A_1480, %eq3A_1535 : vector<16xf32>
        %jit3A_1537 = arith.constant 0.000000e+00 : f32
        %jit3A_1538 = arith.constant 1.000000e+00 : f32
        %broadcast_in_dim3A_1539 = vector.broadcast %jit3A_1537 : f32 to vector<16xf32>
        %broadcast_in_dim3A_1540 = vector.broadcast %jit3A_1538 : f32 to vector<16xf32>
        %select_n3A_1541 = arith.select %eq3A_1536, %broadcast_in_dim3A_1539, %broadcast_in_dim3A_1540 : vector<16xi1>, vector<16xf32>
        %add3A_1542 = arith.addf %add3A_1398, %select_n3A_1541 : vector<16xf32>
        %add3A_1543 = arith.addf %add3A_1399, %gather3A_1481 : vector<16xf32>
        %eq3A_1544 = arith.constant 0.000000e+00 : f32
        %eq3A_1545 = vector.broadcast %eq3A_1544 : f32 to vector<16xf32>
        %eq3A_1546 = arith.cmpf oeq, %gather3A_1481, %eq3A_1545 : vector<16xf32>
        %jit3A_1547 = arith.constant 0.000000e+00 : f32
        %jit3A_1548 = arith.constant 1.000000e+00 : f32
        %broadcast_in_dim3A_1549 = vector.broadcast %jit3A_1547 : f32 to vector<16xf32>
        %broadcast_in_dim3A_1550 = vector.broadcast %jit3A_1548 : f32 to vector<16xf32>
        %select_n3A_1551 = arith.select %eq3A_1546, %broadcast_in_dim3A_1549, %broadcast_in_dim3A_1550 : vector<16xi1>, vector<16xf32>
        %add3A_1552 = arith.addf %add3A_1408, %select_n3A_1551 : vector<16xf32>
        %add3A_1553 = arith.addf %add3A_1409, %gather3A_1482 : vector<16xf32>
        %eq3A_1554 = arith.constant 0.000000e+00 : f32
        %eq3A_1555 = vector.broadcast %eq3A_1554 : f32 to vector<16xf32>
        %eq3A_1556 = arith.cmpf oeq, %gather3A_1482, %eq3A_1555 : vector<16xf32>
        %jit3A_1557 = arith.constant 0.000000e+00 : f32
        %jit3A_1558 = arith.constant 1.000000e+00 : f32
        %broadcast_in_dim3A_1559 = vector.broadcast %jit3A_1557 : f32 to vector<16xf32>
        %broadcast_in_dim3A_1560 = vector.broadcast %jit3A_1558 : f32 to vector<16xf32>
        %select_n3A_1561 = arith.select %eq3A_1556, %broadcast_in_dim3A_1559, %broadcast_in_dim3A_1560 : vector<16xi1>, vector<16xf32>
        %add3A_1562 = arith.addf %add3A_1418, %select_n3A_1561 : vector<16xf32>
        %gt3A_1563 = arith.constant 9 : i32
        %gt3A_1564 = vector.broadcast %gt3A_1563 : i32 to vector<16xi32>
        %gt3A_1565 = arith.cmpi sgt, %get3A_256, %gt3A_1564 : vector<16xi32>
        %add3A_1566 = arith.constant 9 : i32
        %add3A_1567 = vector.broadcast %add3A_1566 : i32 to vector<16xi32>
        %add3A_1568 = arith.addi %add3A_234, %add3A_1567 : vector<16xi32>
        %broadcast_in_dim3A_1569 = vector.broadcast %add3A_207 : i32 to vector<16xi32>
        %select_n3A_1570 = arith.select %gt3A_1565, %add3A_1568, %broadcast_in_dim3A_1569 : vector<16xi1>, vector<16xi32>
        %gt3A_1571 = arith.constant 9 : i32
        %gt3A_1572 = vector.broadcast %gt3A_1571 : i32 to vector<16xi32>
        %gt3A_1573 = arith.cmpi sgt, %get3A_260, %gt3A_1572 : vector<16xi32>
        %add3A_1574 = arith.constant 9 : i32
        %add3A_1575 = vector.broadcast %add3A_1574 : i32 to vector<16xi32>
        %add3A_1576 = arith.addi %add3A_240, %add3A_1575 : vector<16xi32>
        %broadcast_in_dim3A_1577 = vector.broadcast %add3A_207 : i32 to vector<16xi32>
        %select_n3A_1578 = arith.select %gt3A_1573, %add3A_1576, %broadcast_in_dim3A_1577 : vector<16xi1>, vector<16xi32>
        %gt3A_1579 = arith.constant 9 : i32
        %gt3A_1580 = vector.broadcast %gt3A_1579 : i32 to vector<16xi32>
        %gt3A_1581 = arith.cmpi sgt, %get3A_264, %gt3A_1580 : vector<16xi32>
        %add3A_1582 = arith.constant 9 : i32
        %add3A_1583 = vector.broadcast %add3A_1582 : i32 to vector<16xi32>
        %add3A_1584 = arith.addi %add3A_246, %add3A_1583 : vector<16xi32>
        %broadcast_in_dim3A_1585 = vector.broadcast %add3A_207 : i32 to vector<16xi32>
        %select_n3A_1586 = arith.select %gt3A_1581, %add3A_1584, %broadcast_in_dim3A_1585 : vector<16xi1>, vector<16xi32>
        %gt3A_1587 = arith.constant 9 : i32
        %gt3A_1588 = vector.broadcast %gt3A_1587 : i32 to vector<16xi32>
        %gt3A_1589 = arith.cmpi sgt, %get3A_268, %gt3A_1588 : vector<16xi32>
        %add3A_1590 = arith.constant 9 : i32
        %add3A_1591 = vector.broadcast %add3A_1590 : i32 to vector<16xi32>
        %add3A_1592 = arith.addi %add3A_252, %add3A_1591 : vector<16xi32>
        %broadcast_in_dim3A_1593 = vector.broadcast %add3A_207 : i32 to vector<16xi32>
        %select_n3A_1594 = arith.select %gt3A_1589, %add3A_1592, %broadcast_in_dim3A_1593 : vector<16xi1>, vector<16xi32>
        %add3A_1595 = arith.constant 1104 : i32
        %add3A_1596 = arith.addi %multiple_of3A_229, %add3A_1595 : i32
        %get3A_1597 = arith.index_cast %add3A_1596 : i32 to index
        %get3A_1598 = tpu.vector_load %arg9[%get3A_1597] {strides = array<i32>} : memref<7680xi32, #tpu.memory_space<vmem>>, vector<16xi32>,
        %add3A_1599 = vector.broadcast %multiple_of3A : i32 to vector<16xi32>
        %add3A_1600 = arith.addi %get3A_1598, %add3A_1599 : vector<16xi32>
        %add3A_1601 = arith.constant 1344 : i32
        %add3A_1602 = arith.addi %multiple_of3A_229, %add3A_1601 : i32
        %get3A_1603 = arith.index_cast %add3A_1602 : i32 to index
        %get3A_1604 = tpu.vector_load %arg9[%get3A_1603] {strides = array<i32>} : memref<7680xi32, #tpu.memory_space<vmem>>, vector<16xi32>,
        %add3A_1605 = vector.broadcast %multiple_of3A : i32 to vector<16xi32>
        %add3A_1606 = arith.addi %get3A_1604, %add3A_1605 : vector<16xi32>
        %add3A_1607 = arith.constant 1584 : i32
        %add3A_1608 = arith.addi %multiple_of3A_229, %add3A_1607 : i32
        %get3A_1609 = arith.index_cast %add3A_1608 : i32 to index
        %get3A_1610 = tpu.vector_load %arg9[%get3A_1609] {strides = array<i32>} : memref<7680xi32, #tpu.memory_space<vmem>>, vector<16xi32>,
        %add3A_1611 = vector.broadcast %multiple_of3A : i32 to vector<16xi32>
        %add3A_1612 = arith.addi %get3A_1610, %add3A_1611 : vector<16xi32>
        %add3A_1613 = arith.constant 1824 : i32
        %add3A_1614 = arith.addi %multiple_of3A_229, %add3A_1613 : i32
        %get3A_1615 = arith.index_cast %add3A_1614 : i32 to index
        %get3A_1616 = tpu.vector_load %arg9[%get3A_1615] {strides = array<i32>} : memref<7680xi32, #tpu.memory_space<vmem>>, vector<16xi32>,
        %add3A_1617 = vector.broadcast %multiple_of3A : i32 to vector<16xi32>
        %add3A_1618 = arith.addi %get3A_1616, %add3A_1617 : vector<16xi32>
        %gather3A_1619 = tpu.vector_load_idx %arg8[%select_n3A_1570] : memref<83200xf32, #tpu.memory_space<vmem>>[vector<16xi32>], vector<16xf32>,
        %gather3A_1620 = tpu.vector_load_idx %arg8[%select_n3A_1578] : memref<83200xf32, #tpu.memory_space<vmem>>[vector<16xi32>], vector<16xf32>,
        %gather3A_1621 = tpu.vector_load_idx %arg8[%select_n3A_1586] : memref<83200xf32, #tpu.memory_space<vmem>>[vector<16xi32>], vector<16xf32>,
        %gather3A_1622 = tpu.vector_load_idx %arg8[%select_n3A_1594] : memref<83200xf32, #tpu.memory_space<vmem>>[vector<16xi32>], vector<16xf32>,
        %gather3A_1623 = tpu.vector_load_idx %arg8[%add3A_1600] : memref<83200xf32, #tpu.memory_space<vmem>>[vector<16xi32>], vector<16xf32>,
        %gather3A_1624 = tpu.vector_load_idx %arg8[%add3A_1606] : memref<83200xf32, #tpu.memory_space<vmem>>[vector<16xi32>], vector<16xf32>,
        %gather3A_1625 = tpu.vector_load_idx %arg8[%add3A_1612] : memref<83200xf32, #tpu.memory_space<vmem>>[vector<16xi32>], vector<16xf32>,
        %gather3A_1626 = tpu.vector_load_idx %arg8[%add3A_1618] : memref<83200xf32, #tpu.memory_space<vmem>>[vector<16xi32>], vector<16xf32>,
        %add3A_1627 = arith.addf %add3A_1483, %gather3A_1619 : vector<16xf32>
        %eq3A_1628 = arith.constant 0.000000e+00 : f32
        %eq3A_1629 = vector.broadcast %eq3A_1628 : f32 to vector<16xf32>
        %eq3A_1630 = arith.cmpf oeq, %gather3A_1619, %eq3A_1629 : vector<16xf32>
        %jit3A_1631 = arith.constant 0.000000e+00 : f32
        %jit3A_1632 = arith.constant 1.000000e+00 : f32
        %broadcast_in_dim3A_1633 = vector.broadcast %jit3A_1631 : f32 to vector<16xf32>
        %broadcast_in_dim3A_1634 = vector.broadcast %jit3A_1632 : f32 to vector<16xf32>
        %select_n3A_1635 = arith.select %eq3A_1630, %broadcast_in_dim3A_1633, %broadcast_in_dim3A_1634 : vector<16xi1>, vector<16xf32>
        %add3A_1636 = arith.addf %add3A_1492, %select_n3A_1635 : vector<16xf32>
        %add3A_1637 = arith.addf %add3A_1493, %gather3A_1620 : vector<16xf32>
        %eq3A_1638 = arith.constant 0.000000e+00 : f32
        %eq3A_1639 = vector.broadcast %eq3A_1638 : f32 to vector<16xf32>
        %eq3A_1640 = arith.cmpf oeq, %gather3A_1620, %eq3A_1639 : vector<16xf32>
        %jit3A_1641 = arith.constant 0.000000e+00 : f32
        %jit3A_1642 = arith.constant 1.000000e+00 : f32
        %broadcast_in_dim3A_1643 = vector.broadcast %jit3A_1641 : f32 to vector<16xf32>
        %broadcast_in_dim3A_1644 = vector.broadcast %jit3A_1642 : f32 to vector<16xf32>
        %select_n3A_1645 = arith.select %eq3A_1640, %broadcast_in_dim3A_1643, %broadcast_in_dim3A_1644 : vector<16xi1>, vector<16xf32>
        %add3A_1646 = arith.addf %add3A_1502, %select_n3A_1645 : vector<16xf32>
        %add3A_1647 = arith.addf %add3A_1503, %gather3A_1621 : vector<16xf32>
        %eq3A_1648 = arith.constant 0.000000e+00 : f32
        %eq3A_1649 = vector.broadcast %eq3A_1648 : f32 to vector<16xf32>
        %eq3A_1650 = arith.cmpf oeq, %gather3A_1621, %eq3A_1649 : vector<16xf32>
        %jit3A_1651 = arith.constant 0.000000e+00 : f32
        %jit3A_1652 = arith.constant 1.000000e+00 : f32
        %broadcast_in_dim3A_1653 = vector.broadcast %jit3A_1651 : f32 to vector<16xf32>
        %broadcast_in_dim3A_1654 = vector.broadcast %jit3A_1652 : f32 to vector<16xf32>
        %select_n3A_1655 = arith.select %eq3A_1650, %broadcast_in_dim3A_1653, %broadcast_in_dim3A_1654 : vector<16xi1>, vector<16xf32>
        %add3A_1656 = arith.addf %add3A_1512, %select_n3A_1655 : vector<16xf32>
        %add3A_1657 = arith.addf %add3A_1513, %gather3A_1622 : vector<16xf32>
        %eq3A_1658 = arith.constant 0.000000e+00 : f32
        %eq3A_1659 = vector.broadcast %eq3A_1658 : f32 to vector<16xf32>
        %eq3A_1660 = arith.cmpf oeq, %gather3A_1622, %eq3A_1659 : vector<16xf32>
        %jit3A_1661 = arith.constant 0.000000e+00 : f32
        %jit3A_1662 = arith.constant 1.000000e+00 : f32
        %broadcast_in_dim3A_1663 = vector.broadcast %jit3A_1661 : f32 to vector<16xf32>
        %broadcast_in_dim3A_1664 = vector.broadcast %jit3A_1662 : f32 to vector<16xf32>
        %select_n3A_1665 = arith.select %eq3A_1660, %broadcast_in_dim3A_1663, %broadcast_in_dim3A_1664 : vector<16xi1>, vector<16xf32>
        %add3A_1666 = arith.addf %add3A_1522, %select_n3A_1665 : vector<16xf32>
        %add3A_1667 = arith.addf %add3A_1523, %gather3A_1623 : vector<16xf32>
        %eq3A_1668 = arith.constant 0.000000e+00 : f32
        %eq3A_1669 = vector.broadcast %eq3A_1668 : f32 to vector<16xf32>
        %eq3A_1670 = arith.cmpf oeq, %gather3A_1623, %eq3A_1669 : vector<16xf32>
        %jit3A_1671 = arith.constant 0.000000e+00 : f32
        %jit3A_1672 = arith.constant 1.000000e+00 : f32
        %broadcast_in_dim3A_1673 = vector.broadcast %jit3A_1671 : f32 to vector<16xf32>
        %broadcast_in_dim3A_1674 = vector.broadcast %jit3A_1672 : f32 to vector<16xf32>
        %select_n3A_1675 = arith.select %eq3A_1670, %broadcast_in_dim3A_1673, %broadcast_in_dim3A_1674 : vector<16xi1>, vector<16xf32>
        %add3A_1676 = arith.addf %add3A_1532, %select_n3A_1675 : vector<16xf32>
        %add3A_1677 = arith.addf %add3A_1533, %gather3A_1624 : vector<16xf32>
        %eq3A_1678 = arith.constant 0.000000e+00 : f32
        %eq3A_1679 = vector.broadcast %eq3A_1678 : f32 to vector<16xf32>
        %eq3A_1680 = arith.cmpf oeq, %gather3A_1624, %eq3A_1679 : vector<16xf32>
        %jit3A_1681 = arith.constant 0.000000e+00 : f32
        %jit3A_1682 = arith.constant 1.000000e+00 : f32
        %broadcast_in_dim3A_1683 = vector.broadcast %jit3A_1681 : f32 to vector<16xf32>
        %broadcast_in_dim3A_1684 = vector.broadcast %jit3A_1682 : f32 to vector<16xf32>
        %select_n3A_1685 = arith.select %eq3A_1680, %broadcast_in_dim3A_1683, %broadcast_in_dim3A_1684 : vector<16xi1>, vector<16xf32>
        %add3A_1686 = arith.addf %add3A_1542, %select_n3A_1685 : vector<16xf32>
        %add3A_1687 = arith.addf %add3A_1543, %gather3A_1625 : vector<16xf32>
        %eq3A_1688 = arith.constant 0.000000e+00 : f32
        %eq3A_1689 = vector.broadcast %eq3A_1688 : f32 to vector<16xf32>
        %eq3A_1690 = arith.cmpf oeq, %gather3A_1625, %eq3A_1689 : vector<16xf32>
        %jit3A_1691 = arith.constant 0.000000e+00 : f32
        %jit3A_1692 = arith.constant 1.000000e+00 : f32
        %broadcast_in_dim3A_1693 = vector.broadcast %jit3A_1691 : f32 to vector<16xf32>
        %broadcast_in_dim3A_1694 = vector.broadcast %jit3A_1692 : f32 to vector<16xf32>
        %select_n3A_1695 = arith.select %eq3A_1690, %broadcast_in_dim3A_1693, %broadcast_in_dim3A_1694 : vector<16xi1>, vector<16xf32>
        %add3A_1696 = arith.addf %add3A_1552, %select_n3A_1695 : vector<16xf32>
        %add3A_1697 = arith.addf %add3A_1553, %gather3A_1626 : vector<16xf32>
        %eq3A_1698 = arith.constant 0.000000e+00 : f32
        %eq3A_1699 = vector.broadcast %eq3A_1698 : f32 to vector<16xf32>
        %eq3A_1700 = arith.cmpf oeq, %gather3A_1626, %eq3A_1699 : vector<16xf32>
        %jit3A_1701 = arith.constant 0.000000e+00 : f32
        %jit3A_1702 = arith.constant 1.000000e+00 : f32
        %broadcast_in_dim3A_1703 = vector.broadcast %jit3A_1701 : f32 to vector<16xf32>
        %broadcast_in_dim3A_1704 = vector.broadcast %jit3A_1702 : f32 to vector<16xf32>
        %select_n3A_1705 = arith.select %eq3A_1700, %broadcast_in_dim3A_1703, %broadcast_in_dim3A_1704 : vector<16xi1>, vector<16xf32>
        %add3A_1706 = arith.addf %add3A_1562, %select_n3A_1705 : vector<16xf32>
        %gt3A_1707 = arith.constant 10 : i32
        %gt3A_1708 = vector.broadcast %gt3A_1707 : i32 to vector<16xi32>
        %gt3A_1709 = arith.cmpi sgt, %get3A_256, %gt3A_1708 : vector<16xi32>
        %add3A_1710 = arith.constant 10 : i32
        %add3A_1711 = vector.broadcast %add3A_1710 : i32 to vector<16xi32>
        %add3A_1712 = arith.addi %add3A_234, %add3A_1711 : vector<16xi32>
        %broadcast_in_dim3A_1713 = vector.broadcast %add3A_207 : i32 to vector<16xi32>
        %select_n3A_1714 = arith.select %gt3A_1709, %add3A_1712, %broadcast_in_dim3A_1713 : vector<16xi1>, vector<16xi32>
        %gt3A_1715 = arith.constant 10 : i32
        %gt3A_1716 = vector.broadcast %gt3A_1715 : i32 to vector<16xi32>
        %gt3A_1717 = arith.cmpi sgt, %get3A_260, %gt3A_1716 : vector<16xi32>
        %add3A_1718 = arith.constant 10 : i32
        %add3A_1719 = vector.broadcast %add3A_1718 : i32 to vector<16xi32>
        %add3A_1720 = arith.addi %add3A_240, %add3A_1719 : vector<16xi32>
        %broadcast_in_dim3A_1721 = vector.broadcast %add3A_207 : i32 to vector<16xi32>
        %select_n3A_1722 = arith.select %gt3A_1717, %add3A_1720, %broadcast_in_dim3A_1721 : vector<16xi1>, vector<16xi32>
        %gt3A_1723 = arith.constant 10 : i32
        %gt3A_1724 = vector.broadcast %gt3A_1723 : i32 to vector<16xi32>
        %gt3A_1725 = arith.cmpi sgt, %get3A_264, %gt3A_1724 : vector<16xi32>
        %add3A_1726 = arith.constant 10 : i32
        %add3A_1727 = vector.broadcast %add3A_1726 : i32 to vector<16xi32>
        %add3A_1728 = arith.addi %add3A_246, %add3A_1727 : vector<16xi32>
        %broadcast_in_dim3A_1729 = vector.broadcast %add3A_207 : i32 to vector<16xi32>
        %select_n3A_1730 = arith.select %gt3A_1725, %add3A_1728, %broadcast_in_dim3A_1729 : vector<16xi1>, vector<16xi32>
        %gt3A_1731 = arith.constant 10 : i32
        %gt3A_1732 = vector.broadcast %gt3A_1731 : i32 to vector<16xi32>
        %gt3A_1733 = arith.cmpi sgt, %get3A_268, %gt3A_1732 : vector<16xi32>
        %add3A_1734 = arith.constant 10 : i32
        %add3A_1735 = vector.broadcast %add3A_1734 : i32 to vector<16xi32>
        %add3A_1736 = arith.addi %add3A_252, %add3A_1735 : vector<16xi32>
        %broadcast_in_dim3A_1737 = vector.broadcast %add3A_207 : i32 to vector<16xi32>
        %select_n3A_1738 = arith.select %gt3A_1733, %add3A_1736, %broadcast_in_dim3A_1737 : vector<16xi1>, vector<16xi32>
        %add3A_1739 = arith.constant 1120 : i32
        %add3A_1740 = arith.addi %multiple_of3A_229, %add3A_1739 : i32
        %get3A_1741 = arith.index_cast %add3A_1740 : i32 to index
        %get3A_1742 = tpu.vector_load %arg9[%get3A_1741] {strides = array<i32>} : memref<7680xi32, #tpu.memory_space<vmem>>, vector<16xi32>,
        %add3A_1743 = vector.broadcast %multiple_of3A : i32 to vector<16xi32>
        %add3A_1744 = arith.addi %get3A_1742, %add3A_1743 : vector<16xi32>
        %add3A_1745 = arith.constant 1360 : i32
        %add3A_1746 = arith.addi %multiple_of3A_229, %add3A_1745 : i32
        %get3A_1747 = arith.index_cast %add3A_1746 : i32 to index
        %get3A_1748 = tpu.vector_load %arg9[%get3A_1747] {strides = array<i32>} : memref<7680xi32, #tpu.memory_space<vmem>>, vector<16xi32>,
        %add3A_1749 = vector.broadcast %multiple_of3A : i32 to vector<16xi32>
        %add3A_1750 = arith.addi %get3A_1748, %add3A_1749 : vector<16xi32>
        %add3A_1751 = arith.constant 1600 : i32
        %add3A_1752 = arith.addi %multiple_of3A_229, %add3A_1751 : i32
        %get3A_1753 = arith.index_cast %add3A_1752 : i32 to index
        %get3A_1754 = tpu.vector_load %arg9[%get3A_1753] {strides = array<i32>} : memref<7680xi32, #tpu.memory_space<vmem>>, vector<16xi32>,
        %add3A_1755 = vector.broadcast %multiple_of3A : i32 to vector<16xi32>
        %add3A_1756 = arith.addi %get3A_1754, %add3A_1755 : vector<16xi32>
        %add3A_1757 = arith.constant 1840 : i32
        %add3A_1758 = arith.addi %multiple_of3A_229, %add3A_1757 : i32
        %get3A_1759 = arith.index_cast %add3A_1758 : i32 to index
        %get3A_1760 = tpu.vector_load %arg9[%get3A_1759] {strides = array<i32>} : memref<7680xi32, #tpu.memory_space<vmem>>, vector<16xi32>,
        %add3A_1761 = vector.broadcast %multiple_of3A : i32 to vector<16xi32>
        %add3A_1762 = arith.addi %get3A_1760, %add3A_1761 : vector<16xi32>
        %gather3A_1763 = tpu.vector_load_idx %arg8[%select_n3A_1714] : memref<83200xf32, #tpu.memory_space<vmem>>[vector<16xi32>], vector<16xf32>,
        %gather3A_1764 = tpu.vector_load_idx %arg8[%select_n3A_1722] : memref<83200xf32, #tpu.memory_space<vmem>>[vector<16xi32>], vector<16xf32>,
        %gather3A_1765 = tpu.vector_load_idx %arg8[%select_n3A_1730] : memref<83200xf32, #tpu.memory_space<vmem>>[vector<16xi32>], vector<16xf32>,
        %gather3A_1766 = tpu.vector_load_idx %arg8[%select_n3A_1738] : memref<83200xf32, #tpu.memory_space<vmem>>[vector<16xi32>], vector<16xf32>,
        %gather3A_1767 = tpu.vector_load_idx %arg8[%add3A_1744] : memref<83200xf32, #tpu.memory_space<vmem>>[vector<16xi32>], vector<16xf32>,
        %gather3A_1768 = tpu.vector_load_idx %arg8[%add3A_1750] : memref<83200xf32, #tpu.memory_space<vmem>>[vector<16xi32>], vector<16xf32>,
        %gather3A_1769 = tpu.vector_load_idx %arg8[%add3A_1756] : memref<83200xf32, #tpu.memory_space<vmem>>[vector<16xi32>], vector<16xf32>,
        %gather3A_1770 = tpu.vector_load_idx %arg8[%add3A_1762] : memref<83200xf32, #tpu.memory_space<vmem>>[vector<16xi32>], vector<16xf32>,
        %add3A_1771 = arith.addf %add3A_1627, %gather3A_1763 : vector<16xf32>
        %eq3A_1772 = arith.constant 0.000000e+00 : f32
        %eq3A_1773 = vector.broadcast %eq3A_1772 : f32 to vector<16xf32>
        %eq3A_1774 = arith.cmpf oeq, %gather3A_1763, %eq3A_1773 : vector<16xf32>
        %jit3A_1775 = arith.constant 0.000000e+00 : f32
        %jit3A_1776 = arith.constant 1.000000e+00 : f32
        %broadcast_in_dim3A_1777 = vector.broadcast %jit3A_1775 : f32 to vector<16xf32>
        %broadcast_in_dim3A_1778 = vector.broadcast %jit3A_1776 : f32 to vector<16xf32>
        %select_n3A_1779 = arith.select %eq3A_1774, %broadcast_in_dim3A_1777, %broadcast_in_dim3A_1778 : vector<16xi1>, vector<16xf32>
        %add3A_1780 = arith.addf %add3A_1636, %select_n3A_1779 : vector<16xf32>
        %add3A_1781 = arith.addf %add3A_1637, %gather3A_1764 : vector<16xf32>
        %eq3A_1782 = arith.constant 0.000000e+00 : f32
        %eq3A_1783 = vector.broadcast %eq3A_1782 : f32 to vector<16xf32>
        %eq3A_1784 = arith.cmpf oeq, %gather3A_1764, %eq3A_1783 : vector<16xf32>
        %jit3A_1785 = arith.constant 0.000000e+00 : f32
        %jit3A_1786 = arith.constant 1.000000e+00 : f32
        %broadcast_in_dim3A_1787 = vector.broadcast %jit3A_1785 : f32 to vector<16xf32>
        %broadcast_in_dim3A_1788 = vector.broadcast %jit3A_1786 : f32 to vector<16xf32>
        %select_n3A_1789 = arith.select %eq3A_1784, %broadcast_in_dim3A_1787, %broadcast_in_dim3A_1788 : vector<16xi1>, vector<16xf32>
        %add3A_1790 = arith.addf %add3A_1646, %select_n3A_1789 : vector<16xf32>
        %add3A_1791 = arith.addf %add3A_1647, %gather3A_1765 : vector<16xf32>
        %eq3A_1792 = arith.constant 0.000000e+00 : f32
        %eq3A_1793 = vector.broadcast %eq3A_1792 : f32 to vector<16xf32>
        %eq3A_1794 = arith.cmpf oeq, %gather3A_1765, %eq3A_1793 : vector<16xf32>
        %jit3A_1795 = arith.constant 0.000000e+00 : f32
        %jit3A_1796 = arith.constant 1.000000e+00 : f32
        %broadcast_in_dim3A_1797 = vector.broadcast %jit3A_1795 : f32 to vector<16xf32>
        %broadcast_in_dim3A_1798 = vector.broadcast %jit3A_1796 : f32 to vector<16xf32>
        %select_n3A_1799 = arith.select %eq3A_1794, %broadcast_in_dim3A_1797, %broadcast_in_dim3A_1798 : vector<16xi1>, vector<16xf32>
        %add3A_1800 = arith.addf %add3A_1656, %select_n3A_1799 : vector<16xf32>
        %add3A_1801 = arith.addf %add3A_1657, %gather3A_1766 : vector<16xf32>
        %eq3A_1802 = arith.constant 0.000000e+00 : f32
        %eq3A_1803 = vector.broadcast %eq3A_1802 : f32 to vector<16xf32>
        %eq3A_1804 = arith.cmpf oeq, %gather3A_1766, %eq3A_1803 : vector<16xf32>
        %jit3A_1805 = arith.constant 0.000000e+00 : f32
        %jit3A_1806 = arith.constant 1.000000e+00 : f32
        %broadcast_in_dim3A_1807 = vector.broadcast %jit3A_1805 : f32 to vector<16xf32>
        %broadcast_in_dim3A_1808 = vector.broadcast %jit3A_1806 : f32 to vector<16xf32>
        %select_n3A_1809 = arith.select %eq3A_1804, %broadcast_in_dim3A_1807, %broadcast_in_dim3A_1808 : vector<16xi1>, vector<16xf32>
        %add3A_1810 = arith.addf %add3A_1666, %select_n3A_1809 : vector<16xf32>
        %add3A_1811 = arith.addf %add3A_1667, %gather3A_1767 : vector<16xf32>
        %eq3A_1812 = arith.constant 0.000000e+00 : f32
        %eq3A_1813 = vector.broadcast %eq3A_1812 : f32 to vector<16xf32>
        %eq3A_1814 = arith.cmpf oeq, %gather3A_1767, %eq3A_1813 : vector<16xf32>
        %jit3A_1815 = arith.constant 0.000000e+00 : f32
        %jit3A_1816 = arith.constant 1.000000e+00 : f32
        %broadcast_in_dim3A_1817 = vector.broadcast %jit3A_1815 : f32 to vector<16xf32>
        %broadcast_in_dim3A_1818 = vector.broadcast %jit3A_1816 : f32 to vector<16xf32>
        %select_n3A_1819 = arith.select %eq3A_1814, %broadcast_in_dim3A_1817, %broadcast_in_dim3A_1818 : vector<16xi1>, vector<16xf32>
        %add3A_1820 = arith.addf %add3A_1676, %select_n3A_1819 : vector<16xf32>
        %add3A_1821 = arith.addf %add3A_1677, %gather3A_1768 : vector<16xf32>
        %eq3A_1822 = arith.constant 0.000000e+00 : f32
        %eq3A_1823 = vector.broadcast %eq3A_1822 : f32 to vector<16xf32>
        %eq3A_1824 = arith.cmpf oeq, %gather3A_1768, %eq3A_1823 : vector<16xf32>
        %jit3A_1825 = arith.constant 0.000000e+00 : f32
        %jit3A_1826 = arith.constant 1.000000e+00 : f32
        %broadcast_in_dim3A_1827 = vector.broadcast %jit3A_1825 : f32 to vector<16xf32>
        %broadcast_in_dim3A_1828 = vector.broadcast %jit3A_1826 : f32 to vector<16xf32>
        %select_n3A_1829 = arith.select %eq3A_1824, %broadcast_in_dim3A_1827, %broadcast_in_dim3A_1828 : vector<16xi1>, vector<16xf32>
        %add3A_1830 = arith.addf %add3A_1686, %select_n3A_1829 : vector<16xf32>
        %add3A_1831 = arith.addf %add3A_1687, %gather3A_1769 : vector<16xf32>
        %eq3A_1832 = arith.constant 0.000000e+00 : f32
        %eq3A_1833 = vector.broadcast %eq3A_1832 : f32 to vector<16xf32>
        %eq3A_1834 = arith.cmpf oeq, %gather3A_1769, %eq3A_1833 : vector<16xf32>
        %jit3A_1835 = arith.constant 0.000000e+00 : f32
        %jit3A_1836 = arith.constant 1.000000e+00 : f32
        %broadcast_in_dim3A_1837 = vector.broadcast %jit3A_1835 : f32 to vector<16xf32>
        %broadcast_in_dim3A_1838 = vector.broadcast %jit3A_1836 : f32 to vector<16xf32>
        %select_n3A_1839 = arith.select %eq3A_1834, %broadcast_in_dim3A_1837, %broadcast_in_dim3A_1838 : vector<16xi1>, vector<16xf32>
        %add3A_1840 = arith.addf %add3A_1696, %select_n3A_1839 : vector<16xf32>
        %add3A_1841 = arith.addf %add3A_1697, %gather3A_1770 : vector<16xf32>
        %eq3A_1842 = arith.constant 0.000000e+00 : f32
        %eq3A_1843 = vector.broadcast %eq3A_1842 : f32 to vector<16xf32>
        %eq3A_1844 = arith.cmpf oeq, %gather3A_1770, %eq3A_1843 : vector<16xf32>
        %jit3A_1845 = arith.constant 0.000000e+00 : f32
        %jit3A_1846 = arith.constant 1.000000e+00 : f32
        %broadcast_in_dim3A_1847 = vector.broadcast %jit3A_1845 : f32 to vector<16xf32>
        %broadcast_in_dim3A_1848 = vector.broadcast %jit3A_1846 : f32 to vector<16xf32>
        %select_n3A_1849 = arith.select %eq3A_1844, %broadcast_in_dim3A_1847, %broadcast_in_dim3A_1848 : vector<16xi1>, vector<16xf32>
        %add3A_1850 = arith.addf %add3A_1706, %select_n3A_1849 : vector<16xf32>
        %gt3A_1851 = arith.constant 11 : i32
        %gt3A_1852 = vector.broadcast %gt3A_1851 : i32 to vector<16xi32>
        %gt3A_1853 = arith.cmpi sgt, %get3A_256, %gt3A_1852 : vector<16xi32>
        %add3A_1854 = arith.constant 11 : i32
        %add3A_1855 = vector.broadcast %add3A_1854 : i32 to vector<16xi32>
        %add3A_1856 = arith.addi %add3A_234, %add3A_1855 : vector<16xi32>
        %broadcast_in_dim3A_1857 = vector.broadcast %add3A_207 : i32 to vector<16xi32>
        %select_n3A_1858 = arith.select %gt3A_1853, %add3A_1856, %broadcast_in_dim3A_1857 : vector<16xi1>, vector<16xi32>
        %gt3A_1859 = arith.constant 11 : i32
        %gt3A_1860 = vector.broadcast %gt3A_1859 : i32 to vector<16xi32>
        %gt3A_1861 = arith.cmpi sgt, %get3A_260, %gt3A_1860 : vector<16xi32>
        %add3A_1862 = arith.constant 11 : i32
        %add3A_1863 = vector.broadcast %add3A_1862 : i32 to vector<16xi32>
        %add3A_1864 = arith.addi %add3A_240, %add3A_1863 : vector<16xi32>
        %broadcast_in_dim3A_1865 = vector.broadcast %add3A_207 : i32 to vector<16xi32>
        %select_n3A_1866 = arith.select %gt3A_1861, %add3A_1864, %broadcast_in_dim3A_1865 : vector<16xi1>, vector<16xi32>
        %gt3A_1867 = arith.constant 11 : i32
        %gt3A_1868 = vector.broadcast %gt3A_1867 : i32 to vector<16xi32>
        %gt3A_1869 = arith.cmpi sgt, %get3A_264, %gt3A_1868 : vector<16xi32>
        %add3A_1870 = arith.constant 11 : i32
        %add3A_1871 = vector.broadcast %add3A_1870 : i32 to vector<16xi32>
        %add3A_1872 = arith.addi %add3A_246, %add3A_1871 : vector<16xi32>
        %broadcast_in_dim3A_1873 = vector.broadcast %add3A_207 : i32 to vector<16xi32>
        %select_n3A_1874 = arith.select %gt3A_1869, %add3A_1872, %broadcast_in_dim3A_1873 : vector<16xi1>, vector<16xi32>
        %gt3A_1875 = arith.constant 11 : i32
        %gt3A_1876 = vector.broadcast %gt3A_1875 : i32 to vector<16xi32>
        %gt3A_1877 = arith.cmpi sgt, %get3A_268, %gt3A_1876 : vector<16xi32>
        %add3A_1878 = arith.constant 11 : i32
        %add3A_1879 = vector.broadcast %add3A_1878 : i32 to vector<16xi32>
        %add3A_1880 = arith.addi %add3A_252, %add3A_1879 : vector<16xi32>
        %broadcast_in_dim3A_1881 = vector.broadcast %add3A_207 : i32 to vector<16xi32>
        %select_n3A_1882 = arith.select %gt3A_1877, %add3A_1880, %broadcast_in_dim3A_1881 : vector<16xi1>, vector<16xi32>
        %add3A_1883 = arith.constant 1136 : i32
        %add3A_1884 = arith.addi %multiple_of3A_229, %add3A_1883 : i32
        %get3A_1885 = arith.index_cast %add3A_1884 : i32 to index
        %get3A_1886 = tpu.vector_load %arg9[%get3A_1885] {strides = array<i32>} : memref<7680xi32, #tpu.memory_space<vmem>>, vector<16xi32>,
        %add3A_1887 = vector.broadcast %multiple_of3A : i32 to vector<16xi32>
        %add3A_1888 = arith.addi %get3A_1886, %add3A_1887 : vector<16xi32>
        %add3A_1889 = arith.constant 1376 : i32
        %add3A_1890 = arith.addi %multiple_of3A_229, %add3A_1889 : i32
        %get3A_1891 = arith.index_cast %add3A_1890 : i32 to index
        %get3A_1892 = tpu.vector_load %arg9[%get3A_1891] {strides = array<i32>} : memref<7680xi32, #tpu.memory_space<vmem>>, vector<16xi32>,
        %add3A_1893 = vector.broadcast %multiple_of3A : i32 to vector<16xi32>
        %add3A_1894 = arith.addi %get3A_1892, %add3A_1893 : vector<16xi32>
        %add3A_1895 = arith.constant 1616 : i32
        %add3A_1896 = arith.addi %multiple_of3A_229, %add3A_1895 : i32
        %get3A_1897 = arith.index_cast %add3A_1896 : i32 to index
        %get3A_1898 = tpu.vector_load %arg9[%get3A_1897] {strides = array<i32>} : memref<7680xi32, #tpu.memory_space<vmem>>, vector<16xi32>,
        %add3A_1899 = vector.broadcast %multiple_of3A : i32 to vector<16xi32>
        %add3A_1900 = arith.addi %get3A_1898, %add3A_1899 : vector<16xi32>
        %add3A_1901 = arith.constant 1856 : i32
        %add3A_1902 = arith.addi %multiple_of3A_229, %add3A_1901 : i32
        %get3A_1903 = arith.index_cast %add3A_1902 : i32 to index
        %get3A_1904 = tpu.vector_load %arg9[%get3A_1903] {strides = array<i32>} : memref<7680xi32, #tpu.memory_space<vmem>>, vector<16xi32>,
        %add3A_1905 = vector.broadcast %multiple_of3A : i32 to vector<16xi32>
        %add3A_1906 = arith.addi %get3A_1904, %add3A_1905 : vector<16xi32>
        %gather3A_1907 = tpu.vector_load_idx %arg8[%select_n3A_1858] : memref<83200xf32, #tpu.memory_space<vmem>>[vector<16xi32>], vector<16xf32>,
        %gather3A_1908 = tpu.vector_load_idx %arg8[%select_n3A_1866] : memref<83200xf32, #tpu.memory_space<vmem>>[vector<16xi32>], vector<16xf32>,
        %gather3A_1909 = tpu.vector_load_idx %arg8[%select_n3A_1874] : memref<83200xf32, #tpu.memory_space<vmem>>[vector<16xi32>], vector<16xf32>,
        %gather3A_1910 = tpu.vector_load_idx %arg8[%select_n3A_1882] : memref<83200xf32, #tpu.memory_space<vmem>>[vector<16xi32>], vector<16xf32>,
        %gather3A_1911 = tpu.vector_load_idx %arg8[%add3A_1888] : memref<83200xf32, #tpu.memory_space<vmem>>[vector<16xi32>], vector<16xf32>,
        %gather3A_1912 = tpu.vector_load_idx %arg8[%add3A_1894] : memref<83200xf32, #tpu.memory_space<vmem>>[vector<16xi32>], vector<16xf32>,
        %gather3A_1913 = tpu.vector_load_idx %arg8[%add3A_1900] : memref<83200xf32, #tpu.memory_space<vmem>>[vector<16xi32>], vector<16xf32>,
        %gather3A_1914 = tpu.vector_load_idx %arg8[%add3A_1906] : memref<83200xf32, #tpu.memory_space<vmem>>[vector<16xi32>], vector<16xf32>,
        %add3A_1915 = arith.addf %add3A_1771, %gather3A_1907 : vector<16xf32>
        %eq3A_1916 = arith.constant 0.000000e+00 : f32
        %eq3A_1917 = vector.broadcast %eq3A_1916 : f32 to vector<16xf32>
        %eq3A_1918 = arith.cmpf oeq, %gather3A_1907, %eq3A_1917 : vector<16xf32>
        %jit3A_1919 = arith.constant 0.000000e+00 : f32
        %jit3A_1920 = arith.constant 1.000000e+00 : f32
        %broadcast_in_dim3A_1921 = vector.broadcast %jit3A_1919 : f32 to vector<16xf32>
        %broadcast_in_dim3A_1922 = vector.broadcast %jit3A_1920 : f32 to vector<16xf32>
        %select_n3A_1923 = arith.select %eq3A_1918, %broadcast_in_dim3A_1921, %broadcast_in_dim3A_1922 : vector<16xi1>, vector<16xf32>
        %add3A_1924 = arith.addf %add3A_1780, %select_n3A_1923 : vector<16xf32>
        %add3A_1925 = arith.addf %add3A_1781, %gather3A_1908 : vector<16xf32>
        %eq3A_1926 = arith.constant 0.000000e+00 : f32
        %eq3A_1927 = vector.broadcast %eq3A_1926 : f32 to vector<16xf32>
        %eq3A_1928 = arith.cmpf oeq, %gather3A_1908, %eq3A_1927 : vector<16xf32>
        %jit3A_1929 = arith.constant 0.000000e+00 : f32
        %jit3A_1930 = arith.constant 1.000000e+00 : f32
        %broadcast_in_dim3A_1931 = vector.broadcast %jit3A_1929 : f32 to vector<16xf32>
        %broadcast_in_dim3A_1932 = vector.broadcast %jit3A_1930 : f32 to vector<16xf32>
        %select_n3A_1933 = arith.select %eq3A_1928, %broadcast_in_dim3A_1931, %broadcast_in_dim3A_1932 : vector<16xi1>, vector<16xf32>
        %add3A_1934 = arith.addf %add3A_1790, %select_n3A_1933 : vector<16xf32>
        %add3A_1935 = arith.addf %add3A_1791, %gather3A_1909 : vector<16xf32>
        %eq3A_1936 = arith.constant 0.000000e+00 : f32
        %eq3A_1937 = vector.broadcast %eq3A_1936 : f32 to vector<16xf32>
        %eq3A_1938 = arith.cmpf oeq, %gather3A_1909, %eq3A_1937 : vector<16xf32>
        %jit3A_1939 = arith.constant 0.000000e+00 : f32
        %jit3A_1940 = arith.constant 1.000000e+00 : f32
        %broadcast_in_dim3A_1941 = vector.broadcast %jit3A_1939 : f32 to vector<16xf32>
        %broadcast_in_dim3A_1942 = vector.broadcast %jit3A_1940 : f32 to vector<16xf32>
        %select_n3A_1943 = arith.select %eq3A_1938, %broadcast_in_dim3A_1941, %broadcast_in_dim3A_1942 : vector<16xi1>, vector<16xf32>
        %add3A_1944 = arith.addf %add3A_1800, %select_n3A_1943 : vector<16xf32>
        %add3A_1945 = arith.addf %add3A_1801, %gather3A_1910 : vector<16xf32>
        %eq3A_1946 = arith.constant 0.000000e+00 : f32
        %eq3A_1947 = vector.broadcast %eq3A_1946 : f32 to vector<16xf32>
        %eq3A_1948 = arith.cmpf oeq, %gather3A_1910, %eq3A_1947 : vector<16xf32>
        %jit3A_1949 = arith.constant 0.000000e+00 : f32
        %jit3A_1950 = arith.constant 1.000000e+00 : f32
        %broadcast_in_dim3A_1951 = vector.broadcast %jit3A_1949 : f32 to vector<16xf32>
        %broadcast_in_dim3A_1952 = vector.broadcast %jit3A_1950 : f32 to vector<16xf32>
        %select_n3A_1953 = arith.select %eq3A_1948, %broadcast_in_dim3A_1951, %broadcast_in_dim3A_1952 : vector<16xi1>, vector<16xf32>
        %add3A_1954 = arith.addf %add3A_1810, %select_n3A_1953 : vector<16xf32>
        %add3A_1955 = arith.addf %add3A_1811, %gather3A_1911 : vector<16xf32>
        %eq3A_1956 = arith.constant 0.000000e+00 : f32
        %eq3A_1957 = vector.broadcast %eq3A_1956 : f32 to vector<16xf32>
        %eq3A_1958 = arith.cmpf oeq, %gather3A_1911, %eq3A_1957 : vector<16xf32>
        %jit3A_1959 = arith.constant 0.000000e+00 : f32
        %jit3A_1960 = arith.constant 1.000000e+00 : f32
        %broadcast_in_dim3A_1961 = vector.broadcast %jit3A_1959 : f32 to vector<16xf32>
        %broadcast_in_dim3A_1962 = vector.broadcast %jit3A_1960 : f32 to vector<16xf32>
        %select_n3A_1963 = arith.select %eq3A_1958, %broadcast_in_dim3A_1961, %broadcast_in_dim3A_1962 : vector<16xi1>, vector<16xf32>
        %add3A_1964 = arith.addf %add3A_1820, %select_n3A_1963 : vector<16xf32>
        %add3A_1965 = arith.addf %add3A_1821, %gather3A_1912 : vector<16xf32>
        %eq3A_1966 = arith.constant 0.000000e+00 : f32
        %eq3A_1967 = vector.broadcast %eq3A_1966 : f32 to vector<16xf32>
        %eq3A_1968 = arith.cmpf oeq, %gather3A_1912, %eq3A_1967 : vector<16xf32>
        %jit3A_1969 = arith.constant 0.000000e+00 : f32
        %jit3A_1970 = arith.constant 1.000000e+00 : f32
        %broadcast_in_dim3A_1971 = vector.broadcast %jit3A_1969 : f32 to vector<16xf32>
        %broadcast_in_dim3A_1972 = vector.broadcast %jit3A_1970 : f32 to vector<16xf32>
        %select_n3A_1973 = arith.select %eq3A_1968, %broadcast_in_dim3A_1971, %broadcast_in_dim3A_1972 : vector<16xi1>, vector<16xf32>
        %add3A_1974 = arith.addf %add3A_1830, %select_n3A_1973 : vector<16xf32>
        %add3A_1975 = arith.addf %add3A_1831, %gather3A_1913 : vector<16xf32>
        %eq3A_1976 = arith.constant 0.000000e+00 : f32
        %eq3A_1977 = vector.broadcast %eq3A_1976 : f32 to vector<16xf32>
        %eq3A_1978 = arith.cmpf oeq, %gather3A_1913, %eq3A_1977 : vector<16xf32>
        %jit3A_1979 = arith.constant 0.000000e+00 : f32
        %jit3A_1980 = arith.constant 1.000000e+00 : f32
        %broadcast_in_dim3A_1981 = vector.broadcast %jit3A_1979 : f32 to vector<16xf32>
        %broadcast_in_dim3A_1982 = vector.broadcast %jit3A_1980 : f32 to vector<16xf32>
        %select_n3A_1983 = arith.select %eq3A_1978, %broadcast_in_dim3A_1981, %broadcast_in_dim3A_1982 : vector<16xi1>, vector<16xf32>
        %add3A_1984 = arith.addf %add3A_1840, %select_n3A_1983 : vector<16xf32>
        %add3A_1985 = arith.addf %add3A_1841, %gather3A_1914 : vector<16xf32>
        %eq3A_1986 = arith.constant 0.000000e+00 : f32
        %eq3A_1987 = vector.broadcast %eq3A_1986 : f32 to vector<16xf32>
        %eq3A_1988 = arith.cmpf oeq, %gather3A_1914, %eq3A_1987 : vector<16xf32>
        %jit3A_1989 = arith.constant 0.000000e+00 : f32
        %jit3A_1990 = arith.constant 1.000000e+00 : f32
        %broadcast_in_dim3A_1991 = vector.broadcast %jit3A_1989 : f32 to vector<16xf32>
        %broadcast_in_dim3A_1992 = vector.broadcast %jit3A_1990 : f32 to vector<16xf32>
        %select_n3A_1993 = arith.select %eq3A_1988, %broadcast_in_dim3A_1991, %broadcast_in_dim3A_1992 : vector<16xi1>, vector<16xf32>
        %add3A_1994 = arith.addf %add3A_1850, %select_n3A_1993 : vector<16xf32>
        %gt3A_1995 = arith.constant 12 : i32
        %gt3A_1996 = vector.broadcast %gt3A_1995 : i32 to vector<16xi32>
        %gt3A_1997 = arith.cmpi sgt, %get3A_256, %gt3A_1996 : vector<16xi32>
        %add3A_1998 = arith.constant 12 : i32
        %add3A_1999 = vector.broadcast %add3A_1998 : i32 to vector<16xi32>
        %add3A_2000 = arith.addi %add3A_234, %add3A_1999 : vector<16xi32>
        %broadcast_in_dim3A_2001 = vector.broadcast %add3A_207 : i32 to vector<16xi32>
        %select_n3A_2002 = arith.select %gt3A_1997, %add3A_2000, %broadcast_in_dim3A_2001 : vector<16xi1>, vector<16xi32>
        %gt3A_2003 = arith.constant 12 : i32
        %gt3A_2004 = vector.broadcast %gt3A_2003 : i32 to vector<16xi32>
        %gt3A_2005 = arith.cmpi sgt, %get3A_260, %gt3A_2004 : vector<16xi32>
        %add3A_2006 = arith.constant 12 : i32
        %add3A_2007 = vector.broadcast %add3A_2006 : i32 to vector<16xi32>
        %add3A_2008 = arith.addi %add3A_240, %add3A_2007 : vector<16xi32>
        %broadcast_in_dim3A_2009 = vector.broadcast %add3A_207 : i32 to vector<16xi32>
        %select_n3A_2010 = arith.select %gt3A_2005, %add3A_2008, %broadcast_in_dim3A_2009 : vector<16xi1>, vector<16xi32>
        %gt3A_2011 = arith.constant 12 : i32
        %gt3A_2012 = vector.broadcast %gt3A_2011 : i32 to vector<16xi32>
        %gt3A_2013 = arith.cmpi sgt, %get3A_264, %gt3A_2012 : vector<16xi32>
        %add3A_2014 = arith.constant 12 : i32
        %add3A_2015 = vector.broadcast %add3A_2014 : i32 to vector<16xi32>
        %add3A_2016 = arith.addi %add3A_246, %add3A_2015 : vector<16xi32>
        %broadcast_in_dim3A_2017 = vector.broadcast %add3A_207 : i32 to vector<16xi32>
        %select_n3A_2018 = arith.select %gt3A_2013, %add3A_2016, %broadcast_in_dim3A_2017 : vector<16xi1>, vector<16xi32>
        %gt3A_2019 = arith.constant 12 : i32
        %gt3A_2020 = vector.broadcast %gt3A_2019 : i32 to vector<16xi32>
        %gt3A_2021 = arith.cmpi sgt, %get3A_268, %gt3A_2020 : vector<16xi32>
        %add3A_2022 = arith.constant 12 : i32
        %add3A_2023 = vector.broadcast %add3A_2022 : i32 to vector<16xi32>
        %add3A_2024 = arith.addi %add3A_252, %add3A_2023 : vector<16xi32>
        %broadcast_in_dim3A_2025 = vector.broadcast %add3A_207 : i32 to vector<16xi32>
        %select_n3A_2026 = arith.select %gt3A_2021, %add3A_2024, %broadcast_in_dim3A_2025 : vector<16xi1>, vector<16xi32>
        %add3A_2027 = arith.constant 1152 : i32
        %add3A_2028 = arith.addi %multiple_of3A_229, %add3A_2027 : i32
        %get3A_2029 = arith.index_cast %add3A_2028 : i32 to index
        %get3A_2030 = tpu.vector_load %arg9[%get3A_2029] {strides = array<i32>} : memref<7680xi32, #tpu.memory_space<vmem>>, vector<16xi32>,
        %add3A_2031 = vector.broadcast %multiple_of3A : i32 to vector<16xi32>
        %add3A_2032 = arith.addi %get3A_2030, %add3A_2031 : vector<16xi32>
        %add3A_2033 = arith.constant 1392 : i32
        %add3A_2034 = arith.addi %multiple_of3A_229, %add3A_2033 : i32
        %get3A_2035 = arith.index_cast %add3A_2034 : i32 to index
        %get3A_2036 = tpu.vector_load %arg9[%get3A_2035] {strides = array<i32>} : memref<7680xi32, #tpu.memory_space<vmem>>, vector<16xi32>,
        %add3A_2037 = vector.broadcast %multiple_of3A : i32 to vector<16xi32>
        %add3A_2038 = arith.addi %get3A_2036, %add3A_2037 : vector<16xi32>
        %add3A_2039 = arith.constant 1632 : i32
        %add3A_2040 = arith.addi %multiple_of3A_229, %add3A_2039 : i32
        %get3A_2041 = arith.index_cast %add3A_2040 : i32 to index
        %get3A_2042 = tpu.vector_load %arg9[%get3A_2041] {strides = array<i32>} : memref<7680xi32, #tpu.memory_space<vmem>>, vector<16xi32>,
        %add3A_2043 = vector.broadcast %multiple_of3A : i32 to vector<16xi32>
        %add3A_2044 = arith.addi %get3A_2042, %add3A_2043 : vector<16xi32>
        %add3A_2045 = arith.constant 1872 : i32
        %add3A_2046 = arith.addi %multiple_of3A_229, %add3A_2045 : i32
        %get3A_2047 = arith.index_cast %add3A_2046 : i32 to index
        %get3A_2048 = tpu.vector_load %arg9[%get3A_2047] {strides = array<i32>} : memref<7680xi32, #tpu.memory_space<vmem>>, vector<16xi32>,
        %add3A_2049 = vector.broadcast %multiple_of3A : i32 to vector<16xi32>
        %add3A_2050 = arith.addi %get3A_2048, %add3A_2049 : vector<16xi32>
        %gather3A_2051 = tpu.vector_load_idx %arg8[%select_n3A_2002] : memref<83200xf32, #tpu.memory_space<vmem>>[vector<16xi32>], vector<16xf32>,
        %gather3A_2052 = tpu.vector_load_idx %arg8[%select_n3A_2010] : memref<83200xf32, #tpu.memory_space<vmem>>[vector<16xi32>], vector<16xf32>,
        %gather3A_2053 = tpu.vector_load_idx %arg8[%select_n3A_2018] : memref<83200xf32, #tpu.memory_space<vmem>>[vector<16xi32>], vector<16xf32>,
        %gather3A_2054 = tpu.vector_load_idx %arg8[%select_n3A_2026] : memref<83200xf32, #tpu.memory_space<vmem>>[vector<16xi32>], vector<16xf32>,
        %gather3A_2055 = tpu.vector_load_idx %arg8[%add3A_2032] : memref<83200xf32, #tpu.memory_space<vmem>>[vector<16xi32>], vector<16xf32>,
        %gather3A_2056 = tpu.vector_load_idx %arg8[%add3A_2038] : memref<83200xf32, #tpu.memory_space<vmem>>[vector<16xi32>], vector<16xf32>,
        %gather3A_2057 = tpu.vector_load_idx %arg8[%add3A_2044] : memref<83200xf32, #tpu.memory_space<vmem>>[vector<16xi32>], vector<16xf32>,
        %gather3A_2058 = tpu.vector_load_idx %arg8[%add3A_2050] : memref<83200xf32, #tpu.memory_space<vmem>>[vector<16xi32>], vector<16xf32>,
        %add3A_2059 = arith.addf %add3A_1915, %gather3A_2051 : vector<16xf32>
        %eq3A_2060 = arith.constant 0.000000e+00 : f32
        %eq3A_2061 = vector.broadcast %eq3A_2060 : f32 to vector<16xf32>
        %eq3A_2062 = arith.cmpf oeq, %gather3A_2051, %eq3A_2061 : vector<16xf32>
        %jit3A_2063 = arith.constant 0.000000e+00 : f32
        %jit3A_2064 = arith.constant 1.000000e+00 : f32
        %broadcast_in_dim3A_2065 = vector.broadcast %jit3A_2063 : f32 to vector<16xf32>
        %broadcast_in_dim3A_2066 = vector.broadcast %jit3A_2064 : f32 to vector<16xf32>
        %select_n3A_2067 = arith.select %eq3A_2062, %broadcast_in_dim3A_2065, %broadcast_in_dim3A_2066 : vector<16xi1>, vector<16xf32>
        %add3A_2068 = arith.addf %add3A_1924, %select_n3A_2067 : vector<16xf32>
        %add3A_2069 = arith.addf %add3A_1925, %gather3A_2052 : vector<16xf32>
        %eq3A_2070 = arith.constant 0.000000e+00 : f32
        %eq3A_2071 = vector.broadcast %eq3A_2070 : f32 to vector<16xf32>
        %eq3A_2072 = arith.cmpf oeq, %gather3A_2052, %eq3A_2071 : vector<16xf32>
        %jit3A_2073 = arith.constant 0.000000e+00 : f32
        %jit3A_2074 = arith.constant 1.000000e+00 : f32
        %broadcast_in_dim3A_2075 = vector.broadcast %jit3A_2073 : f32 to vector<16xf32>
        %broadcast_in_dim3A_2076 = vector.broadcast %jit3A_2074 : f32 to vector<16xf32>
        %select_n3A_2077 = arith.select %eq3A_2072, %broadcast_in_dim3A_2075, %broadcast_in_dim3A_2076 : vector<16xi1>, vector<16xf32>
        %add3A_2078 = arith.addf %add3A_1934, %select_n3A_2077 : vector<16xf32>
        %add3A_2079 = arith.addf %add3A_1935, %gather3A_2053 : vector<16xf32>
        %eq3A_2080 = arith.constant 0.000000e+00 : f32
        %eq3A_2081 = vector.broadcast %eq3A_2080 : f32 to vector<16xf32>
        %eq3A_2082 = arith.cmpf oeq, %gather3A_2053, %eq3A_2081 : vector<16xf32>
        %jit3A_2083 = arith.constant 0.000000e+00 : f32
        %jit3A_2084 = arith.constant 1.000000e+00 : f32
        %broadcast_in_dim3A_2085 = vector.broadcast %jit3A_2083 : f32 to vector<16xf32>
        %broadcast_in_dim3A_2086 = vector.broadcast %jit3A_2084 : f32 to vector<16xf32>
        %select_n3A_2087 = arith.select %eq3A_2082, %broadcast_in_dim3A_2085, %broadcast_in_dim3A_2086 : vector<16xi1>, vector<16xf32>
        %add3A_2088 = arith.addf %add3A_1944, %select_n3A_2087 : vector<16xf32>
        %add3A_2089 = arith.addf %add3A_1945, %gather3A_2054 : vector<16xf32>
        %eq3A_2090 = arith.constant 0.000000e+00 : f32
        %eq3A_2091 = vector.broadcast %eq3A_2090 : f32 to vector<16xf32>
        %eq3A_2092 = arith.cmpf oeq, %gather3A_2054, %eq3A_2091 : vector<16xf32>
        %jit3A_2093 = arith.constant 0.000000e+00 : f32
        %jit3A_2094 = arith.constant 1.000000e+00 : f32
        %broadcast_in_dim3A_2095 = vector.broadcast %jit3A_2093 : f32 to vector<16xf32>
        %broadcast_in_dim3A_2096 = vector.broadcast %jit3A_2094 : f32 to vector<16xf32>
        %select_n3A_2097 = arith.select %eq3A_2092, %broadcast_in_dim3A_2095, %broadcast_in_dim3A_2096 : vector<16xi1>, vector<16xf32>
        %add3A_2098 = arith.addf %add3A_1954, %select_n3A_2097 : vector<16xf32>
        %add3A_2099 = arith.addf %add3A_1955, %gather3A_2055 : vector<16xf32>
        %eq3A_2100 = arith.constant 0.000000e+00 : f32
        %eq3A_2101 = vector.broadcast %eq3A_2100 : f32 to vector<16xf32>
        %eq3A_2102 = arith.cmpf oeq, %gather3A_2055, %eq3A_2101 : vector<16xf32>
        %jit3A_2103 = arith.constant 0.000000e+00 : f32
        %jit3A_2104 = arith.constant 1.000000e+00 : f32
        %broadcast_in_dim3A_2105 = vector.broadcast %jit3A_2103 : f32 to vector<16xf32>
        %broadcast_in_dim3A_2106 = vector.broadcast %jit3A_2104 : f32 to vector<16xf32>
        %select_n3A_2107 = arith.select %eq3A_2102, %broadcast_in_dim3A_2105, %broadcast_in_dim3A_2106 : vector<16xi1>, vector<16xf32>
        %add3A_2108 = arith.addf %add3A_1964, %select_n3A_2107 : vector<16xf32>
        %add3A_2109 = arith.addf %add3A_1965, %gather3A_2056 : vector<16xf32>
        %eq3A_2110 = arith.constant 0.000000e+00 : f32
        %eq3A_2111 = vector.broadcast %eq3A_2110 : f32 to vector<16xf32>
        %eq3A_2112 = arith.cmpf oeq, %gather3A_2056, %eq3A_2111 : vector<16xf32>
        %jit3A_2113 = arith.constant 0.000000e+00 : f32
        %jit3A_2114 = arith.constant 1.000000e+00 : f32
        %broadcast_in_dim3A_2115 = vector.broadcast %jit3A_2113 : f32 to vector<16xf32>
        %broadcast_in_dim3A_2116 = vector.broadcast %jit3A_2114 : f32 to vector<16xf32>
        %select_n3A_2117 = arith.select %eq3A_2112, %broadcast_in_dim3A_2115, %broadcast_in_dim3A_2116 : vector<16xi1>, vector<16xf32>
        %add3A_2118 = arith.addf %add3A_1974, %select_n3A_2117 : vector<16xf32>
        %add3A_2119 = arith.addf %add3A_1975, %gather3A_2057 : vector<16xf32>
        %eq3A_2120 = arith.constant 0.000000e+00 : f32
        %eq3A_2121 = vector.broadcast %eq3A_2120 : f32 to vector<16xf32>
        %eq3A_2122 = arith.cmpf oeq, %gather3A_2057, %eq3A_2121 : vector<16xf32>
        %jit3A_2123 = arith.constant 0.000000e+00 : f32
        %jit3A_2124 = arith.constant 1.000000e+00 : f32
        %broadcast_in_dim3A_2125 = vector.broadcast %jit3A_2123 : f32 to vector<16xf32>
        %broadcast_in_dim3A_2126 = vector.broadcast %jit3A_2124 : f32 to vector<16xf32>
        %select_n3A_2127 = arith.select %eq3A_2122, %broadcast_in_dim3A_2125, %broadcast_in_dim3A_2126 : vector<16xi1>, vector<16xf32>
        %add3A_2128 = arith.addf %add3A_1984, %select_n3A_2127 : vector<16xf32>
        %add3A_2129 = arith.addf %add3A_1985, %gather3A_2058 : vector<16xf32>
        %eq3A_2130 = arith.constant 0.000000e+00 : f32
        %eq3A_2131 = vector.broadcast %eq3A_2130 : f32 to vector<16xf32>
        %eq3A_2132 = arith.cmpf oeq, %gather3A_2058, %eq3A_2131 : vector<16xf32>
        %jit3A_2133 = arith.constant 0.000000e+00 : f32
        %jit3A_2134 = arith.constant 1.000000e+00 : f32
        %broadcast_in_dim3A_2135 = vector.broadcast %jit3A_2133 : f32 to vector<16xf32>
        %broadcast_in_dim3A_2136 = vector.broadcast %jit3A_2134 : f32 to vector<16xf32>
        %select_n3A_2137 = arith.select %eq3A_2132, %broadcast_in_dim3A_2135, %broadcast_in_dim3A_2136 : vector<16xi1>, vector<16xf32>
        %add3A_2138 = arith.addf %add3A_1994, %select_n3A_2137 : vector<16xf32>
        %gt3A_2139 = arith.constant 13 : i32
        %gt3A_2140 = vector.broadcast %gt3A_2139 : i32 to vector<16xi32>
        %gt3A_2141 = arith.cmpi sgt, %get3A_256, %gt3A_2140 : vector<16xi32>
        %add3A_2142 = arith.constant 13 : i32
        %add3A_2143 = vector.broadcast %add3A_2142 : i32 to vector<16xi32>
        %add3A_2144 = arith.addi %add3A_234, %add3A_2143 : vector<16xi32>
        %broadcast_in_dim3A_2145 = vector.broadcast %add3A_207 : i32 to vector<16xi32>
        %select_n3A_2146 = arith.select %gt3A_2141, %add3A_2144, %broadcast_in_dim3A_2145 : vector<16xi1>, vector<16xi32>
        %gt3A_2147 = arith.constant 13 : i32
        %gt3A_2148 = vector.broadcast %gt3A_2147 : i32 to vector<16xi32>
        %gt3A_2149 = arith.cmpi sgt, %get3A_260, %gt3A_2148 : vector<16xi32>
        %add3A_2150 = arith.constant 13 : i32
        %add3A_2151 = vector.broadcast %add3A_2150 : i32 to vector<16xi32>
        %add3A_2152 = arith.addi %add3A_240, %add3A_2151 : vector<16xi32>
        %broadcast_in_dim3A_2153 = vector.broadcast %add3A_207 : i32 to vector<16xi32>
        %select_n3A_2154 = arith.select %gt3A_2149, %add3A_2152, %broadcast_in_dim3A_2153 : vector<16xi1>, vector<16xi32>
        %gt3A_2155 = arith.constant 13 : i32
        %gt3A_2156 = vector.broadcast %gt3A_2155 : i32 to vector<16xi32>
        %gt3A_2157 = arith.cmpi sgt, %get3A_264, %gt3A_2156 : vector<16xi32>
        %add3A_2158 = arith.constant 13 : i32
        %add3A_2159 = vector.broadcast %add3A_2158 : i32 to vector<16xi32>
        %add3A_2160 = arith.addi %add3A_246, %add3A_2159 : vector<16xi32>
        %broadcast_in_dim3A_2161 = vector.broadcast %add3A_207 : i32 to vector<16xi32>
        %select_n3A_2162 = arith.select %gt3A_2157, %add3A_2160, %broadcast_in_dim3A_2161 : vector<16xi1>, vector<16xi32>
        %gt3A_2163 = arith.constant 13 : i32
        %gt3A_2164 = vector.broadcast %gt3A_2163 : i32 to vector<16xi32>
        %gt3A_2165 = arith.cmpi sgt, %get3A_268, %gt3A_2164 : vector<16xi32>
        %add3A_2166 = arith.constant 13 : i32
        %add3A_2167 = vector.broadcast %add3A_2166 : i32 to vector<16xi32>
        %add3A_2168 = arith.addi %add3A_252, %add3A_2167 : vector<16xi32>
        %broadcast_in_dim3A_2169 = vector.broadcast %add3A_207 : i32 to vector<16xi32>
        %select_n3A_2170 = arith.select %gt3A_2165, %add3A_2168, %broadcast_in_dim3A_2169 : vector<16xi1>, vector<16xi32>
        %add3A_2171 = arith.constant 1168 : i32
        %add3A_2172 = arith.addi %multiple_of3A_229, %add3A_2171 : i32
        %get3A_2173 = arith.index_cast %add3A_2172 : i32 to index
        %get3A_2174 = tpu.vector_load %arg9[%get3A_2173] {strides = array<i32>} : memref<7680xi32, #tpu.memory_space<vmem>>, vector<16xi32>,
        %add3A_2175 = vector.broadcast %multiple_of3A : i32 to vector<16xi32>
        %add3A_2176 = arith.addi %get3A_2174, %add3A_2175 : vector<16xi32>
        %add3A_2177 = arith.constant 1408 : i32
        %add3A_2178 = arith.addi %multiple_of3A_229, %add3A_2177 : i32
        %get3A_2179 = arith.index_cast %add3A_2178 : i32 to index
        %get3A_2180 = tpu.vector_load %arg9[%get3A_2179] {strides = array<i32>} : memref<7680xi32, #tpu.memory_space<vmem>>, vector<16xi32>,
        %add3A_2181 = vector.broadcast %multiple_of3A : i32 to vector<16xi32>
        %add3A_2182 = arith.addi %get3A_2180, %add3A_2181 : vector<16xi32>
        %add3A_2183 = arith.constant 1648 : i32
        %add3A_2184 = arith.addi %multiple_of3A_229, %add3A_2183 : i32
        %get3A_2185 = arith.index_cast %add3A_2184 : i32 to index
        %get3A_2186 = tpu.vector_load %arg9[%get3A_2185] {strides = array<i32>} : memref<7680xi32, #tpu.memory_space<vmem>>, vector<16xi32>,
        %add3A_2187 = vector.broadcast %multiple_of3A : i32 to vector<16xi32>
        %add3A_2188 = arith.addi %get3A_2186, %add3A_2187 : vector<16xi32>
        %add3A_2189 = arith.constant 1888 : i32
        %add3A_2190 = arith.addi %multiple_of3A_229, %add3A_2189 : i32
        %get3A_2191 = arith.index_cast %add3A_2190 : i32 to index
        %get3A_2192 = tpu.vector_load %arg9[%get3A_2191] {strides = array<i32>} : memref<7680xi32, #tpu.memory_space<vmem>>, vector<16xi32>,
        %add3A_2193 = vector.broadcast %multiple_of3A : i32 to vector<16xi32>
        %add3A_2194 = arith.addi %get3A_2192, %add3A_2193 : vector<16xi32>
        %gather3A_2195 = tpu.vector_load_idx %arg8[%select_n3A_2146] : memref<83200xf32, #tpu.memory_space<vmem>>[vector<16xi32>], vector<16xf32>,
        %gather3A_2196 = tpu.vector_load_idx %arg8[%select_n3A_2154] : memref<83200xf32, #tpu.memory_space<vmem>>[vector<16xi32>], vector<16xf32>,
        %gather3A_2197 = tpu.vector_load_idx %arg8[%select_n3A_2162] : memref<83200xf32, #tpu.memory_space<vmem>>[vector<16xi32>], vector<16xf32>,
        %gather3A_2198 = tpu.vector_load_idx %arg8[%select_n3A_2170] : memref<83200xf32, #tpu.memory_space<vmem>>[vector<16xi32>], vector<16xf32>,
        %gather3A_2199 = tpu.vector_load_idx %arg8[%add3A_2176] : memref<83200xf32, #tpu.memory_space<vmem>>[vector<16xi32>], vector<16xf32>,
        %gather3A_2200 = tpu.vector_load_idx %arg8[%add3A_2182] : memref<83200xf32, #tpu.memory_space<vmem>>[vector<16xi32>], vector<16xf32>,
        %gather3A_2201 = tpu.vector_load_idx %arg8[%add3A_2188] : memref<83200xf32, #tpu.memory_space<vmem>>[vector<16xi32>], vector<16xf32>,
        %gather3A_2202 = tpu.vector_load_idx %arg8[%add3A_2194] : memref<83200xf32, #tpu.memory_space<vmem>>[vector<16xi32>], vector<16xf32>,
        %add3A_2203 = arith.addf %add3A_2059, %gather3A_2195 : vector<16xf32>
        %eq3A_2204 = arith.constant 0.000000e+00 : f32
        %eq3A_2205 = vector.broadcast %eq3A_2204 : f32 to vector<16xf32>
        %eq3A_2206 = arith.cmpf oeq, %gather3A_2195, %eq3A_2205 : vector<16xf32>
        %jit3A_2207 = arith.constant 0.000000e+00 : f32
        %jit3A_2208 = arith.constant 1.000000e+00 : f32
        %broadcast_in_dim3A_2209 = vector.broadcast %jit3A_2207 : f32 to vector<16xf32>
        %broadcast_in_dim3A_2210 = vector.broadcast %jit3A_2208 : f32 to vector<16xf32>
        %select_n3A_2211 = arith.select %eq3A_2206, %broadcast_in_dim3A_2209, %broadcast_in_dim3A_2210 : vector<16xi1>, vector<16xf32>
        %add3A_2212 = arith.addf %add3A_2068, %select_n3A_2211 : vector<16xf32>
        %add3A_2213 = arith.addf %add3A_2069, %gather3A_2196 : vector<16xf32>
        %eq3A_2214 = arith.constant 0.000000e+00 : f32
        %eq3A_2215 = vector.broadcast %eq3A_2214 : f32 to vector<16xf32>
        %eq3A_2216 = arith.cmpf oeq, %gather3A_2196, %eq3A_2215 : vector<16xf32>
        %jit3A_2217 = arith.constant 0.000000e+00 : f32
        %jit3A_2218 = arith.constant 1.000000e+00 : f32
        %broadcast_in_dim3A_2219 = vector.broadcast %jit3A_2217 : f32 to vector<16xf32>
        %broadcast_in_dim3A_2220 = vector.broadcast %jit3A_2218 : f32 to vector<16xf32>
        %select_n3A_2221 = arith.select %eq3A_2216, %broadcast_in_dim3A_2219, %broadcast_in_dim3A_2220 : vector<16xi1>, vector<16xf32>
        %add3A_2222 = arith.addf %add3A_2078, %select_n3A_2221 : vector<16xf32>
        %add3A_2223 = arith.addf %add3A_2079, %gather3A_2197 : vector<16xf32>
        %eq3A_2224 = arith.constant 0.000000e+00 : f32
        %eq3A_2225 = vector.broadcast %eq3A_2224 : f32 to vector<16xf32>
        %eq3A_2226 = arith.cmpf oeq, %gather3A_2197, %eq3A_2225 : vector<16xf32>
        %jit3A_2227 = arith.constant 0.000000e+00 : f32
        %jit3A_2228 = arith.constant 1.000000e+00 : f32
        %broadcast_in_dim3A_2229 = vector.broadcast %jit3A_2227 : f32 to vector<16xf32>
        %broadcast_in_dim3A_2230 = vector.broadcast %jit3A_2228 : f32 to vector<16xf32>
        %select_n3A_2231 = arith.select %eq3A_2226, %broadcast_in_dim3A_2229, %broadcast_in_dim3A_2230 : vector<16xi1>, vector<16xf32>
        %add3A_2232 = arith.addf %add3A_2088, %select_n3A_2231 : vector<16xf32>
        %add3A_2233 = arith.addf %add3A_2089, %gather3A_2198 : vector<16xf32>
        %eq3A_2234 = arith.constant 0.000000e+00 : f32
        %eq3A_2235 = vector.broadcast %eq3A_2234 : f32 to vector<16xf32>
        %eq3A_2236 = arith.cmpf oeq, %gather3A_2198, %eq3A_2235 : vector<16xf32>
        %jit3A_2237 = arith.constant 0.000000e+00 : f32
        %jit3A_2238 = arith.constant 1.000000e+00 : f32
        %broadcast_in_dim3A_2239 = vector.broadcast %jit3A_2237 : f32 to vector<16xf32>
        %broadcast_in_dim3A_2240 = vector.broadcast %jit3A_2238 : f32 to vector<16xf32>
        %select_n3A_2241 = arith.select %eq3A_2236, %broadcast_in_dim3A_2239, %broadcast_in_dim3A_2240 : vector<16xi1>, vector<16xf32>
        %add3A_2242 = arith.addf %add3A_2098, %select_n3A_2241 : vector<16xf32>
        %add3A_2243 = arith.addf %add3A_2099, %gather3A_2199 : vector<16xf32>
        %eq3A_2244 = arith.constant 0.000000e+00 : f32
        %eq3A_2245 = vector.broadcast %eq3A_2244 : f32 to vector<16xf32>
        %eq3A_2246 = arith.cmpf oeq, %gather3A_2199, %eq3A_2245 : vector<16xf32>
        %jit3A_2247 = arith.constant 0.000000e+00 : f32
        %jit3A_2248 = arith.constant 1.000000e+00 : f32
        %broadcast_in_dim3A_2249 = vector.broadcast %jit3A_2247 : f32 to vector<16xf32>
        %broadcast_in_dim3A_2250 = vector.broadcast %jit3A_2248 : f32 to vector<16xf32>
        %select_n3A_2251 = arith.select %eq3A_2246, %broadcast_in_dim3A_2249, %broadcast_in_dim3A_2250 : vector<16xi1>, vector<16xf32>
        %add3A_2252 = arith.addf %add3A_2108, %select_n3A_2251 : vector<16xf32>
        %add3A_2253 = arith.addf %add3A_2109, %gather3A_2200 : vector<16xf32>
        %eq3A_2254 = arith.constant 0.000000e+00 : f32
        %eq3A_2255 = vector.broadcast %eq3A_2254 : f32 to vector<16xf32>
        %eq3A_2256 = arith.cmpf oeq, %gather3A_2200, %eq3A_2255 : vector<16xf32>
        %jit3A_2257 = arith.constant 0.000000e+00 : f32
        %jit3A_2258 = arith.constant 1.000000e+00 : f32
        %broadcast_in_dim3A_2259 = vector.broadcast %jit3A_2257 : f32 to vector<16xf32>
        %broadcast_in_dim3A_2260 = vector.broadcast %jit3A_2258 : f32 to vector<16xf32>
        %select_n3A_2261 = arith.select %eq3A_2256, %broadcast_in_dim3A_2259, %broadcast_in_dim3A_2260 : vector<16xi1>, vector<16xf32>
        %add3A_2262 = arith.addf %add3A_2118, %select_n3A_2261 : vector<16xf32>
        %add3A_2263 = arith.addf %add3A_2119, %gather3A_2201 : vector<16xf32>
        %eq3A_2264 = arith.constant 0.000000e+00 : f32
        %eq3A_2265 = vector.broadcast %eq3A_2264 : f32 to vector<16xf32>
        %eq3A_2266 = arith.cmpf oeq, %gather3A_2201, %eq3A_2265 : vector<16xf32>
        %jit3A_2267 = arith.constant 0.000000e+00 : f32
        %jit3A_2268 = arith.constant 1.000000e+00 : f32
        %broadcast_in_dim3A_2269 = vector.broadcast %jit3A_2267 : f32 to vector<16xf32>
        %broadcast_in_dim3A_2270 = vector.broadcast %jit3A_2268 : f32 to vector<16xf32>
        %select_n3A_2271 = arith.select %eq3A_2266, %broadcast_in_dim3A_2269, %broadcast_in_dim3A_2270 : vector<16xi1>, vector<16xf32>
        %add3A_2272 = arith.addf %add3A_2128, %select_n3A_2271 : vector<16xf32>
        %add3A_2273 = arith.addf %add3A_2129, %gather3A_2202 : vector<16xf32>
        %eq3A_2274 = arith.constant 0.000000e+00 : f32
        %eq3A_2275 = vector.broadcast %eq3A_2274 : f32 to vector<16xf32>
        %eq3A_2276 = arith.cmpf oeq, %gather3A_2202, %eq3A_2275 : vector<16xf32>
        %jit3A_2277 = arith.constant 0.000000e+00 : f32
        %jit3A_2278 = arith.constant 1.000000e+00 : f32
        %broadcast_in_dim3A_2279 = vector.broadcast %jit3A_2277 : f32 to vector<16xf32>
        %broadcast_in_dim3A_2280 = vector.broadcast %jit3A_2278 : f32 to vector<16xf32>
        %select_n3A_2281 = arith.select %eq3A_2276, %broadcast_in_dim3A_2279, %broadcast_in_dim3A_2280 : vector<16xi1>, vector<16xf32>
        %add3A_2282 = arith.addf %add3A_2138, %select_n3A_2281 : vector<16xf32>
        %gt3A_2283 = arith.constant 14 : i32
        %gt3A_2284 = vector.broadcast %gt3A_2283 : i32 to vector<16xi32>
        %gt3A_2285 = arith.cmpi sgt, %get3A_256, %gt3A_2284 : vector<16xi32>
        %add3A_2286 = arith.constant 14 : i32
        %add3A_2287 = vector.broadcast %add3A_2286 : i32 to vector<16xi32>
        %add3A_2288 = arith.addi %add3A_234, %add3A_2287 : vector<16xi32>
        %broadcast_in_dim3A_2289 = vector.broadcast %add3A_207 : i32 to vector<16xi32>
        %select_n3A_2290 = arith.select %gt3A_2285, %add3A_2288, %broadcast_in_dim3A_2289 : vector<16xi1>, vector<16xi32>
        %gt3A_2291 = arith.constant 14 : i32
        %gt3A_2292 = vector.broadcast %gt3A_2291 : i32 to vector<16xi32>
        %gt3A_2293 = arith.cmpi sgt, %get3A_260, %gt3A_2292 : vector<16xi32>
        %add3A_2294 = arith.constant 14 : i32
        %add3A_2295 = vector.broadcast %add3A_2294 : i32 to vector<16xi32>
        %add3A_2296 = arith.addi %add3A_240, %add3A_2295 : vector<16xi32>
        %broadcast_in_dim3A_2297 = vector.broadcast %add3A_207 : i32 to vector<16xi32>
        %select_n3A_2298 = arith.select %gt3A_2293, %add3A_2296, %broadcast_in_dim3A_2297 : vector<16xi1>, vector<16xi32>
        %gt3A_2299 = arith.constant 14 : i32
        %gt3A_2300 = vector.broadcast %gt3A_2299 : i32 to vector<16xi32>
        %gt3A_2301 = arith.cmpi sgt, %get3A_264, %gt3A_2300 : vector<16xi32>
        %add3A_2302 = arith.constant 14 : i32
        %add3A_2303 = vector.broadcast %add3A_2302 : i32 to vector<16xi32>
        %add3A_2304 = arith.addi %add3A_246, %add3A_2303 : vector<16xi32>
        %broadcast_in_dim3A_2305 = vector.broadcast %add3A_207 : i32 to vector<16xi32>
        %select_n3A_2306 = arith.select %gt3A_2301, %add3A_2304, %broadcast_in_dim3A_2305 : vector<16xi1>, vector<16xi32>
        %gt3A_2307 = arith.constant 14 : i32
        %gt3A_2308 = vector.broadcast %gt3A_2307 : i32 to vector<16xi32>
        %gt3A_2309 = arith.cmpi sgt, %get3A_268, %gt3A_2308 : vector<16xi32>
        %add3A_2310 = arith.constant 14 : i32
        %add3A_2311 = vector.broadcast %add3A_2310 : i32 to vector<16xi32>
        %add3A_2312 = arith.addi %add3A_252, %add3A_2311 : vector<16xi32>
        %broadcast_in_dim3A_2313 = vector.broadcast %add3A_207 : i32 to vector<16xi32>
        %select_n3A_2314 = arith.select %gt3A_2309, %add3A_2312, %broadcast_in_dim3A_2313 : vector<16xi1>, vector<16xi32>
        %add3A_2315 = arith.constant 1184 : i32
        %add3A_2316 = arith.addi %multiple_of3A_229, %add3A_2315 : i32
        %get3A_2317 = arith.index_cast %add3A_2316 : i32 to index
        %get3A_2318 = tpu.vector_load %arg9[%get3A_2317] {strides = array<i32>} : memref<7680xi32, #tpu.memory_space<vmem>>, vector<16xi32>,
        %add3A_2319 = vector.broadcast %multiple_of3A : i32 to vector<16xi32>
        %add3A_2320 = arith.addi %get3A_2318, %add3A_2319 : vector<16xi32>
        %add3A_2321 = arith.constant 1424 : i32
        %add3A_2322 = arith.addi %multiple_of3A_229, %add3A_2321 : i32
        %get3A_2323 = arith.index_cast %add3A_2322 : i32 to index
        %get3A_2324 = tpu.vector_load %arg9[%get3A_2323] {strides = array<i32>} : memref<7680xi32, #tpu.memory_space<vmem>>, vector<16xi32>,
        %add3A_2325 = vector.broadcast %multiple_of3A : i32 to vector<16xi32>
        %add3A_2326 = arith.addi %get3A_2324, %add3A_2325 : vector<16xi32>
        %add3A_2327 = arith.constant 1664 : i32
        %add3A_2328 = arith.addi %multiple_of3A_229, %add3A_2327 : i32
        %get3A_2329 = arith.index_cast %add3A_2328 : i32 to index
        %get3A_2330 = tpu.vector_load %arg9[%get3A_2329] {strides = array<i32>} : memref<7680xi32, #tpu.memory_space<vmem>>, vector<16xi32>,
        %add3A_2331 = vector.broadcast %multiple_of3A : i32 to vector<16xi32>
        %add3A_2332 = arith.addi %get3A_2330, %add3A_2331 : vector<16xi32>
        %add3A_2333 = arith.constant 1904 : i32
        %add3A_2334 = arith.addi %multiple_of3A_229, %add3A_2333 : i32
        %get3A_2335 = arith.index_cast %add3A_2334 : i32 to index
        %get3A_2336 = tpu.vector_load %arg9[%get3A_2335] {strides = array<i32>} : memref<7680xi32, #tpu.memory_space<vmem>>, vector<16xi32>,
        %add3A_2337 = vector.broadcast %multiple_of3A : i32 to vector<16xi32>
        %add3A_2338 = arith.addi %get3A_2336, %add3A_2337 : vector<16xi32>
        %gather3A_2339 = tpu.vector_load_idx %arg8[%select_n3A_2290] : memref<83200xf32, #tpu.memory_space<vmem>>[vector<16xi32>], vector<16xf32>,
        %gather3A_2340 = tpu.vector_load_idx %arg8[%select_n3A_2298] : memref<83200xf32, #tpu.memory_space<vmem>>[vector<16xi32>], vector<16xf32>,
        %gather3A_2341 = tpu.vector_load_idx %arg8[%select_n3A_2306] : memref<83200xf32, #tpu.memory_space<vmem>>[vector<16xi32>], vector<16xf32>,
        %gather3A_2342 = tpu.vector_load_idx %arg8[%select_n3A_2314] : memref<83200xf32, #tpu.memory_space<vmem>>[vector<16xi32>], vector<16xf32>,
        %gather3A_2343 = tpu.vector_load_idx %arg8[%add3A_2320] : memref<83200xf32, #tpu.memory_space<vmem>>[vector<16xi32>], vector<16xf32>,
        %gather3A_2344 = tpu.vector_load_idx %arg8[%add3A_2326] : memref<83200xf32, #tpu.memory_space<vmem>>[vector<16xi32>], vector<16xf32>,
        %gather3A_2345 = tpu.vector_load_idx %arg8[%add3A_2332] : memref<83200xf32, #tpu.memory_space<vmem>>[vector<16xi32>], vector<16xf32>,
        %gather3A_2346 = tpu.vector_load_idx %arg8[%add3A_2338] : memref<83200xf32, #tpu.memory_space<vmem>>[vector<16xi32>], vector<16xf32>,
        %add3A_2347 = arith.addf %add3A_2203, %gather3A_2339 : vector<16xf32>
        %eq3A_2348 = arith.constant 0.000000e+00 : f32
        %eq3A_2349 = vector.broadcast %eq3A_2348 : f32 to vector<16xf32>
        %eq3A_2350 = arith.cmpf oeq, %gather3A_2339, %eq3A_2349 : vector<16xf32>
        %jit3A_2351 = arith.constant 0.000000e+00 : f32
        %jit3A_2352 = arith.constant 1.000000e+00 : f32
        %broadcast_in_dim3A_2353 = vector.broadcast %jit3A_2351 : f32 to vector<16xf32>
        %broadcast_in_dim3A_2354 = vector.broadcast %jit3A_2352 : f32 to vector<16xf32>
        %select_n3A_2355 = arith.select %eq3A_2350, %broadcast_in_dim3A_2353, %broadcast_in_dim3A_2354 : vector<16xi1>, vector<16xf32>
        %add3A_2356 = arith.addf %add3A_2212, %select_n3A_2355 : vector<16xf32>
        %add3A_2357 = arith.addf %add3A_2213, %gather3A_2340 : vector<16xf32>
        %eq3A_2358 = arith.constant 0.000000e+00 : f32
        %eq3A_2359 = vector.broadcast %eq3A_2358 : f32 to vector<16xf32>
        %eq3A_2360 = arith.cmpf oeq, %gather3A_2340, %eq3A_2359 : vector<16xf32>
        %jit3A_2361 = arith.constant 0.000000e+00 : f32
        %jit3A_2362 = arith.constant 1.000000e+00 : f32
        %broadcast_in_dim3A_2363 = vector.broadcast %jit3A_2361 : f32 to vector<16xf32>
        %broadcast_in_dim3A_2364 = vector.broadcast %jit3A_2362 : f32 to vector<16xf32>
        %select_n3A_2365 = arith.select %eq3A_2360, %broadcast_in_dim3A_2363, %broadcast_in_dim3A_2364 : vector<16xi1>, vector<16xf32>
        %add3A_2366 = arith.addf %add3A_2222, %select_n3A_2365 : vector<16xf32>
        %add3A_2367 = arith.addf %add3A_2223, %gather3A_2341 : vector<16xf32>
        %eq3A_2368 = arith.constant 0.000000e+00 : f32
        %eq3A_2369 = vector.broadcast %eq3A_2368 : f32 to vector<16xf32>
        %eq3A_2370 = arith.cmpf oeq, %gather3A_2341, %eq3A_2369 : vector<16xf32>
        %jit3A_2371 = arith.constant 0.000000e+00 : f32
        %jit3A_2372 = arith.constant 1.000000e+00 : f32
        %broadcast_in_dim3A_2373 = vector.broadcast %jit3A_2371 : f32 to vector<16xf32>
        %broadcast_in_dim3A_2374 = vector.broadcast %jit3A_2372 : f32 to vector<16xf32>
        %select_n3A_2375 = arith.select %eq3A_2370, %broadcast_in_dim3A_2373, %broadcast_in_dim3A_2374 : vector<16xi1>, vector<16xf32>
        %add3A_2376 = arith.addf %add3A_2232, %select_n3A_2375 : vector<16xf32>
        %add3A_2377 = arith.addf %add3A_2233, %gather3A_2342 : vector<16xf32>
        %eq3A_2378 = arith.constant 0.000000e+00 : f32
        %eq3A_2379 = vector.broadcast %eq3A_2378 : f32 to vector<16xf32>
        %eq3A_2380 = arith.cmpf oeq, %gather3A_2342, %eq3A_2379 : vector<16xf32>
        %jit3A_2381 = arith.constant 0.000000e+00 : f32
        %jit3A_2382 = arith.constant 1.000000e+00 : f32
        %broadcast_in_dim3A_2383 = vector.broadcast %jit3A_2381 : f32 to vector<16xf32>
        %broadcast_in_dim3A_2384 = vector.broadcast %jit3A_2382 : f32 to vector<16xf32>
        %select_n3A_2385 = arith.select %eq3A_2380, %broadcast_in_dim3A_2383, %broadcast_in_dim3A_2384 : vector<16xi1>, vector<16xf32>
        %add3A_2386 = arith.addf %add3A_2242, %select_n3A_2385 : vector<16xf32>
        %add3A_2387 = arith.addf %add3A_2243, %gather3A_2343 : vector<16xf32>
        %eq3A_2388 = arith.constant 0.000000e+00 : f32
        %eq3A_2389 = vector.broadcast %eq3A_2388 : f32 to vector<16xf32>
        %eq3A_2390 = arith.cmpf oeq, %gather3A_2343, %eq3A_2389 : vector<16xf32>
        %jit3A_2391 = arith.constant 0.000000e+00 : f32
        %jit3A_2392 = arith.constant 1.000000e+00 : f32
        %broadcast_in_dim3A_2393 = vector.broadcast %jit3A_2391 : f32 to vector<16xf32>
        %broadcast_in_dim3A_2394 = vector.broadcast %jit3A_2392 : f32 to vector<16xf32>
        %select_n3A_2395 = arith.select %eq3A_2390, %broadcast_in_dim3A_2393, %broadcast_in_dim3A_2394 : vector<16xi1>, vector<16xf32>
        %add3A_2396 = arith.addf %add3A_2252, %select_n3A_2395 : vector<16xf32>
        %add3A_2397 = arith.addf %add3A_2253, %gather3A_2344 : vector<16xf32>
        %eq3A_2398 = arith.constant 0.000000e+00 : f32
        %eq3A_2399 = vector.broadcast %eq3A_2398 : f32 to vector<16xf32>
        %eq3A_2400 = arith.cmpf oeq, %gather3A_2344, %eq3A_2399 : vector<16xf32>
        %jit3A_2401 = arith.constant 0.000000e+00 : f32
        %jit3A_2402 = arith.constant 1.000000e+00 : f32
        %broadcast_in_dim3A_2403 = vector.broadcast %jit3A_2401 : f32 to vector<16xf32>
        %broadcast_in_dim3A_2404 = vector.broadcast %jit3A_2402 : f32 to vector<16xf32>
        %select_n3A_2405 = arith.select %eq3A_2400, %broadcast_in_dim3A_2403, %broadcast_in_dim3A_2404 : vector<16xi1>, vector<16xf32>
        %add3A_2406 = arith.addf %add3A_2262, %select_n3A_2405 : vector<16xf32>
        %add3A_2407 = arith.addf %add3A_2263, %gather3A_2345 : vector<16xf32>
        %eq3A_2408 = arith.constant 0.000000e+00 : f32
        %eq3A_2409 = vector.broadcast %eq3A_2408 : f32 to vector<16xf32>
        %eq3A_2410 = arith.cmpf oeq, %gather3A_2345, %eq3A_2409 : vector<16xf32>
        %jit3A_2411 = arith.constant 0.000000e+00 : f32
        %jit3A_2412 = arith.constant 1.000000e+00 : f32
        %broadcast_in_dim3A_2413 = vector.broadcast %jit3A_2411 : f32 to vector<16xf32>
        %broadcast_in_dim3A_2414 = vector.broadcast %jit3A_2412 : f32 to vector<16xf32>
        %select_n3A_2415 = arith.select %eq3A_2410, %broadcast_in_dim3A_2413, %broadcast_in_dim3A_2414 : vector<16xi1>, vector<16xf32>
        %add3A_2416 = arith.addf %add3A_2272, %select_n3A_2415 : vector<16xf32>
        %add3A_2417 = arith.addf %add3A_2273, %gather3A_2346 : vector<16xf32>
        %eq3A_2418 = arith.constant 0.000000e+00 : f32
        %eq3A_2419 = vector.broadcast %eq3A_2418 : f32 to vector<16xf32>
        %eq3A_2420 = arith.cmpf oeq, %gather3A_2346, %eq3A_2419 : vector<16xf32>
        %jit3A_2421 = arith.constant 0.000000e+00 : f32
        %jit3A_2422 = arith.constant 1.000000e+00 : f32
        %broadcast_in_dim3A_2423 = vector.broadcast %jit3A_2421 : f32 to vector<16xf32>
        %broadcast_in_dim3A_2424 = vector.broadcast %jit3A_2422 : f32 to vector<16xf32>
        %select_n3A_2425 = arith.select %eq3A_2420, %broadcast_in_dim3A_2423, %broadcast_in_dim3A_2424 : vector<16xi1>, vector<16xf32>
        %add3A_2426 = arith.addf %add3A_2282, %select_n3A_2425 : vector<16xf32>
        %max3A = arith.constant 1.000000e+00 : f32
        %max3A_2427 = vector.broadcast %max3A : f32 to vector<16xf32>
        %max3A_2428 = arith.maximumf %add3A_2356, %max3A_2427 : vector<16xf32>
        %div3A_2429 = arith.divf %add3A_2347, %max3A_2428 : vector<16xf32>
        %add3A_2430 = arith.constant 0 : i32
        %add3A_2431 = arith.addi %multiple_of3A_226, %add3A_2430 : i32
        %swap3A_2432 = arith.index_cast %scan3A_195 : i32 to index
        %swap3A_2433 = arith.index_cast %add3A_2431 : i32 to index
        %swap3A_2434 = tpu.vector_load %arg7[%swap3A_2432, %swap3A_2433] {strides = array<i32>} : memref<40x512xf32, #tpu.memory_space<vmem>>, vector<16xf32>,
        tpu.vector_store %arg7[%swap3A_2432, %swap3A_2433], %div3A_2429 {strides = array<i32>} : memref<40x512xf32, #tpu.memory_space<vmem>>, vector<16xf32>,
        %max3A_2435 = arith.constant 1.000000e+00 : f32
        %max3A_2436 = vector.broadcast %max3A_2435 : f32 to vector<16xf32>
        %max3A_2437 = arith.maximumf %add3A_2366, %max3A_2436 : vector<16xf32>
        %div3A_2438 = arith.divf %add3A_2357, %max3A_2437 : vector<16xf32>
        %add3A_2439 = arith.constant 16 : i32
        %add3A_2440 = arith.addi %multiple_of3A_226, %add3A_2439 : i32
        %swap3A_2441 = arith.index_cast %scan3A_195 : i32 to index
        %swap3A_2442 = arith.index_cast %add3A_2440 : i32 to index
        %swap3A_2443 = tpu.vector_load %arg7[%swap3A_2441, %swap3A_2442] {strides = array<i32>} : memref<40x512xf32, #tpu.memory_space<vmem>>, vector<16xf32>,
        tpu.vector_store %arg7[%swap3A_2441, %swap3A_2442], %div3A_2438 {strides = array<i32>} : memref<40x512xf32, #tpu.memory_space<vmem>>, vector<16xf32>,
        %max3A_2444 = arith.constant 1.000000e+00 : f32
        %max3A_2445 = vector.broadcast %max3A_2444 : f32 to vector<16xf32>
        %max3A_2446 = arith.maximumf %add3A_2376, %max3A_2445 : vector<16xf32>
        %div3A_2447 = arith.divf %add3A_2367, %max3A_2446 : vector<16xf32>
        %add3A_2448 = arith.constant 32 : i32
        %add3A_2449 = arith.addi %multiple_of3A_226, %add3A_2448 : i32
        %swap3A_2450 = arith.index_cast %scan3A_195 : i32 to index
        %swap3A_2451 = arith.index_cast %add3A_2449 : i32 to index
        %swap3A_2452 = tpu.vector_load %arg7[%swap3A_2450, %swap3A_2451] {strides = array<i32>} : memref<40x512xf32, #tpu.memory_space<vmem>>, vector<16xf32>,
        tpu.vector_store %arg7[%swap3A_2450, %swap3A_2451], %div3A_2447 {strides = array<i32>} : memref<40x512xf32, #tpu.memory_space<vmem>>, vector<16xf32>,
        %max3A_2453 = arith.constant 1.000000e+00 : f32
        %max3A_2454 = vector.broadcast %max3A_2453 : f32 to vector<16xf32>
        %max3A_2455 = arith.maximumf %add3A_2386, %max3A_2454 : vector<16xf32>
        %div3A_2456 = arith.divf %add3A_2377, %max3A_2455 : vector<16xf32>
        %add3A_2457 = arith.constant 48 : i32
        %add3A_2458 = arith.addi %multiple_of3A_226, %add3A_2457 : i32
        %swap3A_2459 = arith.index_cast %scan3A_195 : i32 to index
        %swap3A_2460 = arith.index_cast %add3A_2458 : i32 to index
        %swap3A_2461 = tpu.vector_load %arg7[%swap3A_2459, %swap3A_2460] {strides = array<i32>} : memref<40x512xf32, #tpu.memory_space<vmem>>, vector<16xf32>,
        tpu.vector_store %arg7[%swap3A_2459, %swap3A_2460], %div3A_2456 {strides = array<i32>} : memref<40x512xf32, #tpu.memory_space<vmem>>, vector<16xf32>,
        %max3A_2462 = arith.constant 1.000000e+00 : f32
        %max3A_2463 = vector.broadcast %max3A_2462 : f32 to vector<16xf32>
        %max3A_2464 = arith.maximumf %add3A_2396, %max3A_2463 : vector<16xf32>
        %div3A_2465 = arith.divf %add3A_2387, %max3A_2464 : vector<16xf32>
        %add3A_2466 = arith.constant 64 : i32
        %add3A_2467 = arith.addi %multiple_of3A_226, %add3A_2466 : i32
        %swap3A_2468 = arith.index_cast %scan3A_195 : i32 to index
        %swap3A_2469 = arith.index_cast %add3A_2467 : i32 to index
        %swap3A_2470 = tpu.vector_load %arg7[%swap3A_2468, %swap3A_2469] {strides = array<i32>} : memref<40x512xf32, #tpu.memory_space<vmem>>, vector<16xf32>,
        tpu.vector_store %arg7[%swap3A_2468, %swap3A_2469], %div3A_2465 {strides = array<i32>} : memref<40x512xf32, #tpu.memory_space<vmem>>, vector<16xf32>,
        %max3A_2471 = arith.constant 1.000000e+00 : f32
        %max3A_2472 = vector.broadcast %max3A_2471 : f32 to vector<16xf32>
        %max3A_2473 = arith.maximumf %add3A_2406, %max3A_2472 : vector<16xf32>
        %div3A_2474 = arith.divf %add3A_2397, %max3A_2473 : vector<16xf32>
        %add3A_2475 = arith.constant 80 : i32
        %add3A_2476 = arith.addi %multiple_of3A_226, %add3A_2475 : i32
        %swap3A_2477 = arith.index_cast %scan3A_195 : i32 to index
        %swap3A_2478 = arith.index_cast %add3A_2476 : i32 to index
        %swap3A_2479 = tpu.vector_load %arg7[%swap3A_2477, %swap3A_2478] {strides = array<i32>} : memref<40x512xf32, #tpu.memory_space<vmem>>, vector<16xf32>,
        tpu.vector_store %arg7[%swap3A_2477, %swap3A_2478], %div3A_2474 {strides = array<i32>} : memref<40x512xf32, #tpu.memory_space<vmem>>, vector<16xf32>,
        %max3A_2480 = arith.constant 1.000000e+00 : f32
        %max3A_2481 = vector.broadcast %max3A_2480 : f32 to vector<16xf32>
        %max3A_2482 = arith.maximumf %add3A_2416, %max3A_2481 : vector<16xf32>
        %div3A_2483 = arith.divf %add3A_2407, %max3A_2482 : vector<16xf32>
        %add3A_2484 = arith.constant 96 : i32
        %add3A_2485 = arith.addi %multiple_of3A_226, %add3A_2484 : i32
        %swap3A_2486 = arith.index_cast %scan3A_195 : i32 to index
        %swap3A_2487 = arith.index_cast %add3A_2485 : i32 to index
        %swap3A_2488 = tpu.vector_load %arg7[%swap3A_2486, %swap3A_2487] {strides = array<i32>} : memref<40x512xf32, #tpu.memory_space<vmem>>, vector<16xf32>,
        tpu.vector_store %arg7[%swap3A_2486, %swap3A_2487], %div3A_2483 {strides = array<i32>} : memref<40x512xf32, #tpu.memory_space<vmem>>, vector<16xf32>,
        %max3A_2489 = arith.constant 1.000000e+00 : f32
        %max3A_2490 = vector.broadcast %max3A_2489 : f32 to vector<16xf32>
        %max3A_2491 = arith.maximumf %add3A_2426, %max3A_2490 : vector<16xf32>
        %div3A_2492 = arith.divf %add3A_2417, %max3A_2491 : vector<16xf32>
        %add3A_2493 = arith.constant 112 : i32
        %add3A_2494 = arith.addi %multiple_of3A_226, %add3A_2493 : i32
        %swap3A_2495 = arith.index_cast %scan3A_195 : i32 to index
        %swap3A_2496 = arith.index_cast %add3A_2494 : i32 to index
        %swap3A_2497 = tpu.vector_load %arg7[%swap3A_2495, %swap3A_2496] {strides = array<i32>} : memref<40x512xf32, #tpu.memory_space<vmem>>, vector<16xf32>,
        tpu.vector_store %arg7[%swap3A_2495, %swap3A_2496], %div3A_2492 {strides = array<i32>} : memref<40x512xf32, #tpu.memory_space<vmem>>, vector<16xf32>,
        %scan3A_2498 = arith.constant 0 : i32
        scf.yield %scan3A_2498 : i32
      }
      %scan3A_214 = arith.constant 4 : i32
      %lt3A_215 = arith.constant 30 : i32
      %lt3A_216 = arith.cmpi slt, %scan3A_195, %lt3A_215 : i32
      %convert_element_type3A = arith.extui %lt3A_216 : i1 to i32
      %cond3A = arith.constant 0 : i32
      %cond3A_217 = arith.cmpi ne, %convert_element_type3A, %cond3A : i32
      scf.if %cond3A_217 {
        %add3A_222 = arith.addi %mul3A_32, %scan3A_195 : i32
        %add3A_223 = arith.constant 10 : i32
        %add3A_224 = arith.addi %add3A_222, %add3A_223 : i32
        %dma_start3A_225 = tpu.memref_slice %arg8[%multiple_of3A] : memref<83200xf32, #tpu.memory_space<vmem>> -> memref<8192xf32, #tpu.memory_space<vmem>>
        %dma_start3A_226 = arith.constant 0 : i32
        %dma_start3A_227 = tpu.memref_slice %arg2[%select_n3A, %add3A_224, %dma_start3A_226] : memref<16x80x8192xf32, #tpu.memory_space<hbm>> -> memref<1x1x8192xf32, #tpu.memory_space<hbm>>
        %dma_start3A_228 = tpu.memref_squeeze %dma_start3A_227 : memref<1x1x8192xf32, #tpu.memory_space<hbm>> -> memref<8192xf32, #tpu.memory_space<hbm>>
        %dma_start3A_229 = tpu.memref_slice %arg8[%multiple_of3A] : memref<83200xf32, #tpu.memory_space<vmem>> -> memref<8192xf32, #tpu.memory_space<vmem>>
        %dma_start3A_230 = arith.constant 0 : i32
        %dma_start3A_231 = tpu.memref_slice %arg2[%select_n3A, %add3A_224, %dma_start3A_230] : memref<16x80x8192xf32, #tpu.memory_space<hbm>> -> memref<1x1x8192xf32, #tpu.memory_space<hbm>>
        %dma_start3A_232 = tpu.memref_squeeze %dma_start3A_231 : memref<1x1x8192xf32, #tpu.memory_space<hbm>> -> memref<8192xf32, #tpu.memory_space<hbm>>
        tpu.enqueue_dma source(%dma_start3A_232 : memref<8192xf32, #tpu.memory_space<hbm>>) target(%dma_start3A_229 : memref<8192xf32, #tpu.memory_space<vmem>>) target_semaphore(%arg10 : memref<!tpu.dma_semaphore, #tpu.memory_space<semaphore_mem>>)
      } else {
      }
      %add3A_218 = arith.constant 1 : i32
      %add3A_219 = arith.addi %scan3A_196, %add3A_218 : i32
      %rem3A_220 = arith.constant 10 : i32
      %rem3A_221 = arith.remsi %add3A_219, %rem3A_220 : i32
      scf.yield %rem3A_221 : i32
    }
    %scan3A_194 = arith.constant 40 : i32
    "tpu.region"() ({
      %run_scoped3A = tpu.sem_alloc : memref<!tpu.dma_semaphore, #tpu.memory_space<semaphore_mem>>
      %dma_start3A_195 = arith.constant 0 : i32
      %dma_start3A_196 = tpu.memref_slice %arg4[%select_n3A, %mul3A_32, %dma_start3A_195] : memref<16x80x512xf32, #tpu.memory_space<hbm>> -> memref<1x40x512xf32, #tpu.memory_space<hbm>>
      %dma_start3A_197 = tpu.memref_squeeze %dma_start3A_196 : memref<1x40x512xf32, #tpu.memory_space<hbm>> -> memref<40x512xf32, #tpu.memory_space<hbm>>
      %dma_start3A_198 = arith.constant 0 : i32
      %dma_start3A_199 = tpu.memref_slice %arg4[%select_n3A, %mul3A_32, %dma_start3A_198] : memref<16x80x512xf32, #tpu.memory_space<hbm>> -> memref<1x40x512xf32, #tpu.memory_space<hbm>>
      %dma_start3A_200 = tpu.memref_squeeze %dma_start3A_199 : memref<1x40x512xf32, #tpu.memory_space<hbm>> -> memref<40x512xf32, #tpu.memory_space<hbm>>
      tpu.enqueue_dma source(%arg7 : memref<40x512xf32, #tpu.memory_space<vmem>>) target(%dma_start3A_200 : memref<40x512xf32, #tpu.memory_space<hbm>>) target_semaphore(%run_scoped3A : memref<!tpu.dma_semaphore, #tpu.memory_space<semaphore_mem>>)
      %dma_wait3A = arith.constant 0 : i32
      %dma_wait3A_201 = tpu.memref_slice %arg4[%select_n3A, %mul3A_32, %dma_wait3A] : memref<16x80x512xf32, #tpu.memory_space<hbm>> -> memref<1x40x512xf32, #tpu.memory_space<hbm>>
      %dma_wait3A_202 = tpu.memref_squeeze %dma_wait3A_201 : memref<1x40x512xf32, #tpu.memory_space<hbm>> -> memref<40x512xf32, #tpu.memory_space<hbm>>
      %dma_wait3A_203 = arith.constant 0 : i32
      %dma_wait3A_204 = tpu.memref_slice %arg4[%select_n3A, %mul3A_32, %dma_wait3A_203] : memref<16x80x512xf32, #tpu.memory_space<hbm>> -> memref<1x40x512xf32, #tpu.memory_space<hbm>>
      %dma_wait3A_205 = tpu.memref_squeeze %dma_wait3A_204 : memref<1x40x512xf32, #tpu.memory_space<hbm>> -> memref<40x512xf32, #tpu.memory_space<hbm>>
      tpu.wait_dma2 semaphore(%run_scoped3A : memref<!tpu.dma_semaphore, #tpu.memory_space<semaphore_mem>>) src(%arg7 : memref<40x512xf32, #tpu.memory_space<vmem>>) dst(%dma_wait3A_205 : memref<40x512xf32, #tpu.memory_space<hbm>>)
      tpu.yield
    }) : () -> ()
    return
  }
}

</mosaic_0001>

<sc_bundles>
// kernel: kernel.3.cloned.1.call-start
scs
__scs_entry_jumppad:
0x0: {  	(pc) =	sbr.rel $0x88, $3  }
0x1: {  	(tag) =	ssettag $0x0;
	lr =	simm.s32 $0x1  }
0x2: {  	[smem:$0x3F9F] =	sst lr;
	_ =	strace $0xD0000000  }
0x3: {  	_ = 	snop  }
0x4: {  	_ = 	snop  }
0x5: {  	_ = 	snop  }
0x6: {  	_ = 	snop  }
0x7: {  	_ = 	snop  }
__scs_overlays_trampoline_lowered:
0x8: {  	[smem:$0x3FAE] =	sst s0  }
0x9: {  	[smem:$0x3FAF] =	sst s1  }
0xa: {  	[smem:$0x3FB0] =	sst s2  }
0xb: {  	[smem:$0x3FB1] =	sst s3  }
0xc: {  	[smem:$0x3FB2] =	sst s4  }
0xd: {  	[smem:$0x3FB3] =	sst s5  }
0xe: {  	[smem:$0x3FB4] =	sst s6  }
0xf: {  	[smem:$0x3FB5] =	sst s7  }
0x10: {  	[smem:$0x3FB6] =	sst s8  }
0x11: {  	[smem:$0x3FB7] =	sst s9;
	s0 =	simm.s32 @!p0 $0x0  }
0x12: {  	s1 =	sld [smem:$0x3F9D];
	s0 =	simm.s32 @p0 $0x1  }
0x13: {  	[smem:$0x3FB8] =	sst s0;
	s0 =	simm.s32 @!p1 $0x0  }
0x14: {  	s2 =	sld [smem:$0x3F9C];
	s0 =	simm.s32 @p1 $0x1  }
0x15: {  	[smem:$0x3FB9] =	sst s0;
	s0 =	simm.s32 @!p2 $0x0  }
0x16: {  	s3 =	sld [smem:$0x3FDB];
	s0 =	simm.s32 @p2 $0x1  }
0x17: {  	s4 =	simm.s32 $0x1BF5;
	[smem:$0x3FBB] =	sst s0  }
0x18: {  	s0 =	sld [smem:$0x3F9E];
	_ =	swait.ge [sflag:s4], $0x0  }
0x19: {  	s7 =	sld [smem:$0x3F9F]  }
0x1a: {  	s8 =	sadd.s32 $0xFFFFE003, lr  }
0x1b: {  	s9 =	sadd.s32 $0xFFFFFEF7, lr;
	s5 =	simm.s32 $0xFFFFFFFF;
	p2 =	slt.u32 s8, $0xFFFFF086  }
0x1c: {  	p1 =	slt.u32 s9, $0xF7A;
	s5 =	simm.s32 @!p2 $0x0  }
0x1d: {  	s5 =	simm.s32 @p1 $0x1;
	p0 =	seq.s32 s7, s2  }
0x1e: {  	s7 =	smul.u32 @!p0 $0xF7A, s2;
	p2 =	seq.s32 @!p0 s5, $0x0  }
0x1f: {  	s9 =	smul.u32 $0xF7A, s1;
	s8 =	simm.s32 @!p0 $0x1BF5;
	p2 =	por !p2, p0  }
0x20: {  	[sflag:s8] =	ssyncset.s32 @!p0 $0xFFFFF086;
	s6 =	sadd.s32 @!p0 s3, s7;
	s7 =	simm.s32 @!p0 $0x108  }
0x21: {  	s3 =	sadd.s32 s3, s9;
	s6 =	sadd.s32 @!p0 $0x88, s6;
	s7 =	simm.s32 @p2 $0x1082  }
0x22: {  	[simem:s7], [sflag:s8] =	dma.local @!p0 [hbm:s6], $0xF7A  }
0x23: {  	s9 =	sor.u32 $0xD0000000, s2;
	s6 =	simm.s32 $0x108;
	_ =	swait.ge @!p0 [sflag:s8], $0x0  }
0x24: {  	s3 =	sadd.s32 $0x88, s3;
	s6 =	simm.s32 @!p1 $0x1082;
	[sflag:s4] =	ssyncset.s32 $0xFFFFF086  }
0x25: {  	[simem:s6], [sflag:s4] =	dma.local [hbm:s3], $0xF7A  }
0x26: {  	[smem:$0x3F9F] =	sst s1;
	(tag) =	ssettag s2;
	_ =	strace s9  }
0x27: {  	s1 =	sld [smem:$0x3FAF]  }
0x28: {  	s2 =	sld [smem:$0x3FB0]  }
0x29: {  	s4 =	sld [smem:$0x3FB2]  }
0x2a: {  	p0 =	seq.s32 s5, $0x0;
	s5 =	sld [smem:$0x3FB3]  }
0x2b: {  	s6 =	sld [smem:$0x3FB4]  }
0x2c: {  	s7 =	sld [smem:$0x3FB5]  }
0x2d: {  	s3 =	simm.s32 $0x108;
	s8 =	sld [smem:$0x3FB6]  }
0x2e: {  	s3 =	simm.s32 @!p0 $0x1082;
	s9 =	sld [smem:$0x3FB7]  }
0x2f: {  	lr =	sadd.s32 s0, s3;
	s0 =	sld [smem:$0x3FAE]  }
0x30: {  	s3 =	sld [smem:$0x3FB1]  }
0x31: {  	[smem:$0x3FBA] =	sst s10  }
0x32: {  	s10 =	sld [smem:$0x3FB8];
	_ =	sdelay $0x3  }
0x33: {  	p0 =	seq.s32 s10, $0x1;
	s10 =	sld [smem:$0x3FBA];
	_ =	sdelay $0x3  }
0x34: {  	[smem:$0x3FBA] =	sst s10  }
0x35: {  	s10 =	sld [smem:$0x3FB9];
	_ =	sdelay $0x3  }
0x36: {  	p1 =	seq.s32 s10, $0x1;
	s10 =	sld [smem:$0x3FBA];
	_ =	sdelay $0x3  }
0x37: {  	[smem:$0x3FBA] =	sst s10  }
0x38: {  	s10 =	sld [smem:$0x3FBB]  }
0x39: {  	_ = 	snop;
	(pc) =	sbr.ind lr, $3  }
0x3a: {  	_ = 	snop  }
0x3b: {  	_ = 	snop  }
0x3c: {  	p2 =	seq.s32 s10, $0x1;
	s10 =	sld [smem:$0x3FBA]  }
0x3d: {  	_ =	shalt  }
0x3e: {  	_ =	shalt  }
0x3f: {  	_ =	shalt  }
0x40: {  	_ =	shalt  }
0x41: {  	_ =	shalt  }
0x42: {  	_ =	shalt  }
0x43: {  	_ =	shalt  }
0x44: {  	_ =	shalt  }
0x45: {  	_ =	shalt  }
0x46: {  	_ =	shalt  }
0x47: {  	_ =	shalt  }
0x48: {  	_ =	shalt  }
0x49: {  	_ =	shalt  }
0x4a: {  	_ =	shalt  }
0x4b: {  	_ =	shalt  }
0x4c: {  	_ =	shalt  }
0x4d: {  	_ =	shalt  }
0x4e: {  	_ =	shalt  }
0x4f: {  	_ =	shalt  }
0x50: {  	_ =	shalt  }
0x51: {  	_ =	shalt  }
0x52: {  	_ =	shalt  }
0x53: {  	_ =	shalt  }
0x54: {  	_ =	shalt  }
0x55: {  	_ =	shalt  }
0x56: {  	_ =	shalt  }
0x57: {  	_ =	shalt  }
0x58: {  	_ =	shalt  }
0x59: {  	_ =	shalt  }
0x5a: {  	_ =	shalt  }
0x5b: {  	_ =	shalt  }
0x5c: {  	_ =	shalt  }
0x5d: {  	_ =	shalt  }
0x5e: {  	_ =	shalt  }
0x5f: {  	_ =	shalt  }
0x60: {  	_ =	shalt  }
0x61: {  	_ =	shalt  }
0x62: {  	_ =	shalt  }
0x63: {  	_ =	shalt  }
0x64: {  	_ =	shalt  }
0x65: {  	_ =	shalt  }
0x66: {  	_ =	shalt  }
0x67: {  	_ =	shalt  }
0x68: {  	_ =	shalt  }
0x69: {  	_ =	shalt  }
0x6a: {  	_ =	shalt  }
0x6b: {  	_ =	shalt  }
0x6c: {  	_ =	shalt  }
0x6d: {  	_ =	shalt  }
0x6e: {  	_ =	shalt  }
0x6f: {  	_ =	shalt  }
0x70: {  	_ =	shalt  }
0x71: {  	_ =	shalt  }
0x72: {  	_ =	shalt  }
0x73: {  	_ =	shalt  }
0x74: {  	_ =	shalt  }
0x75: {  	_ =	shalt  }
0x76: {  	_ =	shalt  }
0x77: {  	_ =	shalt  }
0x78: {  	_ =	shalt  }
0x79: {  	_ =	shalt  }
0x7a: {  	_ =	shalt  }
0x7b: {  	_ =	shalt  }
0x7c: {  	_ =	shalt  }
0x7d: {  	_ =	shalt  }
0x7e: {  	_ =	shalt  }
0x7f: {  	_ =	shalt  }
0x80: {  	_ =	shalt  }
0x81: {  	_ =	shalt  }
0x82: {  	_ =	shalt  }
0x83: {  	_ =	shalt  }
0x84: {  	_ =	shalt  }
0x85: {  	_ =	shalt  }
0x86: {  	_ =	shalt  }
0x87: {  	_ =	shalt  }
.Lfunc_end0:
.L_simem_size_0:
called_computation_lowered:
.L_overlay_start_0:
0x88: {  	s2 =	sld [smem:$0x3FD9]  }
0x89: {  	s3 =	sld [smem:$0x3FFE];
	_ =	sdelay $0x1  }
0x8a: {  	s1 =	srdreg.scid  }
0x8b: {  	s0 =	sand.u32 $0x1, s1  }
0x8c: {  	s18 =	sshll.u32 s0, $0xA;
	s2 =	sadd.s32 s3, s2  }
0x8d: {  	s2 =	sadd.s32 s2, s18  }
0x8e: {  	[smem:$0x3FC6] =	sst s2  }
0x8f: {  	_ = 	snop  }
0x90: {  	s2 =	sld [smem:$0x3FC9]  }
0x91: {  	s19 =	sld [smem:$0x3FC8]  }
0x92: {  	s4 =	sld [smem:$0x3FD0];
	(tm) =	ssettm $0x1  }
0x93: {  	s5 =	sld [smem:$0x3FFB];
	_ =	sdelay $0x3  }
0x94: {  	_ =	strace s5  }
0x95: {  	s5 =	sld [smem:$0x3FFC];
	_ =	sdelay $0x3  }
0x96: {  	_ =	strace s5  }
0x97: {  	s5 =	sld [smem:$0x3FFD];
	_ =	sdelay $0x3  }
0x98: {  	_ =	strace s5  }
0x99: {  	_ =	strace $0x8FFFFFFF  }
0x9a: {  	s20 =	sld [smem:$0x3FDB];
	_ =	sdelay $0x1  }
0x9b: {  	s6 =	simm.s32 $_scs_section_size  }
0x9c: {  	s7 =	simm.s32 $_size__tile_overlayer_lowered;
	s8 =	simm.s32 $_tile_overlayer_lowered  }
0x9d: {  	s23 =	simm.s32 $0x1BFF;
	s22 =	sshll.u32 s8, $0x1;
	s5 =	sadd.s32 s6, s20  }
0x9e: {  	s9 =	simm.s32 $0x0;
	s21 =	sshll.u32 s7, $0x1;
	s7 =	sadd.s32 s22, s5  }
0x9f: {  	[timem:s9], [sflag:s23] =	dma.local [hbm:s7], s21  }
0xa0: {  	_ =	swait.ge [sflag:s23], s21  }
0xa1: {  	s6 =	ssub.s32 $0x0, s21;
	[sflag:s23] =	ssyncset.done $0x0  }
0xa2: {  	[sflag:s23] =	ssyncadd.s32 s6;
	_ =	sdelay $0x1  }
0xa3: {  	s24 =	simm.s32 $0x1B8B  }
0xa4: {  	_ =	swait.ge [sflag:s24], $0x1  }
0xa5: {  	[sflag:s24] =	ssyncset.done $0x0  }
0xa6: {  	s25 =	simm.s32 $0x1B8E;
	[sflag:s24] =	ssyncadd.s32 $0xFFFFFFFF  }
0xa7: {  	s26 =	simm.s32 $execute0_lowered;
	[smem:$0x3FD2] =	sst s25  }
0xa8: {  	s6 =	sshll.u32 s26, $0x1;
	_ =	strace $0x80000046;
	[dreg:$0x1] =	wrdreg $0xFFFFFFFF  }
0xa9: {  	s28 =	simm.s32 $_size_execute0_lowered;
	s5 =	sadd.s32 s5, s6;
	[dreg:$0x0] =	wrdreg $0x0  }
0xaa: {  	s6 =	sshll.u32 s28, $0x1;
	[dreg:$0x2] =	wrdreg s5  }
0xab: {  	[dreg:$0x3] =	wrdreg s6  }
0xac: {  	[dreg:$0x4] =	wrdreg $0xC0  }
0xad: {  	_ =	task [dreg:s9], $0x5FFFF  }
0xae: {  	[dreg:$0x1] =	wrdreg $0xFFFFFFFF  }
0xaf: {  	[dreg:$0x0] =	wrdreg $0x60  }
0xb0: {  	[dreg:$0x2] =	wrdreg s2  }
0xb1: {  	[dreg:$0x3] =	wrdreg s19  }
0xb2: {  	[dreg:$0x4] =	wrdreg s4  }
0xb3: {  	[dreg:$0x5] =	wrdreg $0x9  }
0xb4: {  	_ =	task.clear_ibuf [dreg:s9], $0x6FFFF;
	_ =	strace $0x90000046  }
0xb5: {  	s29 =	simm.s32 $0x9;
	_ =	strace $0x80000048  }
0xb6: {  	_ =	swait.ge [sflag:s29], $0x1  }
0xb7: {  	[sflag:s29] =	ssyncadd.s32 $0xFFFFFFFF  }
0xb8: {  	_ =	strace $0x90000048  }
0xb9: {  	_ =	sfence  }
0xba: {  	s30 =	sld [smem:$0x0];
	_ =	sdelay $0x2  }
0xbb: {  	s31 =	sshll.u32 s1, $0xD;
	s1 =	sshrl.u32 s1, $0x2  }
0xbc: {  	s3 =	sand.u32 $0x4000, s31;
	s1 =	sadd.s32 s1, s30  }
0xbd: {  	s0 =	sor.u32 s3, s0;
	s1 =	sshll.u32 s1, $0x11  }
0xbe: {  	s0 =	sor.u32 s1, s0  }
0xbf: {  	s0 =	sadd.s32 $0x8F2B, s0  }
0xc0: {  	[sflag:s0] =	ssyncadd.remote.s32 $0x1  }
0xc1: {  	_ =	sfence.sel $0xFFFF  }
0xc2: {  	[dreg:$0x0] =	wrdreg $0xFFFFFFFF;
	(pc) =	sbr.abs _section_cstart, $3  }
0xc3: {  	[dreg:$0x1] =	wrdreg $0xFFFFFFFF  }
0xc4: {  	_ =	task.clear_ibuf [dreg:s9], $0x2FFFF;
	_ =	strace $0x9FFFFFFF  }
0xc5: {  	(tm) =	ssettm $0x7FFFFFFF  }
tec
execute0_lowered:
.L_overlay_start_1:
0x0: {  	(tag) =	ssettag $0x1  }
0x1: {  	s1 =	rddreg [dreg:$0x0]  }
0x2: {  	s0 =	srdreg.scid;
	s7 =	rddreg [dreg:$0x1]  }
0x3: {  	s6 =	stileid.u32;
	s30 =	rddreg [dreg:$0x2];
	s4 =	simm.s32 $0x1  }
0x4: {  	s17 =	simm.s32 $0x28;
	s20 =	simm.s32 $0x80;
	s21 =	simm.s32 $0x400  }
0x5: {  	s22 =	simm.s32 $0x2;
	s23 =	simm.s32 $0x5400;
	s2 =	sand.u32 $0x1, s0  }
0x6: {  	s24 =	simm.s32 $0x0;
	s16 =	sadd.s32 $0x10, s1;
	s3 =	sor.u32 s2, s6  }
0x7: {  	v0 =	vimm.s32 $0xEDCBA987;
	p1 =	seq.s32 s2, $0x1;
	s2 =	ssub.s32 $0x2, s2;
	p0 =	seq.s32 s3, $0x0  }
0x8: {  	v1 =	vimm.s32 $0x65432100;
	v0 =	vunpack.c.l.s4.s8 v0;
	s3 =	simm.s32 $0x0;
	s5 =	sshrl.u32 s2, $0x1;
	p0 =	por !p0, !p1  }
0x9: {  	v1 =	vunpack.c.l.s4.s8 v1;
	s17 =	simm.s32 @!p1 $0x0;
	[smem:$0x7FF] =	sst s3;
	p0 =	por !p0, !p0  }
0xa: {  	v2 =	vimm.s32 $0xDCBA9876;
	v3 =	vimm.s32 $0x54321000;
	v0 =	vunpack.c.0.s8.s32 v0;
	s2 =	ssub.s32 s2, s5;
	s8 =	sshll.u32 s17, $0xD;
	s4 =	simm.s32 @!p0 $0x0  }
0xb: {  	v4 =	vimm.s32 $0xBA987654;
	vm0 =	vmmov $0x3;
	v1 =	vunpack.c.0.s8.s32 v1;
	s5 =	simm.s32 $0x1;
	s18 =	sshll.u32 s17, $0x9;
	s12 =	ssub.s32 s6, s4  }
0xc: {  	vm2 =	vcmask $0x3F30;
	v2 =	vunpack.c.l.s4.s8 v2;
	s17 =	sadd.s32 $0xA, s17;
	_ =	strace $0x80000047;
	v0 =	vand.u32 $0xF, v0;
	s4 =	smul.u32 $0xA0000, s12  }
0xd: {  	v0 =	vcombine.low v1, v0;
	v1 =	vunpack.c.l.s4.s8 v3;
	v3 =	vimm.s32 $0xE40000;
	s31 =	sshll.u32 s12, $0x9;
	s6 =	sshll.u32 s12, $0x7;
	s14 =	smul.u32 $0xA000, s12  }
0xe: {  	vm1 =	vmmov $0xf;
	v2 =	vunpack.c.0.s8.s32 v2;
	v3 =	vunpack.c.l.s2.s4 v3;
	s9 =	sand.u32 $0xFFFFF000, s31;
	s6 =	sand.u32 $0x380, s6;
	s13 =	sadd.s32 s8, s4  }
0xf: {  	v4 =	vunpack.c.l.s4.s8 v4;
	v5 =	vunpack.c.0.s8.s32 v1;
	v1 =	vimm.s32 $0x32100000;
	s6 =	sor.u32 s6, s9;
	s18 =	sadd.s32 s18, s14;
	s8 =	sshrl.u32 s13, $0x3  }
0x10: {  	v2 =	vand.u32 $0xF, v2;
	v6 =	vunpack.c.l.s4.s8 v1;
	v3 =	vunpack.c.l.s4.s8 v3;
	s9 =	sshrl.u32 s6, $0x3;
	s15 =	sadd.s32 $0x10000, s13;
	s18 =	sshrl.u32 s18, $0x3  }
0x11: {  	v4 =	vunpack.c.0.s8.s32 v4;
	v1 =	vlaneseq.u32;
	v2 =	vcombine.low v5, v2;
	s6 =	sadd.s32 s1, s8;
	s7 =	sadd.s32 s7, s9;
	s8 =	sadd.s32 s8, s16  }
0x12: {  	v5 =	vunpack.c.0.s8.s32 v6;
	v6 =	vimm.s32 $0x7060504;
	v7 =	vunpack.c.0.s8.s32 v3;
	s19 =	sshrl.u32 s15, $0x3;
	s18 =	sadd.s32 s30, s18;
	[dreg:$0x4] =	wrdreg s7  }
0x13: {  	v3 =	vand.u32 $0xF, v4;
	v4 =	vunpack.c.0.s8.s32 v6;
	v6 =	vimm.f32 $0.0e+00;
	s9 =	sadd.s32 $0x20, s6;
	s10 =	sadd.s32 $0x30, s6;
	s11 =	sadd.s32 $0x40, s6  }
0x14: {  	s12 =	sadd.s32 $0x50, s6;
	s13 =	sadd.s32 $0x60, s6;
	s14 =	sadd.s32 $0x70, s6;
	v3 =	vcombine.low v5, v3;
	v5 =	vand.u32 $0x3, v7;
	v7 =	vimm.f32 $1.000000000e+00  }
0x15: {  	s15 =	sadd.s32 s1, s19;
	s16 =	sadd.s32 s19, s16;
	s19 =	smax.u32 s2, $0x1;
	v4 =	vsel vm2, v4, v5;
	vm2 =	vmmov $0xff;
	v5 =	vimm.s32 $0xF  }
.LBB2_1:
0x16: {  	s0 =	rddreg [dreg:$0x4]  }
0x17: {  	[tilespmem:s3], [sflag:$0x2] =	stream.strided.gather [hbm4b:s0+s20], $0x200, s21, s20, $0x38;
	[tilespmem:$0x1B700] =	vst v63  }
0x18: {  	_ =	swait.ge [sflag:s22], $0x200  }
0x19: {  	[sflag:s22] =	ssyncset.done $0x0  }
0x1a: {  	s0 =	simm.s32 $0x0;
	[sflag:s22] =	ssyncadd.s32 $0xFFFFFE00  }
0x1b: {  	v8 =	vld [tilespmem:s0+$0x0];
	_ =	sdelay $0x4  }
0x1c: {  	v10 =	vperm.xlane v8, v0  }
0x1d: {  	s2 =	simm.s32 $0x10;
	vm3 =	veq.s32 v1, $0x0  }
0x1e: {  	v9 =	vld [tilespmem:s2+$0x0];
	v10 =	vsel vm3, $0x0, v10  }
0x1f: {  	v11 =	vadd.s32 v8, v10  }
0x20: {  	v10 =	vperm.xlane v11, v2  }
0x21: {  	s25 =	simm.s32 $0x20  }
0x22: {  	v13 =	vsel vm0, $0x0, v10;
	v10 =	vld [tilespmem:s25+$0x0]  }
0x23: {  	v12 =	vperm.xlane v9, v0;
	v11 =	vadd.s32 v13, v11  }
0x24: {  	v13 =	vperm.xlane v11, v3  }
0x25: {  	v12 =	vsel vm3, $0x0, v12  }
0x26: {  	v12 =	vadd.s32 v9, v12;
	v13 =	vsel vm1, $0x0, v13  }
0x27: {  	v14 =	vperm.xlane v12, v2;
	v13 =	vadd.s32 v13, v11;
	v11 =	vperm.xlane v10, v0;
	_ =	sdelay $0x1  }
0x28: {  	s26 =	simm.s32 $0x30;
	v14 =	vsel vm0, $0x0, v14;
	v15 =	vperm.xlane v13, v4;
	v11 =	vsel vm3, $0x0, v11  }
0x29: {  	v14 =	vadd.s32 v14, v12;
	v12 =	vadd.s32 v10, v11;
	v11 =	vld [tilespmem:s26+$0x0]  }
0x2a: {  	v16 =	vimm.s32 $0x0;
	v17 =	vperm.xlane v14, v3;
	v15 =	vsel vm2, $0x0, v15  }
0x2b: {  	v18 =	vadd.s32 v16, v15  }
0x2c: {  	s28 =	simm.s32 $0x100;
	v15 =	vperm.xlane v12, v2;
	v16 =	vsel vm1, $0x0, v17;
	v13 =	vadd.s32 v13, v18  }
.LBB2_2:
0x2d: {  	p0 =	sne.s32 s28, $0x7C0;
	v17 =	vadd.s32 v16, v14;
	v14 =	vsub.s32 v13, v8;
	v13 =	vperm.xlane v13, v5;
	v8 =	vmovc v9;
	s29 =	smov.u32 s28;
	s28 =	sadd.s32 $0x40, s28  }
.Ltmp0:
0x2e: {  	v9 =	vmovc v10;
	s29 =	sshra.s32 s29, $0x2;
	v16 =	vperm.xlane v11, v0;
	v15 =	vsel vm0, $0x0, v15;
	v18 =	vperm.xlane v17, v4;
	[tilespmem:s0+$0x200] =	vst v14;
	s0 =	smov.u32 s2;
	(pc) =	sbr.rel @p0 .LBB2_2-.Ltmp0, $4  }
0x2f: {  	v10 =	vmov v11;
	s2 =	smov.u32 s25;
	s25 =	smov.u32 s26;
	v14 =	vadd.s32 v15, v12;
	v11 =	vld [tilespmem:s29+$0x0];
	s26 =	smov.u32 s29  }
0x30: {  	v12 =	vsel vm3, $0x0, v16;
	v16 =	vperm.xlane v14, v3;
	v15 =	vsel vm2, $0x0, v18  }
0x31: {  	v12 =	vadd.s32 v10, v12;
	v13 =	vadd.s32 v13, v15  }
0x32: {  	v15 =	vperm.xlane v12, v2;
	v16 =	vsel vm1, $0x0, v16;
	v13 =	vadd.s32 v17, v13  }
0x33: {  	_ = 	snop  }
0x34: {  	v17 =	vperm.xlane v11, v0  }
0x35: {  	vm3 =	veq.s32 v1, $0x0  }
0x36: {  	v14 =	vadd.s32 v16, v14;
	v15 =	vsel vm0, $0x0, v15;
	v57 =	vsel vm3, $0x0, v17  }
0x37: {  	v58 =	vperm.xlane v14, v4;
	v12 =	vadd.s32 v15, v12;
	v15 =	vadd.s32 v11, v57  }
0x38: {  	v59 =	vperm.xlane v12, v3;
	v18 =	vperm.xlane v15, v2  }
0x39: {  	v19 =	vperm.xlane v13, v5  }
0x3a: {  	v17 =	vsel vm2, $0x0, v58;
	v16 =	vsel vm1, $0x0, v59;
	v18 =	vsel vm0, $0x0, v18  }
0x3b: {  	v17 =	vadd.s32 v19, v17;
	v12 =	vadd.s32 v16, v12;
	v15 =	vadd.s32 v18, v15  }
0x3c: {  	v14 =	vadd.s32 v14, v17;
	v16 =	vperm.xlane v12, v4;
	v60 =	vperm.xlane v15, v3  }
0x3d: {  	v61 =	vperm.xlane v14, v5  }
0x3e: {  	v16 =	vsel vm2, $0x0, v16;
	v17 =	vsel vm1, $0x0, v60  }
0x3f: {  	v16 =	vadd.s32 v61, v16;
	v15 =	vadd.s32 v17, v15  }
0x40: {  	v12 =	vadd.s32 v12, v16;
	v62 =	vperm.xlane v15, v4  }
0x41: {  	v63 =	vperm.xlane v12, v5  }
0x42: {  	v8 =	vsub.s32 v13, v8;
	v13 =	vsel vm2, $0x0, v62  }
0x43: {  	[tilespmem:s0+$0x200] =	vst v8;
	v8 =	vsub.s32 v14, v9;
	v9 =	vadd.s32 v63, v13  }
0x44: {  	[tilespmem:s2+$0x200] =	vst v8;
	v8 =	vsub.s32 v12, v10;
	v9 =	vadd.s32 v15, v9  }
0x45: {  	[tilespmem:s25+$0x200] =	vst v8;
	v8 =	vsub.s32 v9, v11  }
0x46: {  	[tilespmem:s26+$0x200] =	vst v8  }
0x47: {  	[tilespmem:$0x7400] =	vst v6  }
0x48: {  	[tilespmem:$0x9480] =	vst v6  }
0x49: {  	[tilespmem:$0xB500] =	vst v6  }
0x4a: {  	[tilespmem:$0xD580] =	vst v6  }
0x4b: {  	[tilespmem:$0xF600] =	vst v6  }
0x4c: {  	[tilespmem:$0x11680] =	vst v6  }
0x4d: {  	[tilespmem:$0x13700] =	vst v6  }
0x4e: {  	[tilespmem:$0x15780] =	vst v6  }
0x4f: {  	[tilespmem:$0x17800] =	vst v6  }
0x50: {  	s25 =	simm.s32 $0x0;
	[tilespmem:$0x19880] =	vst v6  }
0x51: {  	s26 =	simm.s32 $0x200;
	v8 =	vld [tilespmem:s25+$0x0]  }
0x52: {  	v9 =	vld [tilespmem:s26+$0x0];
	_ =	sdelay $0x3  }
0x53: {  	vm7 =	vgt.s32 v8, $0x1;
	vm5 =	vgt.s32 v8, $0x2;
	vm6 =	vgt.s32 v8, $0x5  }
0x54: {  	s28 =	simm.s32 $0x19970;
	v11 =	vadd.s32 $0x1, v9;
	v10 =	vadd.s32 $0x4, v9;
	vm4 =	vgt.s32 v8, $0x6  }
0x55: {  	s29 =	simm.s32 $0xF0;
	s0 =	simm.s32 $0x19970;
	s2 =	simm.s32 $0x0;
	vm8 =	vgt.s32 v8, $0x3;
	v12 =	vadd.s32 $0x3, v9;
	vm3 =	vgt.s32 v8, $0x4  }
.LBB2_4:
0x56: {  	v13 =	vadd.s32 $0x2, v9;
	v12 =	vnsel vm8, $0x2000, v12;
	v14 =	vadd.s32 $0x5, v9;
	s25 =	sadd.s32 $0x10, s25;
	s26 =	sadd.s32 $0x10, s26;
	s28 =	sadd.s32 $0xF0, s28  }
0x57: {  	p0 =	sne.s32 s29, $0x1D10;
	v11 =	vnsel vm7, $0x2000, v11;
	vm7 =	vgt.s32 v8, $0x7;
	s30 =	smov.u32 s29;
	s29 =	sadd.s32 $0xF0, s29;
	[tilespmem:s0+$0xFFFFFFC0] =	vst v12;
	v12 =	vadd.s32 $0x7, v9  }
0x58: {  	[tilespmem:s0+$0xFFFFFFA0] =	vst v11;
	v11 =	vnsel vm7, $0x2000, v12;
	vm7 =	vgt.s32 v8, $0x8;
	v12 =	vadd.s32 $0x8, v9  }
0x59: {  	v15 =	vadd.s32 $0x6, v9;
	v14 =	vnsel vm6, $0x2000, v14;
	[tilespmem:s0+$0x0] =	vst v11;
	v11 =	vnsel vm7, $0x2000, v12  }
0x5a: {  	v12 =	vnsel vm5, $0x2000, v13;
	vm5 =	vgt.s32 v8, $0xA;
	v13 =	vadd.s32 $0xA, v9;
	[tilespmem:s0+$0xFFFFFFE0] =	vst v14  }
0x5b: {  	vm6 =	vgt.s32 v8, $0x0;
	v13 =	vnsel vm5, $0x2000, v13;
	[tilespmem:s0+$0xFFFFFFB0] =	vst v12;
	v12 =	vnsel vm4, $0x2000, v15  }
0x5c: {  	v10 =	vnsel vm3, $0x2000, v10;
	v14 =	vnsel vm6, $0x2000, v9;
	[tilespmem:s0+$0xFFFFFFF0] =	vst v12;
	v12 =	vadd.s32 $0x9, v9  }
0x5d: {  	v16 =	vadd.s32 $0xD, v9;
	v15 =	vadd.s32 $0xC, v9;
	[tilespmem:s0+$0xFFFFFF90] =	vst v14;
	v14 =	vadd.s32 $0xB, v9  }
0x5e: {  	s31 =	sand.u32 $0x1FF0, s2;
	vm3 =	vgt.s32 v8, $0x9;
	s2 =	smov.u32 s30;
	vm4 =	vgt.s32 v8, $0xB;
	v9 =	vadd.s32 $0xE, v9;
	[tilespmem:s0+$0xFFFFFFD0] =	vst v10  }
0x5f: {  	v10 =	vnsel vm3, $0x2000, v12;
	[tilespmem:s31+$0x19980] =	vst v11;
	v11 =	vnsel vm4, $0x2000, v14  }
0x60: {  	[tilespmem:s0+$0x20] =	vst v10  }
0x61: {  	vm3 =	vgt.s32 v8, $0xC;
	[tilespmem:s0+$0x30] =	vst v13  }
0x62: {  	v10 =	vnsel vm3, $0x2000, v15;
	vm3 =	vgt.s32 v8, $0xD;
	[tilespmem:s0+$0x40] =	vst v11  }
0x63: {  	[tilespmem:s0+$0x50] =	vst v10;
	v10 =	vnsel vm3, $0x2000, v16;
	vm3 =	vgt.s32 v8, $0xE  }
0x64: {  	[tilespmem:s0+$0x60] =	vst v10;
	v8 =	vnsel vm3, $0x2000, v9  }
0x65: {  	[tilespmem:s0+$0x70] =	vst v8;
	s0 =	smov.u32 s28  }
0x66: {  	v8 =	vld [tilespmem:s25+$0x0]  }
0x67: {  	v9 =	vld [tilespmem:s26+$0x0];
	_ =	sdelay $0x1  }
.Ltmp1:
0x68: {  	(pc) =	sbr.rel @p0 .LBB2_4-.Ltmp1, $4  }
0x69: {  	_ = 	snop  }
0x6a: {  	vm7 =	vgt.s32 v8, $0x1;
	vm5 =	vgt.s32 v8, $0x2;
	vm6 =	vgt.s32 v8, $0x5  }
0x6b: {  	vm4 =	vgt.s32 v8, $0x6;
	v11 =	vadd.s32 $0x1, v9;
	v10 =	vadd.s32 $0x4, v9  }
0x6c: {  	vm8 =	vgt.s32 v8, $0x3;
	vm3 =	vgt.s32 v8, $0x4;
	v12 =	vadd.s32 $0x3, v9  }
0x6d: {  	v12 =	vnsel vm8, $0x2000, v12  }
0x6e: {  	v11 =	vnsel vm7, $0x2000, v11;
	[tilespmem:s0+$0xFFFFFFC0] =	vst v12  }
0x6f: {  	vm12 =	vgt.s32 v8, $0x7;
	v51 =	vadd.s32 $0x7, v9;
	v10 =	vnsel vm3, $0x2000, v10;
	[tilespmem:s0+$0xFFFFFFA0] =	vst v11  }
0x70: {  	v13 =	vadd.s32 $0x5, v9;
	v52 =	vnsel vm12, $0x2000, v51;
	[tilespmem:s0+$0xFFFFFFD0] =	vst v10  }
0x71: {  	v53 =	vadd.s32 $0x2, v9;
	v13 =	vnsel vm6, $0x2000, v13;
	[tilespmem:s0+$0x0] =	vst v52  }
0x72: {  	v54 =	vadd.s32 $0x6, v9;
	v12 =	vnsel vm5, $0x2000, v53;
	[tilespmem:s0+$0xFFFFFFE0] =	vst v13  }
0x73: {  	vm13 =	vgt.s32 v8, $0x0;
	v11 =	vnsel vm4, $0x2000, v54;
	[tilespmem:s0+$0xFFFFFFB0] =	vst v12  }
0x74: {  	vm14 =	vgt.s32 v8, $0x8;
	v56 =	vadd.s32 $0x8, v9;
	v55 =	vnsel vm13, $0x2000, v9;
	[tilespmem:s0+$0xFFFFFFF0] =	vst v11  }
0x75: {  	v57 =	vadd.s32 $0x9, v9;
	s2 =	sand.u32 $0x1FF0, s2;
	vm3 =	vgt.s32 v8, $0x9;
	[tilespmem:s0+$0xFFFFFF90] =	vst v55;
	v11 =	vnsel vm14, $0x2000, v56  }
0x76: {  	vm15 =	vgt.s32 v8, $0xA;
	v58 =	vadd.s32 $0xA, v9;
	v59 =	vnsel vm3, $0x2000, v57;
	[tilespmem:s2+$0x19980] =	vst v11  }
0x77: {  	v60 =	vadd.s32 $0xB, v9;
	v10 =	vnsel vm15, $0x2000, v58;
	vm3 =	vgt.s32 v8, $0xB;
	[tilespmem:s0+$0x20] =	vst v59  }
0x78: {  	v61 =	vadd.s32 $0xC, v9;
	v12 =	vnsel vm3, $0x2000, v60;
	vm3 =	vgt.s32 v8, $0xC;
	[tilespmem:s0+$0x30] =	vst v10  }
0x79: {  	v62 =	vadd.s32 $0xD, v9;
	v11 =	vnsel vm3, $0x2000, v61;
	vm3 =	vgt.s32 v8, $0xD;
	[tilespmem:s0+$0x40] =	vst v12  }
0x7a: {  	v63 =	vadd.s32 $0xE, v9;
	[tilespmem:s0+$0x50] =	vst v11;
	v10 =	vnsel vm3, $0x2000, v62;
	vm3 =	vgt.s32 v8, $0xE  }
0x7b: {  	[tilespmem:s0+$0x60] =	vst v10;
	v8 =	vnsel vm3, $0x2000, v63  }
0x7c: {  	[tilespmem:s0+$0x70] =	vst v8  }
0x7d: {  	[tilespmem:s23], [sflag:$0x1] =	stream.strided.gather [hbm4b:s6+s20], $0x2000, s21, s20, $0x38;
	[tilespmem:$0x1B700] =	vst v63  }
0x7e: {  	s30 =	simm.s32 $0x7480  }
0x7f: {  	[tilespmem:s30], [sflag:$0x1] =	stream.strided.gather [hbm4b:s8+s20], $0x2000, s21, s20, $0x38;
	[tilespmem:$0x1B700] =	vst v63  }
0x80: {  	s31 =	simm.s32 $0x9500  }
0x81: {  	[tilespmem:s31], [sflag:$0x1] =	stream.strided.gather [hbm4b:s9+s20], $0x2000, s21, s20, $0x38;
	[tilespmem:$0x1B700] =	vst v63  }
0x82: {  	s2 =	simm.s32 $0xB580  }
0x83: {  	[tilespmem:s2], [sflag:$0x1] =	stream.strided.gather [hbm4b:s10+s20], $0x2000, s21, s20, $0x38;
	[tilespmem:$0x1B700] =	vst v63  }
0x84: {  	s3 =	simm.s32 $0xD600  }
0x85: {  	[tilespmem:s3], [sflag:$0x1] =	stream.strided.gather [hbm4b:s11+s20], $0x2000, s21, s20, $0x38;
	[tilespmem:$0x1B700] =	vst v63  }
0x86: {  	s7 =	simm.s32 $0xF680  }
0x87: {  	[tilespmem:s7], [sflag:$0x1] =	stream.strided.gather [hbm4b:s12+s20], $0x2000, s21, s20, $0x38;
	[tilespmem:$0x1B700] =	vst v63  }
0x88: {  	s25 =	simm.s32 $0x11700  }
0x89: {  	[tilespmem:s25], [sflag:$0x1] =	stream.strided.gather [hbm4b:s13+s20], $0x2000, s21, s20, $0x38;
	[tilespmem:$0x1B700] =	vst v63  }
0x8a: {  	s26 =	simm.s32 $0x13780  }
0x8b: {  	[tilespmem:s26], [sflag:$0x1] =	stream.strided.gather [hbm4b:s14+s20], $0x2000, s21, s20, $0x38;
	[tilespmem:$0x1B700] =	vst v63  }
0x8c: {  	s29 =	simm.s32 $0x0;
	s28 =	simm.s32 $0x0;
	s30 =	simm.s32 $0x15800  }
0x8d: {  	[tilespmem:s30], [sflag:$0x1] =	stream.strided.gather [hbm4b:s15+s20], $0x2000, s21, s20, $0x38;
	[tilespmem:$0x1B700] =	vst v63  }
0x8e: {  	s31 =	simm.s32 $0x17880;
	s25 =	simm.s32 $0x0;
	s26 =	simm.s32 $0x0  }
0x8f: {  	[tilespmem:s31], [sflag:$0x1] =	stream.strided.gather [hbm4b:s16+s20], $0x2000, s21, s20, $0x38;
	[tilespmem:$0x1B700] =	vst v63  }
.LBB2_6:
0x90: {  	s0 =	sshll.u32 s26, $0x2;
	s2 =	sand.u32 $0x7, s25;
	s30 =	smul.u32 $0x2080, s29  }
0x91: {  	_ =	swait.ge [sflag:s5], $0x2000;
	s0 =	sand.u32 $0xFFFFC000, s0;
	s2 =	sshll.u32 s2, $0x9  }
0x92: {  	[sflag:s5] =	ssyncset.done $0x0;
	s0 =	sor.u32 s2, s0  }
0x93: {  	s7 =	sadd.s32 $0x2000, s30;
	[sflag:s5] =	ssyncadd.s32 $0xFFFFE000;
	s0 =	sshrl.u32 s0, $0x2  }
0x94: {  	v8 =	vmov s30;
	s2 =	simm.s32 $0x1A070;
	v9 =	vmov s7;
	s31 =	sor.u32 $0x440, s0;
	s0 =	simm.s32 $0x0  }
.LBB2_7:
0x95: {  	s3 =	sshra.s32 s0, $0x2;
	v20 =	vld [tilespmem:s2+$0xFFFFFC50]  }
0x96: {  	v14 =	vld [tilespmem:s3+$0x200]  }
0x97: {  	v15 =	vld [tilespmem:s3+$0x210]  }
0x98: {  	v13 =	vld [tilespmem:s3+$0x0]  }
0x99: {  	v12 =	vld [tilespmem:s3+$0x10]  }
0x9a: {  	v22 =	vld [tilespmem:s2+$0xFFFFFD40]  }
0x9b: {  	v23 =	vld [tilespmem:s2+$0xFFFFFE30]  }
0x9c: {  	v16 =	vld [tilespmem:s3+$0x220]  }
0x9d: {  	v11 =	vld [tilespmem:s3+$0x20];
	v17 =	vadd.s32 v8, v14;
	vm3 =	vgt.s32 v13, $0x0  }
0x9e: {  	v24 =	vld [tilespmem:s2+$0xFFFFFF20];
	v14 =	vadd.s32 v8, v15;
	v19 =	vsel vm3, v17, v9;
	vm3 =	vgt.s32 v12, $0x0  }
0x9f: {  	v18 =	vld [tilespmem:s3+$0x230];
	v21 =	vsel vm3, v14, v9  }
0xa0: {  	v10 =	vld [tilespmem:s3+$0x30]  }
0xa1: {  	v31 =	vld [tilespmem:s2+$0xFFFFFC60]  }
0xa2: {  	v35 =	vld [tilespmem:s2+$0xFFFFFE40];
	v20 =	vadd.s32 v8, v20;
	v15 =	vadd.s32 v8, v16;
	vm3 =	vgt.s32 v11, $0x0  }
0xa3: {  	v53 =	vsel vm3, v15, v9;
	v19 =	vld.idx.msk [tilespmem:v19+s23+$0x0], $0xffff  }
0xa4: {  	v22 =	vadd.s32 v8, v22;
	v21 =	vld.idx.msk [tilespmem:v21+s23+$0x0], $0xffff  }
0xa5: {  	v23 =	vadd.s32 v8, v23;
	v16 =	vadd.s32 v8, v18;
	vm3 =	vgt.s32 v10, $0x0  }
0xa6: {  	v25 =	vsel vm3, v16, v9  }
0xa7: {  	v24 =	vadd.s32 v8, v24;
	v20 =	vld.idx.msk [tilespmem:v20+s23+$0x0], $0xffff  }
0xa8: {  	v31 =	vadd.s32 v8, v31;
	v35 =	vadd.s32 v8, v35;
	v18 =	vld.idx.msk [tilespmem:v53+s23+$0x0], $0xffff;
	vm3 =	veq.f32 v19, $0.0e+00  }
0xa9: {  	v28 =	vadd.s32 $0x1, v17;
	v54 =	vld.idx.msk [tilespmem:v22+s23+$0x0], $0xffff;
	v55 =	vsel vm3, $0x0, v7;
	vm3 =	veq.f32 v21, $0.0e+00  }
0xaa: {  	v29 =	vadd.s32 $0x1, v14;
	v56 =	vld.idx.msk [tilespmem:v23+s23+$0x0], $0xffff;
	v57 =	vsel vm3, $0x0, v7;
	vm3 =	vgt.s32 v13, $0x1  }
0xab: {  	v30 =	vadd.s32 $0x1, v15;
	v25 =	vld.idx.msk [tilespmem:v25+s23+$0x0], $0xffff;
	v28 =	vsel vm3, v28, v9;
	vm3 =	vgt.s32 v12, $0x1  }
0xac: {  	v34 =	vadd.s32 $0x1, v16;
	v29 =	vsel vm3, v29, v9;
	vm3 =	vgt.s32 v11, $0x1  }
0xad: {  	v58 =	vld [tilespmem:s2+$0xFFFFFD50];
	v42 =	vadd.s32 $0x2, v15;
	v30 =	vsel vm3, v30, v9;
	vm3 =	veq.f32 v18, $0.0e+00  }
0xae: {  	v59 =	vld [tilespmem:s2+$0xFFFFFF30];
	v45 =	vadd.s32 $0x2, v16;
	v33 =	vsel vm3, $0x0, v7;
	vm3 =	vgt.s32 v10, $0x1  }
0xaf: {  	v24 =	vld.idx.msk [tilespmem:v24+s23+$0x0], $0xffff;
	v38 =	vadd.f32 $0.0e+00, v20;
	v39 =	vadd.f32 $0.0e+00, v54;
	v34 =	vsel vm3, v34, v9  }
0xb0: {  	v40 =	vadd.f32 $0.0e+00, v56;
	v26 =	vadd.f32 $0.0e+00, v19;
	vm3 =	veq.f32 v25, $0.0e+00;
	v60 =	vld.idx.msk [tilespmem:v28+s23+$0x0], $0xffff  }
0xb1: {  	v27 =	vadd.f32 $0.0e+00, v21;
	v37 =	vsel vm3, $0x0, v7;
	vm3 =	veq.f32 v20, $0.0e+00  }
0xb2: {  	v32 =	vadd.f32 $0.0e+00, v18;
	v61 =	vsel vm3, $0x0, v7;
	vm3 =	veq.f32 v54, $0.0e+00;
	v62 =	vld.idx.msk [tilespmem:v29+s23+$0x0], $0xffff  }
0xb3: {  	v36 =	vadd.f32 $0.0e+00, v25;
	v63 =	vsel vm3, $0x0, v7;
	vm3 =	veq.f32 v56, $0.0e+00;
	v47 =	vld.idx.msk [tilespmem:v30+s23+$0x0], $0xffff  }
0xb4: {  	v18 =	vadd.s32 v8, v58;
	v48 =	vsel vm3, $0x0, v7;
	vm3 =	veq.f32 v24, $0.0e+00;
	v34 =	vld.idx.msk [tilespmem:v34+s23+$0x0], $0xffff  }
0xb5: {  	v46 =	vld [tilespmem:s2+$0xFFFFFE50];
	v25 =	vadd.s32 v8, v59;
	v41 =	vsel vm3, $0x0, v7;
	vm3 =	veq.f32 v60, $0.0e+00  }
0xb6: {  	v54 =	vadd.s32 $0x2, v17;
	v24 =	vadd.f32 $0.0e+00, v24;
	v49 =	vsel vm3, $0x0, v7  }
0xb7: {  	v20 =	vadd.f32 v60, v26;
	vm3 =	veq.f32 v62, $0.0e+00;
	v22 =	vadd.f32 v49, v55  }
0xb8: {  	v31 =	vld.idx.msk [tilespmem:v31+s23+$0x0], $0xffff;
	v50 =	vsel vm3, $0x0, v7;
	vm3 =	veq.f32 v47, $0.0e+00;
	v21 =	vadd.f32 v47, v32  }
0xb9: {  	v52 =	vld.idx.msk [tilespmem:v35+s23+$0x0], $0xffff;
	v55 =	vadd.s32 $0x2, v14;
	v51 =	vsel vm3, $0x0, v7;
	vm3 =	veq.f32 v34, $0.0e+00  }
0xba: {  	v47 =	vadd.s32 v8, v46;
	v53 =	vsel vm3, $0x0, v7;
	vm3 =	vgt.s32 v13, $0x2  }
0xbb: {  	v25 =	vld.idx.msk [tilespmem:v25+s23+$0x0], $0xffff;
	v26 =	vadd.f32 v51, v33;
	v33 =	vsel vm3, v54, v9;
	vm3 =	vgt.s32 v12, $0x2  }
0xbc: {  	v18 =	vld.idx.msk [tilespmem:v18+s23+$0x0], $0xffff;
	v19 =	vadd.f32 v62, v27;
	v35 =	vsel vm3, v55, v9;
	vm3 =	vgt.s32 v11, $0x2  }
0xbd: {  	v23 =	vadd.f32 v50, v57;
	v57 =	vld [tilespmem:s2+$0xFFFFFD60];
	v56 =	vsel vm3, v42, v9;
	vm3 =	veq.f32 v31, $0.0e+00  }
0xbe: {  	v43 =	vld [tilespmem:s2+$0xFFFFFC70];
	v27 =	vadd.f32 v52, v40;
	v44 =	vsel vm3, $0x0, v7;
	vm3 =	vgt.s32 v10, $0x2  }
0xbf: {  	v34 =	vadd.f32 v34, v36;
	v32 =	vadd.f32 v53, v37;
	v53 =	vld.idx.msk [tilespmem:v47+s23+$0x0], $0xffff;
	v58 =	vsel vm3, v45, v9  }
0xc0: {  	v59 =	vld [tilespmem:s2+$0xFFFFFF40];
	v24 =	vadd.f32 v25, v24;
	v55 =	vadd.s32 $0x3, v17;
	v31 =	vadd.f32 v31, v38  }
0xc1: {  	vm3 =	veq.f32 v18, $0.0e+00;
	v28 =	vadd.f32 v44, v61;
	v18 =	vadd.f32 v18, v39;
	v33 =	vld.idx.msk [tilespmem:v33+s23+$0x0], $0xffff  }
0xc2: {  	v44 =	vadd.s32 v8, v57;
	v57 =	vadd.s32 $0x3, v14;
	v60 =	vsel vm3, $0x0, v7;
	v35 =	vld.idx.msk [tilespmem:v35+s23+$0x0], $0xffff  }
0xc3: {  	vm3 =	veq.f32 v52, $0.0e+00;
	v29 =	vadd.f32 v60, v63;
	v63 =	vadd.s32 v8, v43;
	v36 =	vld.idx.msk [tilespmem:v56+s23+$0x0], $0xffff  }
0xc4: {  	v61 =	vsel vm3, $0x0, v7;
	vm3 =	veq.f32 v25, $0.0e+00;
	v27 =	vadd.f32 v53, v27;
	v37 =	vld.idx.msk [tilespmem:v58+s23+$0x0], $0xffff  }
0xc5: {  	v30 =	vadd.f32 v61, v48;
	v62 =	vsel vm3, $0x0, v7;
	v48 =	vadd.s32 v8, v59  }
0xc6: {  	v25 =	vadd.f32 v62, v41;
	v58 =	vadd.s32 $0x3, v15;
	vm3 =	veq.f32 v33, $0.0e+00  }
0xc7: {  	v59 =	vld [tilespmem:s2+$0xFFFFFC80];
	v20 =	vadd.f32 v33, v20;
	v49 =	vsel vm3, $0x0, v7;
	vm3 =	veq.f32 v35, $0.0e+00  }
0xc8: {  	v39 =	vld.idx.msk [tilespmem:v63+s23+$0x0], $0xffff;
	v19 =	vadd.f32 v35, v19;
	v50 =	vsel vm3, $0x0, v7;
	vm3 =	veq.f32 v36, $0.0e+00  }
0xc9: {  	v63 =	vadd.s32 $0x3, v16;
	v51 =	vsel vm3, $0x0, v7;
	vm3 =	veq.f32 v37, $0.0e+00  }
0xca: {  	v52 =	vld.idx.msk [tilespmem:v44+s23+$0x0], $0xffff;
	v22 =	vadd.f32 v49, v22;
	v54 =	vsel vm3, $0x0, v7;
	vm3 =	vgt.s32 v13, $0x3  }
0xcb: {  	v21 =	vadd.f32 v36, v21;
	v56 =	vld.idx.msk [tilespmem:v48+s23+$0x0], $0xffff;
	v38 =	vsel vm3, v55, v9;
	vm3 =	vgt.s32 v12, $0x3  }
0xcc: {  	v48 =	vld [tilespmem:s2+$0xFFFFFE60];
	v55 =	vadd.s32 v8, v59;
	v41 =	vsel vm3, v57, v9;
	vm3 =	vgt.s32 v11, $0x3  }
0xcd: {  	v23 =	vadd.f32 v50, v23;
	v50 =	vld [tilespmem:s2+$0xFFFFFF50];
	v60 =	vsel vm3, v58, v9;
	vm3 =	veq.f32 v39, $0.0e+00  }
0xce: {  	v26 =	vadd.f32 v51, v26;
	v62 =	vsel vm3, $0x0, v7;
	vm3 =	vgt.s32 v10, $0x3  }
0xcf: {  	v61 =	vld [tilespmem:s2+$0xFFFFFD70];
	v34 =	vadd.f32 v37, v34;
	v18 =	vadd.f32 v52, v18;
	v49 =	vsel vm3, v63, v9  }
0xd0: {  	v32 =	vadd.f32 v54, v32;
	v31 =	vadd.f32 v39, v31;
	v38 =	vld.idx.msk [tilespmem:v38+s23+$0x0], $0xffff  }
0xd1: {  	v24 =	vadd.f32 v56, v24;
	v57 =	vadd.s32 v8, v48;
	v48 =	vadd.s32 $0x4, v17;
	v39 =	vld.idx.msk [tilespmem:v55+s23+$0x0], $0xffff  }
0xd2: {  	v58 =	vadd.s32 v8, v50;
	v50 =	vadd.s32 $0x4, v14;
	vm3 =	veq.f32 v52, $0.0e+00;
	v52 =	vld.idx.msk [tilespmem:v41+s23+$0x0], $0xffff  }
0xd3: {  	v28 =	vadd.f32 v62, v28;
	v51 =	vsel vm3, $0x0, v7;
	vm3 =	veq.f32 v53, $0.0e+00;
	v37 =	vld.idx.msk [tilespmem:v60+s23+$0x0], $0xffff  }
0xd4: {  	v29 =	vadd.f32 v51, v29;
	v53 =	vsel vm3, $0x0, v7;
	vm3 =	veq.f32 v56, $0.0e+00;
	v36 =	vld.idx.msk [tilespmem:v49+s23+$0x0], $0xffff  }
0xd5: {  	v56 =	vadd.s32 v8, v61;
	v51 =	vadd.s32 $0x4, v15;
	v54 =	vsel vm3, $0x0, v7  }
0xd6: {  	v30 =	vadd.f32 v53, v30;
	v25 =	vadd.f32 v54, v25;
	v54 =	vld [tilespmem:s2+$0xFFFFFD80];
	vm3 =	veq.f32 v38, $0.0e+00  }
0xd7: {  	v62 =	vld.idx.msk [tilespmem:v57+s23+$0x0], $0xffff;
	v20 =	vadd.f32 v38, v20;
	v59 =	vsel vm3, $0x0, v7;
	vm3 =	veq.f32 v52, $0.0e+00  }
0xd8: {  	v31 =	vadd.f32 v39, v31;
	v60 =	vsel vm3, $0x0, v7;
	vm3 =	veq.f32 v37, $0.0e+00  }
0xd9: {  	v19 =	vadd.f32 v52, v19;
	v61 =	vsel vm3, $0x0, v7;
	vm3 =	veq.f32 v36, $0.0e+00  }
0xda: {  	v33 =	vld.idx.msk [tilespmem:v56+s23+$0x0], $0xffff;
	v56 =	vadd.s32 $0x4, v16;
	v63 =	vsel vm3, $0x0, v7;
	vm3 =	vgt.s32 v13, $0x4  }
0xdb: {  	v49 =	vld.idx.msk [tilespmem:v58+s23+$0x0], $0xffff;
	v47 =	vadd.s32 v8, v54;
	v38 =	vsel vm3, v48, v9;
	vm3 =	vgt.s32 v12, $0x4  }
0xdc: {  	v52 =	vld [tilespmem:s2+$0xFFFFFC90];
	v27 =	vadd.f32 v62, v27;
	v41 =	vsel vm3, v50, v9;
	vm3 =	vgt.s32 v11, $0x4  }
0xdd: {  	v57 =	vld [tilespmem:s2+$0xFFFFFE70];
	v22 =	vadd.f32 v59, v22;
	v53 =	vsel vm3, v51, v9;
	vm3 =	veq.f32 v39, $0.0e+00  }
0xde: {  	v21 =	vadd.f32 v37, v21;
	v55 =	vsel vm3, $0x0, v7;
	vm3 =	vgt.s32 v10, $0x4  }
0xdf: {  	v59 =	vld [tilespmem:s2+$0xFFFFFF60];
	v23 =	vadd.f32 v60, v23;
	v26 =	vadd.f32 v61, v26;
	v58 =	vsel vm3, v56, v9  }
0xe0: {  	v34 =	vadd.f32 v36, v34;
	v24 =	vadd.f32 v49, v24;
	v35 =	vld.idx.msk [tilespmem:v47+s23+$0x0], $0xffff  }
0xe1: {  	v32 =	vadd.f32 v63, v32;
	v18 =	vadd.f32 v33, v18;
	v44 =	vadd.s32 v8, v52;
	v38 =	vld.idx.msk [tilespmem:v38+s23+$0x0], $0xffff  }
0xe2: {  	v48 =	vadd.s32 v8, v57;
	v57 =	vadd.s32 $0x5, v14;
	vm3 =	veq.f32 v33, $0.0e+00;
	v61 =	vld.idx.msk [tilespmem:v41+s23+$0x0], $0xffff  }
0xe3: {  	v28 =	vadd.f32 v55, v28;
	v60 =	vsel vm3, $0x0, v7;
	vm3 =	veq.f32 v62, $0.0e+00;
	v36 =	vld.idx.msk [tilespmem:v53+s23+$0x0], $0xffff  }
0xe4: {  	v55 =	vadd.s32 $0x5, v17;
	v29 =	vadd.f32 v60, v29;
	v62 =	vsel vm3, $0x0, v7;
	v37 =	vld.idx.msk [tilespmem:v58+s23+$0x0], $0xffff  }
0xe5: {  	vm3 =	veq.f32 v49, $0.0e+00;
	v49 =	vadd.s32 v8, v59;
	v30 =	vadd.f32 v62, v30  }
0xe6: {  	v39 =	vld.idx.msk [tilespmem:v44+s23+$0x0], $0xffff;
	v63 =	vsel vm3, $0x0, v7;
	v18 =	vadd.f32 v35, v18;
	vm3 =	veq.f32 v38, $0.0e+00  }
0xe7: {  	v59 =	vld [tilespmem:s2+$0xFFFFFCA0];
	v25 =	vadd.f32 v63, v25;
	v50 =	vsel vm3, $0x0, v7;
	vm3 =	veq.f32 v61, $0.0e+00  }
0xe8: {  	v63 =	vadd.s32 $0x5, v16;
	v51 =	vsel vm3, $0x0, v7;
	vm3 =	veq.f32 v36, $0.0e+00  }
0xe9: {  	v58 =	vadd.s32 $0x5, v15;
	v52 =	vsel vm3, $0x0, v7;
	vm3 =	veq.f32 v37, $0.0e+00  }
0xea: {  	v53 =	vld.idx.msk [tilespmem:v48+s23+$0x0], $0xffff;
	v20 =	vadd.f32 v38, v20;
	v54 =	vsel vm3, $0x0, v7;
	vm3 =	vgt.s32 v13, $0x5  }
0xeb: {  	v48 =	vld [tilespmem:s2+$0xFFFFFE80];
	v31 =	vadd.f32 v39, v31;
	v38 =	vsel vm3, v55, v9;
	vm3 =	vgt.s32 v12, $0x5  }
0xec: {  	v56 =	vld.idx.msk [tilespmem:v49+s23+$0x0], $0xffff;
	v55 =	vadd.s32 v8, v59;
	v41 =	vsel vm3, v57, v9;
	vm3 =	vgt.s32 v11, $0x5  }
0xed: {  	v22 =	vadd.f32 v50, v22;
	v50 =	vld [tilespmem:s2+$0xFFFFFF70];
	v60 =	vsel vm3, v58, v9;
	vm3 =	veq.f32 v39, $0.0e+00  }
0xee: {  	v19 =	vadd.f32 v61, v19;
	v62 =	vsel vm3, $0x0, v7;
	vm3 =	vgt.s32 v10, $0x5  }
0xef: {  	v61 =	vld [tilespmem:s2+$0xFFFFFD90];
	v21 =	vadd.f32 v36, v21;
	v27 =	vadd.f32 v53, v27;
	v49 =	vsel vm3, v63, v9  }
0xf0: {  	v23 =	vadd.f32 v51, v23;
	v26 =	vadd.f32 v52, v26;
	v38 =	vld.idx.msk [tilespmem:v38+s23+$0x0], $0xffff  }
0xf1: {  	v47 =	vadd.s32 $0x6, v17;
	v34 =	vadd.f32 v37, v34;
	v32 =	vadd.f32 v54, v32;
	v39 =	vld.idx.msk [tilespmem:v55+s23+$0x0], $0xffff  }
0xf2: {  	v24 =	vadd.f32 v56, v24;
	v57 =	vadd.s32 v8, v48;
	v58 =	vadd.s32 v8, v50;
	v52 =	vld.idx.msk [tilespmem:v41+s23+$0x0], $0xffff  }
0xf3: {  	v50 =	vadd.s32 $0x6, v15;
	vm3 =	veq.f32 v35, $0.0e+00;
	v28 =	vadd.f32 v62, v28;
	v37 =	vld.idx.msk [tilespmem:v60+s23+$0x0], $0xffff  }
0xf4: {  	v51 =	vsel vm3, $0x0, v7;
	vm3 =	veq.f32 v53, $0.0e+00;
	v55 =	vadd.s32 $0x6, v16;
	v36 =	vld.idx.msk [tilespmem:v49+s23+$0x0], $0xffff  }
0xf5: {  	v29 =	vadd.f32 v51, v29;
	v53 =	vsel vm3, $0x0, v7;
	vm3 =	veq.f32 v56, $0.0e+00  }
0xf6: {  	v30 =	vadd.f32 v53, v30;
	v54 =	vsel vm3, $0x0, v7;
	v53 =	vld [tilespmem:s2+$0xFFFFFDA0];
	vm3 =	veq.f32 v38, $0.0e+00  }
0xf7: {  	v56 =	vadd.s32 v8, v61;
	v59 =	vsel vm3, $0x0, v7;
	vm3 =	veq.f32 v52, $0.0e+00  }
0xf8: {  	v25 =	vadd.f32 v54, v25;
	v60 =	vsel vm3, $0x0, v7;
	vm3 =	veq.f32 v37, $0.0e+00  }
0xf9: {  	v62 =	vld.idx.msk [tilespmem:v57+s23+$0x0], $0xffff;
	v49 =	vadd.s32 $0x6, v14;
	v61 =	vsel vm3, $0x0, v7;
	vm3 =	veq.f32 v36, $0.0e+00  }
0xfa: {  	v51 =	vld [tilespmem:s2+$0xFFFFFCB0];
	v20 =	vadd.f32 v38, v20;
	v63 =	vsel vm3, $0x0, v7;
	vm3 =	vgt.s32 v13, $0x6  }
0xfb: {  	v48 =	vld.idx.msk [tilespmem:v58+s23+$0x0], $0xffff;
	v44 =	vadd.s32 v8, v53;
	v38 =	vsel vm3, v47, v9;
	vm3 =	vgt.s32 v12, $0x6  }
0xfc: {  	v58 =	vld [tilespmem:s2+$0xFFFFFF80];
	v31 =	vadd.f32 v39, v31;
	v41 =	vsel vm3, v49, v9;
	vm3 =	vgt.s32 v11, $0x6  }
0xfd: {  	v19 =	vadd.f32 v52, v19;
	v33 =	vld.idx.msk [tilespmem:v56+s23+$0x0], $0xffff;
	v52 =	vsel vm3, v50, v9;
	vm3 =	veq.f32 v39, $0.0e+00  }
0xfe: {  	v56 =	vld [tilespmem:s2+$0xFFFFFE90];
	v27 =	vadd.f32 v62, v27;
	v54 =	vsel vm3, $0x0, v7;
	vm3 =	vgt.s32 v10, $0x6  }
0xff: {  	v22 =	vadd.f32 v59, v22;
	v21 =	vadd.f32 v37, v21;
	v57 =	vsel vm3, v55, v9  }
0x100: {  	v24 =	vadd.f32 v48, v24;
	v23 =	vadd.f32 v60, v23;
	v35 =	vld.idx.msk [tilespmem:v44+s23+$0x0], $0xffff  }
0x101: {  	v53 =	vadd.s32 $0x7, v17;
	v26 =	vadd.f32 v61, v26;
	v34 =	vadd.f32 v36, v34;
	v38 =	vld.idx.msk [tilespmem:v38+s23+$0x0], $0xffff  }
0x102: {  	v32 =	vadd.f32 v63, v32;
	v18 =	vadd.f32 v33, v18;
	v63 =	vadd.s32 v8, v51;
	v60 =	vld.idx.msk [tilespmem:v41+s23+$0x0], $0xffff  }
0x103: {  	v46 =	vadd.s32 v8, v56;
	v47 =	vadd.s32 v8, v58;
	vm3 =	veq.f32 v33, $0.0e+00;
	v36 =	vld.idx.msk [tilespmem:v52+s23+$0x0], $0xffff  }
0x104: {  	v56 =	vadd.s32 $0x7, v15;
	v59 =	vsel vm3, $0x0, v7;
	vm3 =	veq.f32 v62, $0.0e+00;
	v37 =	vld.idx.msk [tilespmem:v57+s23+$0x0], $0xffff  }
0x105: {  	v28 =	vadd.f32 v54, v28;
	v61 =	vsel vm3, $0x0, v7;
	vm3 =	veq.f32 v48, $0.0e+00  }
0x106: {  	v55 =	vadd.s32 $0x7, v14;
	v62 =	vsel vm3, $0x0, v7;
	vm3 =	veq.f32 v38, $0.0e+00  }
0x107: {  	v29 =	vadd.f32 v59, v29;
	v57 =	vld [tilespmem:s2+$0xFFFFFCC0];
	v48 =	vsel vm3, $0x0, v7;
	vm3 =	veq.f32 v60, $0.0e+00  }
0x108: {  	v39 =	vld.idx.msk [tilespmem:v63+s23+$0x0], $0xffff;
	v18 =	vadd.f32 v35, v18;
	v49 =	vsel vm3, $0x0, v7;
	vm3 =	veq.f32 v36, $0.0e+00  }
0x109: {  	v25 =	vadd.f32 v62, v25;
	v62 =	vld [tilespmem:s2+$0xFFFFFEA0];
	v50 =	vsel vm3, $0x0, v7;
	vm3 =	veq.f32 v37, $0.0e+00  }
0x10a: {  	v51 =	vld.idx.msk [tilespmem:v46+s23+$0x0], $0xffff;
	v30 =	vadd.f32 v61, v30;
	v52 =	vsel vm3, $0x0, v7;
	vm3 =	vgt.s32 v13, $0x7  }
0x10b: {  	v54 =	vld.idx.msk [tilespmem:v47+s23+$0x0], $0xffff;
	v61 =	vadd.s32 $0x7, v16;
	v20 =	vadd.f32 v38, v20;
	v38 =	vsel vm3, v53, v9  }
0x10c: {  	v22 =	vadd.f32 v48, v22;
	v48 =	vld [tilespmem:s2+$0xFFFFFF90];
	vm3 =	vgt.s32 v12, $0x7;
	v53 =	vadd.s32 v8, v57  }
0x10d: {  	v31 =	vadd.f32 v39, v31;
	v41 =	vsel vm3, v55, v9;
	vm3 =	vgt.s32 v11, $0x7  }
0x10e: {  	v55 =	vadd.s32 v8, v62;
	v58 =	vsel vm3, v56, v9;
	vm3 =	veq.f32 v39, $0.0e+00  }
0x10f: {  	v59 =	vld [tilespmem:s2+$0xFFFFFDB0];
	v19 =	vadd.f32 v60, v19;
	v60 =	vsel vm3, $0x0, v7;
	vm3 =	vgt.s32 v10, $0x7  }
0x110: {  	v27 =	vadd.f32 v51, v27;
	v24 =	vadd.f32 v54, v24;
	v63 =	vsel vm3, v61, v9;
	v38 =	vld.idx.msk [tilespmem:v38+s23+$0x0], $0xffff  }
0x111: {  	v21 =	vadd.f32 v36, v21;
	v23 =	vadd.f32 v49, v23;
	v56 =	vadd.s32 v8, v48;
	v39 =	vld.idx.msk [tilespmem:v53+s23+$0x0], $0xffff  }
0x112: {  	v26 =	vadd.f32 v50, v26;
	v34 =	vadd.f32 v37, v34;
	v50 =	vld.idx.msk [tilespmem:v41+s23+$0x0], $0xffff  }
0x113: {  	v47 =	vadd.s32 $0x8, v14;
	v32 =	vadd.f32 v52, v32;
	v28 =	vadd.f32 v60, v28;
	v60 =	vld.idx.msk [tilespmem:v55+s23+$0x0], $0xffff  }
0x114: {  	v62 =	vadd.s32 $0x8, v17;
	v48 =	vadd.s32 $0x8, v15;
	vm3 =	veq.f32 v35, $0.0e+00;
	v37 =	vld.idx.msk [tilespmem:v58+s23+$0x0], $0xffff  }
0x115: {  	v49 =	vsel vm3, $0x0, v7;
	vm3 =	veq.f32 v51, $0.0e+00;
	v53 =	vadd.s32 $0x8, v16;
	v36 =	vld.idx.msk [tilespmem:v63+s23+$0x0], $0xffff  }
0x116: {  	v29 =	vadd.f32 v49, v29;
	v51 =	vsel vm3, $0x0, v7;
	vm3 =	veq.f32 v54, $0.0e+00;
	v63 =	vld.idx.msk [tilespmem:v56+s23+$0x0], $0xffff  }
0x117: {  	v54 =	vadd.s32 v8, v59;
	v30 =	vadd.f32 v51, v30;
	v52 =	vsel vm3, $0x0, v7;
	v56 =	vld [tilespmem:s2+$0xFFFFFFA0]  }
0x118: {  	v25 =	vadd.f32 v52, v25;
	vm3 =	veq.f32 v38, $0.0e+00;
	v20 =	vadd.f32 v38, v20  }
0x119: {  	v49 =	vld [tilespmem:s2+$0xFFFFFCD0];
	v31 =	vadd.f32 v39, v31;
	v57 =	vsel vm3, $0x0, v7;
	vm3 =	veq.f32 v50, $0.0e+00  }
0x11a: {  	v19 =	vadd.f32 v50, v19;
	v58 =	vsel vm3, $0x0, v7;
	vm3 =	veq.f32 v37, $0.0e+00  }
0x11b: {  	v27 =	vadd.f32 v60, v27;
	v59 =	vsel vm3, $0x0, v7;
	vm3 =	veq.f32 v36, $0.0e+00  }
0x11c: {  	v51 =	vld [tilespmem:s2+$0xFFFFFDC0];
	v44 =	vadd.s32 v8, v56;
	v61 =	vsel vm3, $0x0, v7;
	vm3 =	vgt.s32 v13, $0x8  }
0x11d: {  	v38 =	vsel vm3, v62, v9;
	vm3 =	vgt.s32 v12, $0x8;
	v32 =	vadd.f32 v61, v32  }
0x11e: {  	v33 =	vld.idx.msk [tilespmem:v54+s23+$0x0], $0xffff;
	v61 =	vadd.s32 v8, v49;
	v41 =	vsel vm3, v47, v9;
	vm3 =	vgt.s32 v11, $0x8  }
0x11f: {  	v22 =	vadd.f32 v57, v22;
	v50 =	vsel vm3, v48, v9;
	vm3 =	veq.f32 v39, $0.0e+00  }
0x120: {  	v54 =	vld [tilespmem:s2+$0xFFFFFEB0];
	v21 =	vadd.f32 v37, v21;
	v52 =	vsel vm3, $0x0, v7;
	vm3 =	vgt.s32 v10, $0x8  }
0x121: {  	v23 =	vadd.f32 v58, v23;
	v62 =	vadd.s32 v8, v51;
	v51 =	vld.idx.msk [tilespmem:v44+s23+$0x0], $0xffff;
	v55 =	vsel vm3, v53, v9  }
0x122: {  	v26 =	vadd.f32 v59, v26;
	v34 =	vadd.f32 v36, v34;
	v38 =	vld.idx.msk [tilespmem:v38+s23+$0x0], $0xffff  }
0x123: {  	v24 =	vadd.f32 v63, v24;
	v18 =	vadd.f32 v33, v18;
	v39 =	vld.idx.msk [tilespmem:v61+s23+$0x0], $0xffff  }
0x124: {  	vm3 =	veq.f32 v33, $0.0e+00;
	v28 =	vadd.f32 v52, v28;
	v52 =	vadd.s32 $0x9, v14;
	v58 =	vld.idx.msk [tilespmem:v41+s23+$0x0], $0xffff  }
0x125: {  	v53 =	vadd.s32 $0x9, v15;
	v57 =	vsel vm3, $0x0, v7;
	vm3 =	veq.f32 v60, $0.0e+00;
	v36 =	vld.idx.msk [tilespmem:v50+s23+$0x0], $0xffff  }
0x126: {  	v29 =	vadd.f32 v57, v29;
	v59 =	vsel vm3, $0x0, v7;
	vm3 =	veq.f32 v63, $0.0e+00;
	v37 =	vld.idx.msk [tilespmem:v55+s23+$0x0], $0xffff  }
0x127: {  	v63 =	vadd.s32 v8, v54;
	v30 =	vadd.f32 v59, v30;
	v60 =	vsel vm3, $0x0, v7  }
0x128: {  	v54 =	vld [tilespmem:s2+$0xFFFFFCE0];
	v50 =	vadd.s32 $0x9, v17;
	v25 =	vadd.f32 v60, v25;
	vm3 =	veq.f32 v38, $0.0e+00  }
0x129: {  	v35 =	vld.idx.msk [tilespmem:v62+s23+$0x0], $0xffff;
	v24 =	vadd.f32 v51, v24;
	v45 =	vsel vm3, $0x0, v7;
	vm3 =	veq.f32 v58, $0.0e+00  }
0x12a: {  	v20 =	vadd.f32 v38, v20;
	v46 =	vsel vm3, $0x0, v7;
	vm3 =	veq.f32 v36, $0.0e+00  }
0x12b: {  	v31 =	vadd.f32 v39, v31;
	v47 =	vsel vm3, $0x0, v7;
	vm3 =	veq.f32 v37, $0.0e+00  }
0x12c: {  	v26 =	vadd.f32 v47, v26;
	v49 =	vsel vm3, $0x0, v7;
	vm3 =	vgt.s32 v13, $0x9  }
0x12d: {  	v61 =	vld [tilespmem:s2+$0xFFFFFFB0];
	v47 =	vadd.s32 v8, v54;
	v38 =	vsel vm3, v50, v9;
	vm3 =	vgt.s32 v12, $0x9  }
0x12e: {  	v18 =	vadd.f32 v35, v18;
	v48 =	vld.idx.msk [tilespmem:v63+s23+$0x0], $0xffff;
	v41 =	vsel vm3, v52, v9;
	vm3 =	vgt.s32 v11, $0x9  }
0x12f: {  	v59 =	vld [tilespmem:s2+$0xFFFFFEC0];
	v19 =	vadd.f32 v58, v19;
	v55 =	vsel vm3, v53, v9;
	vm3 =	veq.f32 v39, $0.0e+00  }
0x130: {  	v58 =	vadd.s32 $0x9, v16;
	v57 =	vsel vm3, $0x0, v7;
	vm3 =	vgt.s32 v10, $0x9  }
0x131: {  	v56 =	vld [tilespmem:s2+$0xFFFFFDD0];
	v22 =	vadd.f32 v45, v22;
	v21 =	vadd.f32 v36, v21;
	v60 =	vsel vm3, v58, v9  }
0x132: {  	v23 =	vadd.f32 v46, v23;
	v34 =	vadd.f32 v37, v34;
	v39 =	vld.idx.msk [tilespmem:v47+s23+$0x0], $0xffff  }
0x133: {  	v32 =	vadd.f32 v49, v32;
	v27 =	vadd.f32 v48, v27;
	v38 =	vld.idx.msk [tilespmem:v38+s23+$0x0], $0xffff  }
0x134: {  	v49 =	vadd.s32 v8, v59;
	v50 =	vadd.s32 v8, v61;
	v59 =	vadd.s32 $0xA, v15;
	v63 =	vld.idx.msk [tilespmem:v41+s23+$0x0], $0xffff  }
0x135: {  	vm3 =	veq.f32 v35, $0.0e+00;
	v28 =	vadd.f32 v57, v28;
	v58 =	vadd.s32 $0xA, v14;
	v37 =	vld.idx.msk [tilespmem:v55+s23+$0x0], $0xffff  }
0x136: {  	v62 =	vsel vm3, $0x0, v7;
	vm3 =	veq.f32 v48, $0.0e+00;
	v48 =	vadd.s32 v8, v56;
	v36 =	vld.idx.msk [tilespmem:v60+s23+$0x0], $0xffff  }
0x137: {  	v56 =	vadd.s32 $0xA, v17;
	v41 =	vsel vm3, $0x0, v7;
	vm3 =	veq.f32 v51, $0.0e+00  }
0x138: {  	v29 =	vadd.f32 v62, v29;
	v44 =	vsel vm3, $0x0, v7;
	vm3 =	veq.f32 v38, $0.0e+00  }
0x139: {  	v54 =	vld.idx.msk [tilespmem:v49+s23+$0x0], $0xffff;
	v30 =	vadd.f32 v41, v30;
	v51 =	vsel vm3, $0x0, v7;
	vm3 =	veq.f32 v63, $0.0e+00  }
0x13a: {  	v57 =	vld.idx.msk [tilespmem:v50+s23+$0x0], $0xffff;
	v25 =	vadd.f32 v44, v25;
	v52 =	vsel vm3, $0x0, v7;
	vm3 =	veq.f32 v37, $0.0e+00  }
0x13b: {  	v31 =	vadd.f32 v39, v31;
	v53 =	vsel vm3, $0x0, v7;
	vm3 =	veq.f32 v36, $0.0e+00  }
0x13c: {  	v60 =	vld [tilespmem:s2+$0xFFFFFCF0];
	v20 =	vadd.f32 v38, v20;
	v55 =	vsel vm3, $0x0, v7;
	vm3 =	vgt.s32 v13, $0xA  }
0x13d: {  	v33 =	vld.idx.msk [tilespmem:v48+s23+$0x0], $0xffff;
	v48 =	vadd.s32 $0xA, v16;
	v38 =	vsel vm3, v56, v9;
	vm3 =	vgt.s32 v12, $0xA  }
0x13e: {  	v27 =	vadd.f32 v54, v27;
	v41 =	vsel vm3, v58, v9;
	vm3 =	vgt.s32 v11, $0xA  }
0x13f: {  	v62 =	vld [tilespmem:s2+$0xFFFFFDE0];
	v24 =	vadd.f32 v57, v24;
	v61 =	vsel vm3, v59, v9;
	vm3 =	veq.f32 v39, $0.0e+00  }
0x140: {  	v49 =	vld [tilespmem:s2+$0xFFFFFED0];
	v19 =	vadd.f32 v63, v19;
	v63 =	vsel vm3, $0x0, v7;
	vm3 =	vgt.s32 v10, $0xA  }
0x141: {  	v22 =	vadd.f32 v51, v22;
	v21 =	vadd.f32 v37, v21;
	v51 =	vld [tilespmem:s2+$0xFFFFFFC0];
	v50 =	vsel vm3, v48, v9  }
0x142: {  	v23 =	vadd.f32 v52, v23;
	v56 =	vadd.s32 v8, v60;
	vm3 =	veq.f32 v33, $0.0e+00  }
0x143: {  	v26 =	vadd.f32 v53, v26;
	v52 =	vsel vm3, $0x0, v7;
	v38 =	vld.idx.msk [tilespmem:v38+s23+$0x0], $0xffff;
	vm3 =	veq.f32 v54, $0.0e+00  }
0x144: {  	v53 =	vld.idx.msk [tilespmem:v41+s23+$0x0], $0xffff;
	v54 =	vsel vm3, $0x0, v7;
	vm3 =	veq.f32 v57, $0.0e+00;
	v57 =	vadd.s32 v8, v62  }
0x145: {  	v34 =	vadd.f32 v36, v34;
	v18 =	vadd.f32 v33, v18;
	v36 =	vld.idx.msk [tilespmem:v61+s23+$0x0], $0xffff  }
0x146: {  	v32 =	vadd.f32 v55, v32;
	v58 =	vadd.s32 v8, v49;
	v59 =	vadd.s32 v8, v51;
	v37 =	vld.idx.msk [tilespmem:v50+s23+$0x0], $0xffff  }
0x147: {  	v51 =	vadd.s32 $0xB, v15;
	v28 =	vadd.f32 v63, v28;
	v48 =	vadd.s32 $0xB, v17;
	v39 =	vld.idx.msk [tilespmem:v56+s23+$0x0], $0xffff  }
0x148: {  	v30 =	vadd.f32 v54, v30;
	v55 =	vsel vm3, $0x0, v7;
	v54 =	vld [tilespmem:s2+$0xFFFFFDF0];
	vm3 =	veq.f32 v38, $0.0e+00  }
0x149: {  	v56 =	vadd.s32 $0xB, v16;
	v60 =	vsel vm3, $0x0, v7;
	vm3 =	veq.f32 v53, $0.0e+00;
	v35 =	vld.idx.msk [tilespmem:v57+s23+$0x0], $0xffff  }
0x14a: {  	v29 =	vadd.f32 v52, v29;
	v57 =	vld [tilespmem:s2+$0xFFFFFEE0];
	v61 =	vsel vm3, $0x0, v7;
	vm3 =	veq.f32 v36, $0.0e+00  }
0x14b: {  	v33 =	vld.idx.msk [tilespmem:v58+s23+$0x0], $0xffff;
	v25 =	vadd.f32 v55, v25;
	v62 =	vsel vm3, $0x0, v7;
	vm3 =	veq.f32 v37, $0.0e+00  }
0x14c: {  	v50 =	vadd.s32 $0xB, v14;
	v63 =	vsel vm3, $0x0, v7;
	vm3 =	vgt.s32 v13, $0xB  }
0x14d: {  	v20 =	vadd.f32 v38, v20;
	v31 =	vadd.f32 v39, v31;
	v38 =	vsel vm3, v48, v9  }
0x14e: {  	v49 =	vld.idx.msk [tilespmem:v59+s23+$0x0], $0xffff;
	v19 =	vadd.f32 v53, v19;
	v44 =	vadd.s32 v8, v54;
	vm3 =	vgt.s32 v12, $0xB  }
0x14f: {  	v59 =	vld [tilespmem:s2+$0xFFFFFFD0];
	v46 =	vadd.s32 v8, v57;
	v41 =	vsel vm3, v50, v9;
	vm3 =	vgt.s32 v11, $0xB  }
0x150: {  	v52 =	vld [tilespmem:s2+$0xFFFFFD00];
	v27 =	vadd.f32 v33, v27;
	v53 =	vsel vm3, v51, v9;
	vm3 =	veq.f32 v39, $0.0e+00  }
0x151: {  	v22 =	vadd.f32 v60, v22;
	v55 =	vsel vm3, $0x0, v7;
	vm3 =	vgt.s32 v10, $0xB  }
0x152: {  	v21 =	vadd.f32 v36, v21;
	v58 =	vsel vm3, v56, v9;
	vm3 =	veq.f32 v35, $0.0e+00;
	v38 =	vld.idx.msk [tilespmem:v38+s23+$0x0], $0xffff  }
0x153: {  	v24 =	vadd.f32 v49, v24;
	v60 =	vsel vm3, $0x0, v7;
	vm3 =	veq.f32 v33, $0.0e+00;
	v33 =	vld.idx.msk [tilespmem:v44+s23+$0x0], $0xffff  }
0x154: {  	v47 =	vadd.s32 v8, v59;
	v23 =	vadd.f32 v61, v23;
	v26 =	vadd.f32 v62, v26;
	v51 =	vld.idx.msk [tilespmem:v46+s23+$0x0], $0xffff  }
0x155: {  	v34 =	vadd.f32 v37, v34;
	v32 =	vadd.f32 v63, v32;
	v63 =	vadd.s32 v8, v52;
	v61 =	vld.idx.msk [tilespmem:v41+s23+$0x0], $0xffff  }
0x156: {  	v59 =	vadd.s32 $0xC, v15;
	v18 =	vadd.f32 v35, v18;
	v28 =	vadd.f32 v55, v28;
	v37 =	vld.idx.msk [tilespmem:v53+s23+$0x0], $0xffff  }
0x157: {  	v55 =	vadd.s32 $0xC, v14;
	v46 =	vadd.s32 $0xC, v16;
	v62 =	vsel vm3, $0x0, v7;
	v36 =	vld.idx.msk [tilespmem:v58+s23+$0x0], $0xffff  }
0x158: {  	v29 =	vadd.f32 v60, v29;
	vm3 =	veq.f32 v49, $0.0e+00;
	v30 =	vadd.f32 v62, v30  }
0x159: {  	v57 =	vld [tilespmem:s2+$0xFFFFFD10];
	v43 =	vsel vm3, $0x0, v7;
	v53 =	vadd.s32 $0xC, v17;
	vm3 =	veq.f32 v38, $0.0e+00  }
0x15a: {  	v41 =	vld.idx.msk [tilespmem:v63+s23+$0x0], $0xffff;
	v25 =	vadd.f32 v43, v25;
	v48 =	vsel vm3, $0x0, v7;
	vm3 =	veq.f32 v61, $0.0e+00  }
0x15b: {  	v20 =	vadd.f32 v38, v20;
	v49 =	vsel vm3, $0x0, v7;
	vm3 =	veq.f32 v37, $0.0e+00  }
0x15c: {  	v54 =	vld.idx.msk [tilespmem:v47+s23+$0x0], $0xffff;
	v42 =	vadd.f32 v33, v18;
	v50 =	vsel vm3, $0x0, v7;
	vm3 =	veq.f32 v36, $0.0e+00  }
0x15d: {  	v60 =	vld [tilespmem:s2+$0xFFFFFE00];
	v22 =	vadd.f32 v48, v22;
	v52 =	vsel vm3, $0x0, v7;
	vm3 =	vgt.s32 v13, $0xC  }
0x15e: {  	v48 =	vadd.s32 v8, v57;
	v38 =	vsel vm3, v53, v9;
	vm3 =	vgt.s32 v12, $0xC  }
0x15f: {  	v62 =	vld [tilespmem:s2+$0xFFFFFEF0];
	v18 =	vadd.f32 v51, v27;
	v56 =	vsel vm3, v55, v9;
	vm3 =	veq.f32 v41, $0.0e+00  }
0x160: {  	v63 =	vld [tilespmem:s2+$0xFFFFFFE0];
	v35 =	vadd.f32 v61, v19;
	v58 =	vsel vm3, $0x0, v7;
	vm3 =	vgt.s32 v11, $0xC  }
0x161: {  	v31 =	vadd.f32 v41, v31;
	v19 =	vadd.f32 v54, v24;
	v61 =	vsel vm3, v59, v9  }
0x162: {  	v37 =	vadd.f32 v37, v21;
	v23 =	vadd.f32 v49, v23;
	v49 =	vadd.s32 v8, v60  }
0x163: {  	v60 =	vadd.s32 $0xD, v14;
	v26 =	vadd.f32 v50, v26;
	v34 =	vadd.f32 v36, v34;
	v27 =	vld.idx.msk [tilespmem:v48+s23+$0x0], $0xffff  }
0x164: {  	v32 =	vadd.f32 v52, v32;
	v52 =	vadd.s32 v8, v62;
	vm3 =	veq.f32 v33, $0.0e+00;
	v38 =	vld.idx.msk [tilespmem:v38+s23+$0x0], $0xffff  }
0x165: {  	v53 =	vadd.s32 v8, v63;
	v45 =	vsel vm3, $0x0, v7;
	vm3 =	vgt.s32 v10, $0xC;
	v36 =	vld.idx.msk [tilespmem:v56+s23+$0x0], $0xffff  }
0x166: {  	v48 =	vadd.s32 $0xD, v15;
	v28 =	vadd.f32 v58, v28;
	v43 =	vsel vm3, v46, v9;
	v50 =	vld.idx.msk [tilespmem:v61+s23+$0x0], $0xffff  }
0x167: {  	v59 =	vadd.s32 $0xD, v17;
	v29 =	vadd.f32 v45, v29;
	vm3 =	veq.f32 v51, $0.0e+00  }
0x168: {  	v62 =	vld [tilespmem:s2+$0xFFFFFE10];
	v47 =	vsel vm3, $0x0, v7;
	vm3 =	veq.f32 v54, $0.0e+00;
	v31 =	vadd.f32 v27, v31  }
0x169: {  	v57 =	vld.idx.msk [tilespmem:v49+s23+$0x0], $0xffff;
	v30 =	vadd.f32 v47, v30;
	v51 =	vsel vm3, $0x0, v7;
	vm3 =	veq.f32 v38, $0.0e+00  }
0x16a: {  	v39 =	vadd.f32 v51, v25;
	v61 =	vld [tilespmem:s2+$0xFFFFFD20];
	v55 =	vsel vm3, $0x0, v7;
	vm3 =	veq.f32 v36, $0.0e+00  }
0x16b: {  	v54 =	vld.idx.msk [tilespmem:v43+s23+$0x0], $0xffff;
	v20 =	vadd.f32 v38, v20;
	v56 =	vsel vm3, $0x0, v7;
	vm3 =	veq.f32 v50, $0.0e+00  }
0x16c: {  	v38 =	vadd.f32 v55, v22;
	v58 =	vsel vm3, $0x0, v7;
	vm3 =	vgt.s32 v13, $0xD  }
0x16d: {  	v24 =	vld.idx.msk [tilespmem:v53+s23+$0x0], $0xffff;
	v22 =	vadd.f32 v50, v37;
	v37 =	vsel vm3, v59, v9;
	vm3 =	vgt.s32 v12, $0xD  }
0x16e: {  	v47 =	vld [tilespmem:s2+$0xFFFFFF00];
	v43 =	vadd.s32 v8, v62;
	v21 =	vadd.f32 v36, v35;
	v40 =	vsel vm3, v60, v9  }
0x16f: {  	v62 =	vld [tilespmem:s2+$0xFFFFFD30];
	v35 =	vadd.f32 v57, v42;
	v36 =	vadd.f32 v56, v23;
	v50 =	vadd.s32 $0xD, v16  }
0x170: {  	v23 =	vld.idx.msk [tilespmem:v52+s23+$0x0], $0xffff;
	v53 =	vadd.s32 v8, v61;
	v61 =	vadd.s32 $0xE, v17;
	vm3 =	veq.f32 v54, $0.0e+00  }
0x171: {  	v52 =	vld [tilespmem:s2+$0xFFFFFFF0];
	v26 =	vadd.f32 v58, v26;
	v63 =	vsel vm3, $0x0, v7;
	vm3 =	vgt.s32 v11, $0xD  }
0x172: {  	v25 =	vadd.f32 v54, v34;
	v49 =	vsel vm3, v48, v9;
	vm3 =	vgt.s32 v10, $0xD;
	v37 =	vld.idx.msk [tilespmem:v37+s23+$0x0], $0xffff  }
0x173: {  	v58 =	vadd.s32 v8, v47;
	v51 =	vsel vm3, v50, v9;
	vm3 =	veq.f32 v27, $0.0e+00;
	v40 =	vld.idx.msk [tilespmem:v40+s23+$0x0], $0xffff  }
0x174: {  	v17 =	vadd.s32 v8, v62;
	v54 =	vsel vm3, $0x0, v7;
	vm3 =	veq.f32 v57, $0.0e+00  }
0x175: {  	v32 =	vadd.f32 v63, v32;
	v55 =	vsel vm3, $0x0, v7;
	vm3 =	veq.f32 v23, $0.0e+00  }
0x176: {  	v34 =	vadd.s32 v8, v52;
	v48 =	vld [tilespmem:s2+$0xFFFFFE20];
	v56 =	vsel vm3, $0x0, v7;
	vm3 =	veq.f32 v24, $0.0e+00  }
0x177: {  	v63 =	vadd.s32 $0xE, v14;
	v52 =	vld [tilespmem:s2+$0x0];
	v57 =	vsel vm3, $0x0, v7;
	vm3 =	veq.f32 v37, $0.0e+00  }
0x178: {  	v27 =	vld.idx.msk [tilespmem:v53+s23+$0x0], $0xffff;
	v28 =	vadd.f32 v54, v28;
	v59 =	vsel vm3, $0x0, v7;
	vm3 =	veq.f32 v40, $0.0e+00  }
0x179: {  	v29 =	vadd.f32 v55, v29;
	v44 =	vld.idx.msk [tilespmem:v49+s23+$0x0], $0xffff;
	v60 =	vsel vm3, $0x0, v7;
	vm3 =	vgt.s32 v13, $0xE  }
0x17a: {  	v30 =	vadd.f32 v56, v30;
	v33 =	vld.idx.msk [tilespmem:v51+s23+$0x0], $0xffff;
	v13 =	vsel vm3, v61, v9;
	vm3 =	vgt.s32 v12, $0xE  }
0x17b: {  	v49 =	vld [tilespmem:s2+$0xFFFFFF10];
	v12 =	vsel vm3, v63, v9;
	vm3 =	vgt.s32 v11, $0xE;
	v11 =	vadd.s32 $0xE, v15  }
0x17c: {  	v41 =	vld.idx.msk [tilespmem:v43+s23+$0x0], $0xffff;
	v11 =	vsel vm3, v11, v9;
	vm3 =	vgt.s32 v10, $0xE;
	v10 =	vadd.s32 $0xE, v16  }
0x17d: {  	v45 =	vld.idx.msk [tilespmem:v58+s23+$0x0], $0xffff;
	v14 =	vadd.s32 v8, v48;
	v42 =	vadd.s32 v8, v52;
	v10 =	vsel vm3, v10, v9  }
0x17e: {  	v39 =	vadd.f32 v57, v39;
	v50 =	vadd.f32 v59, v38;
	v16 =	vld.idx.msk [tilespmem:v34+s23+$0x0], $0xffff;
	vm3 =	veq.f32 v44, $0.0e+00  }
0x17f: {  	v36 =	vadd.f32 v60, v36;
	v51 =	vsel vm3, $0x0, v7;
	vm3 =	veq.f32 v33, $0.0e+00;
	v13 =	vld.idx.msk [tilespmem:v13+s23+$0x0], $0xffff  }
0x180: {  	v15 =	vadd.s32 v8, v49;
	v53 =	vsel vm3, $0x0, v7;
	vm3 =	veq.f32 v27, $0.0e+00;
	v12 =	vld.idx.msk [tilespmem:v12+s23+$0x0], $0xffff  }
0x181: {  	v26 =	vadd.f32 v51, v26;
	v54 =	vsel vm3, $0x0, v7;
	vm3 =	veq.f32 v41, $0.0e+00;
	v11 =	vld.idx.msk [tilespmem:v11+s23+$0x0], $0xffff  }
0x182: {  	v32 =	vadd.f32 v53, v32;
	v55 =	vsel vm3, $0x0, v7;
	vm3 =	veq.f32 v45, $0.0e+00;
	v10 =	vld.idx.msk [tilespmem:v10+s23+$0x0], $0xffff  }
0x183: {  	v17 =	vld.idx.msk [tilespmem:v17+s23+$0x0], $0xffff;
	v28 =	vadd.f32 v54, v28;
	v56 =	vsel vm3, $0x0, v7;
	vm3 =	veq.f32 v16, $0.0e+00  }
0x184: {  	v29 =	vadd.f32 v55, v29;
	v57 =	vsel vm3, $0x0, v7;
	vm3 =	veq.f32 v13, $0.0e+00  }
0x185: {  	v14 =	vld.idx.msk [tilespmem:v14+s23+$0x0], $0xffff;
	v30 =	vadd.f32 v56, v30;
	v58 =	vsel vm3, $0x0, v7;
	vm3 =	veq.f32 v12, $0.0e+00  }
0x186: {  	v39 =	vadd.f32 v57, v39;
	v59 =	vsel vm3, $0x0, v7;
	vm3 =	veq.f32 v11, $0.0e+00  }
0x187: {  	v15 =	vld.idx.msk [tilespmem:v15+s23+$0x0], $0xffff;
	v34 =	vadd.f32 v58, v50;
	v60 =	vsel vm3, $0x0, v7;
	vm3 =	veq.f32 v10, $0.0e+00  }
0x188: {  	v36 =	vadd.f32 v59, v36;
	v61 =	vsel vm3, $0x0, v7;
	vm3 =	veq.f32 v17, $0.0e+00  }
0x189: {  	v42 =	vld.idx.msk [tilespmem:v42+s23+$0x0], $0xffff;
	v26 =	vadd.f32 v60, v26;
	v34 =	vmax.f32 v34, $1.000000000e+00;
	v62 =	vsel vm3, $0x0, v7  }
0x18a: {  	vm3 =	veq.f32 v14, $0.0e+00;
	v32 =	vadd.f32 v61, v32;
	(erf) = vrcp.f32 v34  }
0x18b: {  	v36 =	vmax.f32 v36, $1.000000000e+00;
	v28 =	vadd.f32 v62, v28;
	v63 =	vsel vm3, $0x0, v7  }
0x18c: {  	vm3 =	veq.f32 v15, $0.0e+00;
	(erf) = vrcp.f32 v36;
	v26 =	vmax.f32 v26, $1.000000000e+00  }
0x18d: {  	v29 =	vadd.f32 v63, v29;
	v43 =	vsel vm3, $0x0, v7;
	(erf) = vrcp.f32 v26  }
0x18e: {  	vm3 =	veq.f32 v42, $0.0e+00;
	v46 =	vmax.f32 v32, $1.000000000e+00;
	v30 =	vadd.f32 v43, v30  }
0x18f: {  	v47 =	vsel vm3, $0x0, v7;
	(erf) = vrcp.f32 v46;
	v48 =	vmax.f32 v28, $1.000000000e+00  }
0x190: {  	v49 =	vadd.f32 v47, v39;
	(erf) = vrcp.f32 v48;
	v50 =	vmax.f32 v29, $1.000000000e+00  }
0x191: {  	v19 =	vadd.f32 v24, v19;
	(erf) = vrcp.f32 v50;
	v51 =	vmax.f32 v30, $1.000000000e+00  }
0x192: {  	v20 =	vadd.f32 v37, v20;
	(erf) = vrcp.f32 v51;
	v52 =	vmax.f32 v49, $1.000000000e+00  }
0x193: {  	v18 =	vadd.f32 v23, v18;
	v21 =	vadd.f32 v40, v21;
	(erf) = vrcp.f32 v52  }
0x194: {  	v22 =	vadd.f32 v44, v22;
	v13 =	vadd.f32 v13, v20  }
0x195: {  	v54 =	vadd.f32 v33, v25;
	v12 =	vadd.f32 v12, v21;
	v53 =	vpop (erf)  }
0x196: {  	v56 =	vadd.f32 v27, v31;
	v11 =	vadd.f32 v11, v22;
	v55 =	vpop (erf);
	v13 =	vmul.f32 v53, v13  }
0x197: {  	v58 =	vadd.f32 v41, v35;
	v10 =	vadd.f32 v10, v54;
	v57 =	vpop (erf);
	v12 =	vmul.f32 v55, v12  }
0x198: {  	v18 =	vadd.f32 v45, v18;
	v17 =	vadd.f32 v17, v56;
	v59 =	vpop (erf);
	[tilespmem:s31+$0xFFFFFFC0] =	vst v13;
	v11 =	vmul.f32 v57, v11  }
0x199: {  	v16 =	vadd.f32 v16, v19;
	v14 =	vadd.f32 v14, v58;
	v60 =	vpop (erf);
	[tilespmem:s31+$0xFFFFFFD0] =	vst v12;
	v10 =	vmul.f32 v59, v10  }
0x19a: {  	p0 =	sne.s32 s0, $0x600;
	v15 =	vadd.f32 v15, v18;
	v61 =	vpop (erf);
	[tilespmem:s31+$0xFFFFFFE0] =	vst v11;
	v11 =	vmul.f32 v60, v17  }
.Ltmp2:
0x19b: {  	v16 =	vadd.f32 v42, v16;
	v62 =	vpop (erf);
	[tilespmem:s31+$0xFFFFFFF0] =	vst v10;
	v10 =	vmul.f32 v61, v14;
	(pc) =	sbr.rel @p0 .LBB2_7-.Ltmp2, $4  }
0x19c: {  	[tilespmem:s31+$0x0] =	vst v11;
	v11 =	vmul.f32 v62, v15;
	v63 =	vpop (erf)  }
0x19d: {  	[tilespmem:s31+$0x10] =	vst v10;
	v10 =	vmul.f32 v63, v16  }
0x19e: {  	[tilespmem:s31+$0x20] =	vst v11  }
0x19f: {  	s0 =	sadd.s32 $0x200, s0;
	s2 =	sadd.s32 $0x780, s2;
	[tilespmem:s31+$0x30] =	vst v10;
	s31 =	sadd.s32 $0x400, s31  }
0x1a0: {  	p0 =	sgt.u32 s28, $0x1D  }
0x1a1: {  	s0 =	sadd.s32 @!p0 s28, s17  }
0x1a2: {  	s2 =	sshll.u32 @!p0 s0, $0xD  }
0x1a3: {  	s3 =	sadd.s32 $0x1, s29;
	s0 =	sshll.u32 @!p0 s0, $0x7;
	s2 =	sand.u32 @!p0 $0xF0000, s2  }
0x1a4: {  	s29 =	smulhi.u32 $0x66666667, s3;
	s0 =	sand.u32 @!p0 $0x380, s0;
	s2 =	sadd.s32 @!p0 s4, s2  }
0x1a5: {  	s31 =	simm.s32 @!p0 $0x80;
	s7 =	simm.s32 @!p0 $0x400;
	s0 =	sor.u32 @!p0 s0, s2  }
0x1a6: {  	s2 =	sadd.s32 @!p0 $0x5400, s30;
	s30 =	sshra.s32 s3, $0x1F;
	s0 =	sshrl.u32 @!p0 s0, $0x3  }
0x1a7: {  	s28 =	sadd.s32 $0x1, s28;
	s30 =	smul.u32 $0x66666667, s30;
	s0 =	sadd.s32 @!p0 s1, s0  }
0x1a8: {  	[tilespmem:s2], [sflag:$0x1] =	stream.strided.gather @!p0 [hbm4b:s0+s31], $0x2000, s7, s31, $0x38;
	[tilespmem:$0x1B700] =	vst v63  }
0x1a9: {  	s30 =	sadd.s32 s30, s29;
	p0 =	sne.s32 s28, $0x28  }
.Ltmp3:
0x1aa: {  	s31 =	sshrl.u32 s30, $0x1F;
	s0 =	sshra.s32 s30, $0x2;
	(pc) =	sbr.rel @p0 .LBB2_6-.Ltmp3, $3  }
0x1ab: {  	s0 =	sadd.s32 s31, s0  }
0x1ac: {  	s0 =	smul.u32 $0xA, s0;
	_ =	sdelay $0x1  }
0x1ad: {  	s26 =	sadd.s32 $0x200, s26;
	s25 =	sadd.s32 $0x1, s25;
	s29 =	ssub.s32 s3, s0  }
0x1ae: {  	s24 =	sadd.s32 $0x1, s24  }
0x1af: {  	p0 =	sne.s32 s24, s19  }
.Ltmp4:
0x1b0: {  	s3 =	simm.s32 $0x0;
	(pc) =	sbr.rel @p0 .LBB2_1-.Ltmp4, $4  }
0x1b1: {  	[hbm4b:s18+s3] =	stream.linear.scatter [tilespmem:s21], [sflag:$0x2], $0x5000, $0x38;
	[tilespmem:$0x1B700] =	vst v63  }
0x1b2: {  	_ =	swait.ge [sflag:s22], $0x5000  }
0x1b3: {  	[sflag:s22] =	ssyncset.done $0x0  }
0x1b4: {  	[sflag:s22] =	ssyncadd.s32 $0xFFFFB000  }
0x1b5: {  	_ =	sfence.sel $0x180000  }
0x1b6: {  	[bflag:$0x0] =	sbarrier.arrive $0xFFFF  }
0x1b7: {  	_ =	strace $0x90000047  }
0x1b8: {  	s0 =	stileid.u32;
	[bflag:$0x2] =	sbarrier.arrive $0xFFFF  }
0x1b9: {  	p0 =	sne.s32 s0, $0x0;
	s0 =	rddreg [dreg:$0x3]  }
0x1ba: {  	s0 =	sadd.s32 @!p0 $0x100000, s0  }
0x1bb: {  	[sflag:s0] =	ssyncadd.tile.s32 @!p0 $0x1;
	_ =	shalt  }
.Lfunc_end2:
_tile_overlayer_lowered:
.L_overlay_start_2:
0x1bc: {  	(tag) =	ssettag $0x2  }
0x1bd: {  	s0 =	rddreg [dreg:$0x0];
	s2 =	stileid.u32  }
0x1be: {  	s1 =	rddreg [dreg:$0x1];
	p0 =	sne.s32 s2, $0x0  }
0x1bf: {  	s3 =	rddreg [dreg:$0x2];
	[bflag:$0x3] =	sbarrier.arrive $0xFFFF;
	s2 =	simm.s32 @!p0 $0x1C02  }
0x1c0: {  	[timem:s3], [sflag:s2] =	dma.local @!p0 [hbm:s0], s1  }
0x1c1: {  	s0 =	simm.s32 @!p0 $0x2  }
0x1c2: {  	_ =	swait.ge @!p0 [sflag:s0], s1  }
0x1c3: {  	s1 =	ssub.s32 @!p0 $0x0, s1;
	[sflag:s0] =	ssyncset.done @!p0 $0x0  }
0x1c4: {  	[sflag:s0] =	ssyncadd.s32 @!p0 s1  }
0x1c5: {  	[bflag:$0x3] =	sbarrier.arrive $0xFFFF  }
0x1c6: {  	_ =	shalt  }

</sc_bundles>
